<compile_context>
chip_gen: v7x
topology: tpu7x:2x2x1
jax: 0.10.2.dev20260603
libtpu: 0.0.44.dev20260713+nightly
codegen_flags: <defaults>
</compile_context>

<pallas_src>
import functools

import jax
import jax.numpy as jnp
from jax import lax
from jax.experimental import pallas as pl
from jax.experimental.pallas import tpu as pltpu
from jax.experimental.pallas import tpu_sc as plsc

_N, _E, _D = 10000, 320000, 128
_NW = 32
_C = 128
_K = 80
_K0 = 148
_K1 = 12
_EPAD = _NW * _K * _C
_NACC = 10240
_RPS = _NACC // 16
_BLK = 1280
_GRID = _NACC // _BLK

_mesh = plsc.VectorSubcoreMesh(core_axis_name="c", subcore_axis_name="s")


def _sc_degree(dst_r, ones_d, zeros_d):

    @functools.partial(
        pl.kernel,
        mesh=_mesh,
        out_type=jax.ShapeDtypeStruct((2 * _NACC, _D), jnp.float32),
        scratch_types=[
            pltpu.VMEM((_K, _C), jnp.int32),
            pltpu.VMEM((_C, _D), jnp.float32),
            pltpu.VMEM_SHARED((_NACC, _D), jnp.float32),
            pltpu.SemaphoreType.DMA,
        ],
    )
    def run(dst_hbm, ones_hbm, zeros_hbm, out_hbm, dst_v, ones_v, dacc, sem):
        c = lax.axis_index("c")
        s = lax.axis_index("s")
        wid = c * 16 + s
        pltpu.async_copy(dst_hbm.at[wid], dst_v, sem).wait()
        pltpu.async_copy(ones_hbm, ones_v, sem).wait()
        pltpu.async_copy(zeros_hbm, dacc.at[pl.ds(s * _RPS, _RPS)], sem).wait()
        plsc.subcore_barrier()

        @pl.loop(0, _K)
        def _(j):
            pltpu.sync_copy(ones_v, dacc.at[dst_v.at[j]], add=True)

        plsc.subcore_barrier()
        pltpu.async_copy(
            dacc.at[pl.ds(s * _RPS, _RPS)],
            out_hbm.at[pl.ds(c * _NACC + s * _RPS, _RPS)],
            sem,
        ).wait()

    return run(dst_r, ones_d, zeros_d)


def _sc_scatter(hp, e_r, zeros_d):

    @functools.partial(
        pl.kernel,
        mesh=_mesh,
        out_type=jax.ShapeDtypeStruct((2 * _NACC, _D), jnp.float32),
        scratch_types=[
            pltpu.VMEM((2, _C), jnp.int32),
            pltpu.VMEM((2, _C), jnp.int32),
            pltpu.VMEM((_C, _D), jnp.float32),
            pltpu.VMEM((_C, _D), jnp.float32),
            pltpu.VMEM_SHARED((_NACC, _D), jnp.float32),
            pltpu.SemaphoreType.DMA,
            pltpu.SemaphoreType.DMA,
            pltpu.SemaphoreType.DMA,
            pltpu.SemaphoreType.DMA,
            pltpu.SemaphoreType.DMA,
        ],
    )
    def run(hp_hbm, e_hbm, zeros_hbm, out_hbm,
            ixa, ixb, rows0, rows1, acc, gsem0, gsem1, isema, isemb, zsem):
        c = lax.axis_index("c")
        s = lax.axis_index("s")
        base = jnp.where(c == 0, s * _K0, 16 * _K0 + s * _K1)
        k_half = jnp.where(c == 0, _K0 // 2, _K1 // 2)
        pltpu.async_copy(zeros_hbm, acc.at[pl.ds(s * _RPS, _RPS)], zsem)
        pltpu.async_copy(e_hbm.at[base], ixa, isema).wait()
        pltpu.async_copy(e_hbm.at[base + 1], ixb, isemb)
        pltpu.make_async_copy(zeros_hbm, acc.at[pl.ds(s * _RPS, _RPS)], zsem).wait()
        plsc.subcore_barrier()

        pltpu.async_copy(hp_hbm.at[ixa.at[0]], rows0, gsem0)

        @pl.loop(0, k_half)
        def _(t):
            j0 = base + 2 * t
            pltpu.make_async_copy(hp_hbm.at[ixa.at[0]], rows0, gsem0).wait()
            pltpu.make_async_copy(e_hbm.at[j0 + 1], ixb, isemb).wait()
            pltpu.async_copy(hp_hbm.at[ixb.at[0]], rows1, gsem1)
            pltpu.sync_copy(rows0, acc.at[ixa.at[1]], add=True)

            @pl.when(t < k_half - 1)
            def _():
                ia = pltpu.async_copy(e_hbm.at[j0 + 2], ixa, isema)
                pltpu.make_async_copy(hp_hbm.at[ixb.at[0]], rows1, gsem1).wait()
                ia.wait()
                pltpu.async_copy(hp_hbm.at[ixa.at[0]], rows0, gsem0)
                pltpu.sync_copy(rows1, acc.at[ixb.at[1]], add=True)
                pltpu.async_copy(e_hbm.at[j0 + 3], ixb, isemb)

            @pl.when(t == k_half - 1)
            def _():
                pltpu.make_async_copy(hp_hbm.at[ixb.at[0]], rows1, gsem1).wait()
                pltpu.sync_copy(rows1, acc.at[ixb.at[1]], add=True)

        plsc.subcore_barrier()
        pltpu.async_copy(
            acc.at[pl.ds(s * _RPS, _RPS)],
            out_hbm.at[pl.ds(c * _NACC + s * _RPS, _RPS)],
            gsem0,
        ).wait()

    return run(hp, e_r, zeros_d)


def _dot(a, b):
    return jax.lax.dot_general(
        a, b, (((1,), (0,)), ((), ())),
        preferred_element_type=jnp.float32,
        precision=None,
    )


def _tc_encode(xp, W_enc, b_enc):

    def body(x_ref, w_ref, b_ref, o_ref):
        o_ref[...] = _dot(x_ref[...], w_ref[...]) + b_ref[...]

    return pl.pallas_call(
        body,
        grid=(_GRID,),
        in_specs=[
            pl.BlockSpec((_BLK, _D), lambda i: (i, 0)),
            pl.BlockSpec((_D, _D), lambda i: (0, 0)),
            pl.BlockSpec((1, _D), lambda i: (0, 0)),
        ],
        out_specs=pl.BlockSpec((_BLK, _D), lambda i: (i, 0)),
        out_shape=jax.ShapeDtypeStruct((_NACC, _D), jnp.float32),
    )(xp, W_enc, b_enc)


def _tc_prescale(henc, degp, W0):

    def body(h_ref, d_ref, w_ref, hp_ref, dinv_ref):
        deg = d_ref[0, :, 0:1] + d_ref[1, :, 0:1] + 1.0
        dinv = lax.rsqrt(jnp.maximum(deg, 1.0))
        dinv_ref[...] = dinv
        hp_ref[...] = dinv * _dot(h_ref[...], w_ref[...])

    return pl.pallas_call(
        body,
        grid=(_GRID,),
        in_specs=[
            pl.BlockSpec((_BLK, _D), lambda i: (i, 0)),
            pl.BlockSpec((2, _BLK, _D), lambda i: (0, i, 0)),
            pl.BlockSpec((_D, _D), lambda i: (0, 0)),
        ],
        out_specs=[
            pl.BlockSpec((_BLK, _D), lambda i: (i, 0)),
            pl.BlockSpec((_BLK, 1), lambda i: (i, 0)),
        ],
        out_shape=[
            jax.ShapeDtypeStruct((_NACC, _D), jnp.float32),
            jax.ShapeDtypeStruct((_NACC, 1), jnp.float32),
        ],
    )(henc, degp, W0)


def _tc_layer(parts, hp, dinv, b, W_next):

    def body(p_ref, hp_ref, dinv_ref, b_ref, w_ref, o_ref):
        dinv = dinv_ref[...]
        z = dinv * (p_ref[0] + p_ref[1] + hp_ref[...]) + b_ref[...]
        a = jnp.maximum(z, 0.0)
        o_ref[...] = dinv * _dot(a, w_ref[...])

    return pl.pallas_call(
        body,
        grid=(_GRID,),
        in_specs=[
            pl.BlockSpec((2, _BLK, _D), lambda i: (0, i, 0)),
            pl.BlockSpec((_BLK, _D), lambda i: (i, 0)),
            pl.BlockSpec((_BLK, 1), lambda i: (i, 0)),
            pl.BlockSpec((1, _D), lambda i: (0, 0)),
            pl.BlockSpec((_D, _D), lambda i: (0, 0)),
        ],
        out_specs=pl.BlockSpec((_BLK, _D), lambda i: (i, 0)),
        out_shape=jax.ShapeDtypeStruct((_NACC, _D), jnp.float32),
    )(parts, hp, dinv, b, W_next)


def _tc_readout(parts, hp, dinv, b2, Wr0, br0, Wr1, br1, Wr2, br2):

    def body(p_ref, hp_ref, dinv_ref, b2_ref,
             w0_ref, c0_ref, w1_ref, c1_ref, w2_ref, c2_ref, o_ref):
        z = dinv_ref[...] * (p_ref[0] + p_ref[1] + hp_ref[...]) + b2_ref[...]
        y = jnp.maximum(_dot(z, w0_ref[...]) + c0_ref[...], 0.0)
        y = jnp.maximum(_dot(y, w1_ref[...]) + c1_ref[...], 0.0)
        o_ref[...] = _dot(y, w2_ref[...]) + c2_ref[...]

    return pl.pallas_call(
        body,
        grid=(_GRID,),
        in_specs=[
            pl.BlockSpec((2, _BLK, _D), lambda i: (0, i, 0)),
            pl.BlockSpec((_BLK, _D), lambda i: (i, 0)),
            pl.BlockSpec((_BLK, 1), lambda i: (i, 0)),
            pl.BlockSpec((1, _D), lambda i: (0, 0)),
            pl.BlockSpec((_D, 64), lambda i: (0, 0)),
            pl.BlockSpec((1, 64), lambda i: (0, 0)),
            pl.BlockSpec((64, 32), lambda i: (0, 0)),
            pl.BlockSpec((1, 32), lambda i: (0, 0)),
            pl.BlockSpec((32, 1), lambda i: (0, 0)),
            pl.BlockSpec((1, 1), lambda i: (0, 0)),
        ],
        out_specs=pl.BlockSpec((_BLK, 1), lambda i: (i, 0)),
        out_shape=jax.ShapeDtypeStruct((_NACC, 1), jnp.float32),
    )(parts, hp, dinv, b2, Wr0, br0, Wr1, br1, Wr2, br2)


def kernel(x, edge_index, W_enc, b_enc, W0, b0, W1, b1, W2, b2,
           Wr0, br0, Wr1, br1, Wr2, br2):
    pad_e = _EPAD - _E
    src_r = jnp.pad(edge_index[0], (0, pad_e), constant_values=_N)
    src_r = src_r.reshape(_NW, _K, _C)
    dst_r = jnp.pad(edge_index[1], (0, pad_e), constant_values=_N)
    dst_r = dst_r.reshape(_NW, _K, _C)
    e_r = jnp.stack((src_r, dst_r), axis=2).reshape(_NW * _K, 2, _C)
    xp = jnp.pad(x, ((0, _NACC - _N), (0, 0)))

    ones_d = jnp.ones((_C, _D), jnp.float32)
    zeros_d = jnp.zeros((_RPS, _D), jnp.float32)

    b_enc2 = b_enc.reshape(1, _D)
    b0_2, b1_2, b2_2 = b0.reshape(1, _D), b1.reshape(1, _D), b2.reshape(1, _D)
    br0_2, br1_2, br2_2 = br0.reshape(1, 64), br1.reshape(1, 32), br2.reshape(1, 1)

    degp = _sc_degree(dst_r, ones_d, zeros_d).reshape(2, _NACC, _D)
    henc = _tc_encode(xp, W_enc, b_enc2)

    hp0, dinv = _tc_prescale(henc, degp, W0)

    p0 = _sc_scatter(hp0, e_r, zeros_d).reshape(2, _NACC, _D)
    hp1 = _tc_layer(p0, hp0, dinv, b0_2, W1)

    p1 = _sc_scatter(hp1, e_r, zeros_d).reshape(2, _NACC, _D)
    hp2 = _tc_layer(p1, hp1, dinv, b1_2, W2)

    p2 = _sc_scatter(hp2, e_r, zeros_d).reshape(2, _NACC, _D)
    y = _tc_readout(p2, hp2, dinv, b2_2, Wr0, br0_2, Wr1, br1_2, Wr2, br2_2)

    return y[:_N]

# --- scband reference (transcript-rebuilt; emitter-appended) ---
"""Pipeline reference for scband-gcn-46179488367199 (READ-ONLY COPY).

The authoritative reference and input builder live on the scoring server;
editing this copy changes nothing except your own understanding.
"""

import jax, jax.numpy as jnp
import numpy as np

N, E, D = 10000, 320000, 128


def _glorot(key, shape):
    fan_in = shape[0]
    return jax.random.normal(key, shape, dtype=jnp.float32) * (1.0 / np.sqrt(fan_in))


def setup_inputs(seed: int = 0) -> dict:
    key = jax.random.key(seed)
    ks = jax.random.split(key, 20)
    x = jax.random.normal(ks[0], (N, D), dtype=jnp.float32)
    edge_index = jax.random.randint(ks[1], (2, E), 0, N, dtype=jnp.int32)
    inp = {"x": x, "edge_index": edge_index}
    # feature encoder Linear(128 -> 128)
    inp["W_enc"] = _glorot(ks[2], (D, 128))
    inp["b_enc"] = jnp.zeros((128,), jnp.float32)
    # 3 GCNConv layers 128 -> 128
    inp["W0"] = _glorot(ks[3], (128, 128)); inp["b0"] = jnp.zeros((128,), jnp.float32)
    inp["W1"] = _glorot(ks[4], (128, 128)); inp["b1"] = jnp.zeros((128,), jnp.float32)
    inp["W2"] = _glorot(ks[5], (128, 128)); inp["b2"] = jnp.zeros((128,), jnp.float32)
    # MLPReadout(128 -> 1, L=2): 128->64, 64->32, 32->1
    inp["Wr0"] = _glorot(ks[6], (128, 64)); inp["br0"] = jnp.zeros((64,), jnp.float32)
    inp["Wr1"] = _glorot(ks[7], (64, 32)); inp["br1"] = jnp.zeros((32,), jnp.float32)
    inp["Wr2"] = _glorot(ks[8], (32, 1)); inp["br2"] = jnp.zeros((1,), jnp.float32)
    return inp


def gcn_conv(x, edge_index, W, b):
    n = x.shape[0]
    loop = jnp.arange(n, dtype=edge_index.dtype)
    src = jnp.concatenate([edge_index[0], loop])
    dst = jnp.concatenate([edge_index[1], loop])
    deg = jnp.zeros((n,), x.dtype).at[dst].add(1.0)
    dinv = jax.lax.rsqrt(jnp.maximum(deg, 1.0))
    norm = dinv[src] * dinv[dst]
    h = x @ W
    msg = h[src] * norm[:, None]
    out = jnp.zeros((n, h.shape[1]), h.dtype).at[dst].add(msg)
    return out + b


def reference(x, edge_index, W_enc, b_enc, W0, b0, W1, b1, W2, b2, Wr0, br0, Wr1, br1, Wr2, br2):
    h = x @ W_enc + b_enc
    # layer 0
    h = gcn_conv(h, edge_index, W0, b0)
    h = jax.nn.relu(h)  # dropout is identity in eval mode
    # layer 1
    h = gcn_conv(h, edge_index, W1, b1)
    h = jax.nn.relu(h)
    # layer 2 (last: no relu/dropout)
    h = gcn_conv(h, edge_index, W2, b2)
    # MLPReadout
    y = jax.nn.relu(h @ Wr0 + br0)
    y = jax.nn.relu(y @ Wr1 + br1)
    y = y @ Wr2 + br2
    return y

if __name__ == "__main__":
    import jax
    _d = setup_inputs()
    print(jax.jit(kernel)(*tuple(_d.values())))

</pallas_src>

<mosaic_0001>
#map = affine_map<(d0, d1) -> (0, 0)>
#map1 = affine_map<(d0, d1) -> (0, 0, 0)>
module attributes {stable_mosaic.version = 14 : i64} {
  func.func @run(%arg0: i32, %arg1: i32, %arg2: memref<10240x128xf32, #tpu.memory_space<hbm>>, %arg3: memref<2560x2x128xi32, #tpu.memory_space<hbm>>, %arg4: memref<640x128xf32, #tpu.memory_space<hbm>>, %arg5: memref<20480x128xf32, #tpu.memory_space<hbm>>, %arg6: memref<2x128xi32, #tpu.memory_space<vmem>>, %arg7: memref<2x128xi32, #tpu.memory_space<vmem>>, %arg8: memref<128x128xf32, #tpu.memory_space<vmem>>, %arg9: memref<128x128xf32, #tpu.memory_space<vmem>>, %arg10: memref<10240x128xf32, #tpu.memory_space<vmem_shared>>, %arg11: memref<!tpu.dma_semaphore, #tpu.memory_space<semaphore_mem>>, %arg12: memref<!tpu.dma_semaphore, #tpu.memory_space<semaphore_mem>>, %arg13: memref<!tpu.dma_semaphore, #tpu.memory_space<semaphore_mem>>, %arg14: memref<!tpu.dma_semaphore, #tpu.memory_space<semaphore_mem>>, %arg15: memref<!tpu.dma_semaphore, #tpu.memory_space<semaphore_mem>>) attributes {dimension_semantics = [#tpu.dimension_semantics<core_parallel>, #tpu.dimension_semantics<subcore_parallel>], iteration_bounds = array<i64: 2, 16>, scalar_prefetch = 0 : i64, scratch_operands = 10 : i64, tpu.core_type = #tpu.core_type<sc_vector_subcore>, window_params = [{transform_indices = #map}, {transform_indices = #map1}, {transform_indices = #map}, {transform_indices = #map}]} {
    %eq3A = arith.constant 0 : i32
    %eq3A_0 = arith.cmpi eq, %arg0, %eq3A : i32
    %mul3A = arith.constant 148 : i32
    %mul3A_1 = arith.muli %arg1, %mul3A : i32
    %mul3A_2 = arith.constant 12 : i32
    %mul3A_3 = arith.muli %arg1, %mul3A_2 : i32
    %add3A = arith.constant 2368 : i32
    %add3A_4 = arith.addi %add3A, %mul3A_3 : i32
    %select_n3A = arith.select %eq3A_0, %mul3A_1, %add3A_4 : i32
    %eq3A_5 = arith.constant 0 : i32
    %eq3A_6 = arith.cmpi eq, %arg0, %eq3A_5 : i32
    %jit3A = arith.constant 74 : i32
    %jit3A_7 = arith.constant 6 : i32
    %select_n3A_8 = arith.select %eq3A_6, %jit3A, %jit3A_7 : i32
    %mul3A_9 = arith.constant 640 : i32
    %mul3A_10 = arith.muli %arg1, %mul3A_9 : i32
    %dma_start3A = arith.constant 0 : i32
    %dma_start3A_11 = tpu.memref_slice %arg10[%mul3A_10, %dma_start3A] : memref<10240x128xf32, #tpu.memory_space<vmem_shared>> -> memref<640x128xf32, #tpu.memory_space<vmem_shared>>
    tpu.enqueue_dma source(%arg4 : memref<640x128xf32, #tpu.memory_space<hbm>>) target(%dma_start3A_11 : memref<640x128xf32, #tpu.memory_space<vmem_shared>>) target_semaphore(%arg15 : memref<!tpu.dma_semaphore, #tpu.memory_space<semaphore_mem>>)
    %dma_start3A_12 = arith.constant 0 : i32
    %dma_start3A_13 = arith.constant 0 : i32
    %dma_start3A_14 = tpu.memref_slice %arg3[%select_n3A, %dma_start3A_12, %dma_start3A_13] : memref<2560x2x128xi32, #tpu.memory_space<hbm>> -> memref<1x2x128xi32, #tpu.memory_space<hbm>>
    %dma_start3A_15 = tpu.memref_squeeze %dma_start3A_14 : memref<1x2x128xi32, #tpu.memory_space<hbm>> -> memref<2x128xi32, #tpu.memory_space<hbm>>
    %dma_start3A_16 = arith.constant 0 : i32
    %dma_start3A_17 = arith.constant 0 : i32
    %dma_start3A_18 = tpu.memref_slice %arg3[%select_n3A, %dma_start3A_16, %dma_start3A_17] : memref<2560x2x128xi32, #tpu.memory_space<hbm>> -> memref<1x2x128xi32, #tpu.memory_space<hbm>>
    %dma_start3A_19 = tpu.memref_squeeze %dma_start3A_18 : memref<1x2x128xi32, #tpu.memory_space<hbm>> -> memref<2x128xi32, #tpu.memory_space<hbm>>
    tpu.enqueue_dma source(%dma_start3A_19 : memref<2x128xi32, #tpu.memory_space<hbm>>) target(%arg6 : memref<2x128xi32, #tpu.memory_space<vmem>>) target_semaphore(%arg13 : memref<!tpu.dma_semaphore, #tpu.memory_space<semaphore_mem>>)
    %dma_wait3A = arith.constant 0 : i32
    %dma_wait3A_20 = arith.constant 0 : i32
    %dma_wait3A_21 = tpu.memref_slice %arg3[%select_n3A, %dma_wait3A, %dma_wait3A_20] : memref<2560x2x128xi32, #tpu.memory_space<hbm>> -> memref<1x2x128xi32, #tpu.memory_space<hbm>>
    %dma_wait3A_22 = tpu.memref_squeeze %dma_wait3A_21 : memref<1x2x128xi32, #tpu.memory_space<hbm>> -> memref<2x128xi32, #tpu.memory_space<hbm>>
    %dma_wait3A_23 = arith.constant 0 : i32
    %dma_wait3A_24 = arith.constant 0 : i32
    %dma_wait3A_25 = tpu.memref_slice %arg3[%select_n3A, %dma_wait3A_23, %dma_wait3A_24] : memref<2560x2x128xi32, #tpu.memory_space<hbm>> -> memref<1x2x128xi32, #tpu.memory_space<hbm>>
    %dma_wait3A_26 = tpu.memref_squeeze %dma_wait3A_25 : memref<1x2x128xi32, #tpu.memory_space<hbm>> -> memref<2x128xi32, #tpu.memory_space<hbm>>
    tpu.wait_dma2 semaphore(%arg13 : memref<!tpu.dma_semaphore, #tpu.memory_space<semaphore_mem>>) src(%dma_wait3A_26 : memref<2x128xi32, #tpu.memory_space<hbm>>) dst(%arg6 : memref<2x128xi32, #tpu.memory_space<vmem>>)
    %add3A_27 = arith.constant 1 : i32
    %add3A_28 = arith.addi %select_n3A, %add3A_27 : i32
    %dma_start3A_29 = arith.constant 0 : i32
    %dma_start3A_30 = arith.constant 0 : i32
    %dma_start3A_31 = tpu.memref_slice %arg3[%add3A_28, %dma_start3A_29, %dma_start3A_30] : memref<2560x2x128xi32, #tpu.memory_space<hbm>> -> memref<1x2x128xi32, #tpu.memory_space<hbm>>
    %dma_start3A_32 = tpu.memref_squeeze %dma_start3A_31 : memref<1x2x128xi32, #tpu.memory_space<hbm>> -> memref<2x128xi32, #tpu.memory_space<hbm>>
    %dma_start3A_33 = arith.constant 0 : i32
    %dma_start3A_34 = arith.constant 0 : i32
    %dma_start3A_35 = tpu.memref_slice %arg3[%add3A_28, %dma_start3A_33, %dma_start3A_34] : memref<2560x2x128xi32, #tpu.memory_space<hbm>> -> memref<1x2x128xi32, #tpu.memory_space<hbm>>
    %dma_start3A_36 = tpu.memref_squeeze %dma_start3A_35 : memref<1x2x128xi32, #tpu.memory_space<hbm>> -> memref<2x128xi32, #tpu.memory_space<hbm>>
    tpu.enqueue_dma source(%dma_start3A_36 : memref<2x128xi32, #tpu.memory_space<hbm>>) target(%arg7 : memref<2x128xi32, #tpu.memory_space<vmem>>) target_semaphore(%arg14 : memref<!tpu.dma_semaphore, #tpu.memory_space<semaphore_mem>>)
    %mul3A_37 = arith.constant 640 : i32
    %mul3A_38 = arith.muli %arg1, %mul3A_37 : i32
    %dma_wait3A_39 = arith.constant 0 : i32
    %dma_wait3A_40 = tpu.memref_slice %arg10[%mul3A_38, %dma_wait3A_39] : memref<10240x128xf32, #tpu.memory_space<vmem_shared>> -> memref<640x128xf32, #tpu.memory_space<vmem_shared>>
    tpu.wait_dma2 semaphore(%arg15 : memref<!tpu.dma_semaphore, #tpu.memory_space<semaphore_mem>>) src(%arg4 : memref<640x128xf32, #tpu.memory_space<hbm>>) dst(%dma_wait3A_40 : memref<640x128xf32, #tpu.memory_space<vmem_shared>>)
    %barrier3A = arith.constant 0 : index
    tpu.barrier barrier_id(%barrier3A)
    %dma_start3A_41 = arith.constant 0 : i32
    %dma_start3A_42 = arith.constant 0 : i32
    %dma_start3A_43 = tpu.memref_slice %arg6[%dma_start3A_41, %dma_start3A_42] : memref<2x128xi32, #tpu.memory_space<vmem>> -> memref<1x128xi32, #tpu.memory_space<vmem>>
    %dma_start3A_44 = tpu.memref_squeeze %dma_start3A_43 : memref<1x128xi32, #tpu.memory_space<vmem>> -> memref<128xi32, #tpu.memory_space<vmem>>
    %dma_start3A_45 = arith.constant 0 : i32
    %dma_start3A_46 = arith.constant 0 : i32
    %dma_start3A_47 = tpu.memref_slice %arg2[%dma_start3A_45, %dma_start3A_46] : memref<10240x128xf32, #tpu.memory_space<hbm>> -> memref<10240x128xf32, #tpu.memory_space<hbm>>
    tpu.enqueue_indirect_dma source(%dma_start3A_47 : memref<10240x128xf32, #tpu.memory_space<hbm>>) target(%arg8 : memref<128x128xf32, #tpu.memory_space<vmem>>) offsets(%dma_start3A_44 : memref<128xi32, #tpu.memory_space<vmem>>) semaphore(%arg11 : memref<!tpu.dma_semaphore, #tpu.memory_space<semaphore_mem>>)
    %sub3A = arith.constant 0 : i32
    %sub3A_48 = arith.subi %select_n3A_8, %sub3A : i32
    %sub3A_49 = arith.constant 1 : i32
    %sub3A_50 = arith.constant 1 : i32
    %sub3A_51 = arith.subi %sub3A_49, %sub3A_50 : i32
    %add3A_52 = arith.addi %sub3A_48, %sub3A_51 : i32
    %div3A = arith.constant 1 : i32
    %div3A_53 = arith.divsi %add3A_52, %div3A : i32
    %while3A = arith.constant 1 : i32
    %while3A_54 = arith.constant 0 : i32
    %while3A_55 = arith.constant 0 : i32
    %while3A_56 = arith.subi %div3A_53, %while3A_55 : i32
    %while3A_57 = arith.addi %while3A_55, %while3A_56 : i32
    %while3A_58 = arith.constant 1 : i32
    %while3A_59 = arith.divsi %while3A_56, %while3A_58 : i32
    %while3A_60 = arith.muli %while3A_59, %while3A_58 : i32
    %while3A_61 = arith.addi %while3A_55, %while3A_60 : i32
    %while3A_62 = arith.constant 1 : i32
    scf.for %while3A_80 = %while3A_55 to %while3A_61 step %while3A_62  : i32 {
      %mul3A_81 = arith.muli %while3A_80, %while3A : i32
      %add3A_82 = arith.addi %while3A_54, %mul3A_81 : i32
      %mul3A_83 = arith.constant 2 : i32
      %mul3A_84 = arith.muli %mul3A_83, %add3A_82 : i32
      %add3A_85 = arith.addi %select_n3A, %mul3A_84 : i32
      %dma_wait3A_86 = arith.constant 0 : i32
      %dma_wait3A_87 = arith.constant 0 : i32
      %dma_wait3A_88 = tpu.memref_slice %arg6[%dma_wait3A_86, %dma_wait3A_87] : memref<2x128xi32, #tpu.memory_space<vmem>> -> memref<1x128xi32, #tpu.memory_space<vmem>>
      %dma_wait3A_89 = tpu.memref_squeeze %dma_wait3A_88 : memref<1x128xi32, #tpu.memory_space<vmem>> -> memref<128xi32, #tpu.memory_space<vmem>>
      %dma_wait3A_90 = arith.constant 0 : i32
      %dma_wait3A_91 = arith.constant 0 : i32
      %dma_wait3A_92 = tpu.memref_slice %arg2[%dma_wait3A_90, %dma_wait3A_91] : memref<10240x128xf32, #tpu.memory_space<hbm>> -> memref<10240x128xf32, #tpu.memory_space<hbm>>
      tpu.wait_indirect_dma semaphore(%arg11 : memref<!tpu.dma_semaphore, #tpu.memory_space<semaphore_mem>>) src(%dma_wait3A_92 : memref<10240x128xf32, #tpu.memory_space<hbm>>) dst(%arg8 : memref<128x128xf32, #tpu.memory_space<vmem>>)
      %add3A_93 = arith.constant 1 : i32
      %add3A_94 = arith.addi %add3A_85, %add3A_93 : i32
      %dma_wait3A_95 = arith.constant 0 : i32
      %dma_wait3A_96 = arith.constant 0 : i32
      %dma_wait3A_97 = tpu.memref_slice %arg3[%add3A_94, %dma_wait3A_95, %dma_wait3A_96] : memref<2560x2x128xi32, #tpu.memory_space<hbm>> -> memref<1x2x128xi32, #tpu.memory_space<hbm>>
      %dma_wait3A_98 = tpu.memref_squeeze %dma_wait3A_97 : memref<1x2x128xi32, #tpu.memory_space<hbm>> -> memref<2x128xi32, #tpu.memory_space<hbm>>
      %dma_wait3A_99 = arith.constant 0 : i32
      %dma_wait3A_100 = arith.constant 0 : i32
      %dma_wait3A_101 = tpu.memref_slice %arg3[%add3A_94, %dma_wait3A_99, %dma_wait3A_100] : memref<2560x2x128xi32, #tpu.memory_space<hbm>> -> memref<1x2x128xi32, #tpu.memory_space<hbm>>
      %dma_wait3A_102 = tpu.memref_squeeze %dma_wait3A_101 : memref<1x2x128xi32, #tpu.memory_space<hbm>> -> memref<2x128xi32, #tpu.memory_space<hbm>>
      tpu.wait_dma2 semaphore(%arg14 : memref<!tpu.dma_semaphore, #tpu.memory_space<semaphore_mem>>) src(%dma_wait3A_102 : memref<2x128xi32, #tpu.memory_space<hbm>>) dst(%arg7 : memref<2x128xi32, #tpu.memory_space<vmem>>)
      %dma_start3A_103 = arith.constant 0 : i32
      %dma_start3A_104 = arith.constant 0 : i32
      %dma_start3A_105 = tpu.memref_slice %arg7[%dma_start3A_103, %dma_start3A_104] : memref<2x128xi32, #tpu.memory_space<vmem>> -> memref<1x128xi32, #tpu.memory_space<vmem>>
      %dma_start3A_106 = tpu.memref_squeeze %dma_start3A_105 : memref<1x128xi32, #tpu.memory_space<vmem>> -> memref<128xi32, #tpu.memory_space<vmem>>
      %dma_start3A_107 = arith.constant 0 : i32
      %dma_start3A_108 = arith.constant 0 : i32
      %dma_start3A_109 = tpu.memref_slice %arg2[%dma_start3A_107, %dma_start3A_108] : memref<10240x128xf32, #tpu.memory_space<hbm>> -> memref<10240x128xf32, #tpu.memory_space<hbm>>
      tpu.enqueue_indirect_dma source(%dma_start3A_109 : memref<10240x128xf32, #tpu.memory_space<hbm>>) target(%arg9 : memref<128x128xf32, #tpu.memory_space<vmem>>) offsets(%dma_start3A_106 : memref<128xi32, #tpu.memory_space<vmem>>) semaphore(%arg12 : memref<!tpu.dma_semaphore, #tpu.memory_space<semaphore_mem>>)
      %run_scoped3A = arith.constant 1 : i32
      "tpu.region"() ({
        %run_scoped3A_119 = tpu.sem_alloc : memref<!tpu.dma_semaphore, #tpu.memory_space<semaphore_mem>>
        %dma_start3A_120 = arith.constant 0 : i32
        %dma_start3A_121 = tpu.memref_slice %arg6[%run_scoped3A, %dma_start3A_120] : memref<2x128xi32, #tpu.memory_space<vmem>> -> memref<1x128xi32, #tpu.memory_space<vmem>>
        %dma_start3A_122 = tpu.memref_squeeze %dma_start3A_121 : memref<1x128xi32, #tpu.memory_space<vmem>> -> memref<128xi32, #tpu.memory_space<vmem>>
        %dma_start3A_123 = arith.constant 0 : i32
        %dma_start3A_124 = arith.constant 0 : i32
        %dma_start3A_125 = tpu.memref_slice %arg10[%dma_start3A_123, %dma_start3A_124] : memref<10240x128xf32, #tpu.memory_space<vmem_shared>> -> memref<10240x128xf32, #tpu.memory_space<vmem_shared>>
        tpu.enqueue_indirect_dma source(%arg8 : memref<128x128xf32, #tpu.memory_space<vmem>>) target(%dma_start3A_125 : memref<10240x128xf32, #tpu.memory_space<vmem_shared>>) offsets(%dma_start3A_122 : memref<128xi32, #tpu.memory_space<vmem>>) semaphore(%run_scoped3A_119 : memref<!tpu.dma_semaphore, #tpu.memory_space<semaphore_mem>>) {add = true}
        %dma_wait3A_126 = arith.constant 0 : i32
        %dma_wait3A_127 = tpu.memref_slice %arg6[%run_scoped3A, %dma_wait3A_126] : memref<2x128xi32, #tpu.memory_space<vmem>> -> memref<1x128xi32, #tpu.memory_space<vmem>>
        %dma_wait3A_128 = tpu.memref_squeeze %dma_wait3A_127 : memref<1x128xi32, #tpu.memory_space<vmem>> -> memref<128xi32, #tpu.memory_space<vmem>>
        %dma_wait3A_129 = arith.constant 0 : i32
        %dma_wait3A_130 = arith.constant 0 : i32
        %dma_wait3A_131 = tpu.memref_slice %arg10[%dma_wait3A_129, %dma_wait3A_130] : memref<10240x128xf32, #tpu.memory_space<vmem_shared>> -> memref<10240x128xf32, #tpu.memory_space<vmem_shared>>
        tpu.wait_indirect_dma semaphore(%run_scoped3A_119 : memref<!tpu.dma_semaphore, #tpu.memory_space<semaphore_mem>>) src(%arg8 : memref<128x128xf32, #tpu.memory_space<vmem>>) dst(%dma_wait3A_131 : memref<10240x128xf32, #tpu.memory_space<vmem_shared>>)
        tpu.yield
      }) : () -> ()
      %sub3A_110 = arith.constant 1 : i32
      %sub3A_111 = arith.subi %select_n3A_8, %sub3A_110 : i32
      %lt3A = arith.cmpi slt, %add3A_82, %sub3A_111 : i32
      %convert_element_type3A = arith.extui %lt3A : i1 to i32
      %cond3A = arith.constant 0 : i32
      %cond3A_112 = arith.cmpi ne, %convert_element_type3A, %cond3A : i32
      scf.if %cond3A_112 {
        %add3A_119 = arith.constant 2 : i32
        %add3A_120 = arith.addi %add3A_85, %add3A_119 : i32
        %dma_start3A_121 = arith.constant 0 : i32
        %dma_start3A_122 = arith.constant 0 : i32
        %dma_start3A_123 = tpu.memref_slice %arg3[%add3A_120, %dma_start3A_121, %dma_start3A_122] : memref<2560x2x128xi32, #tpu.memory_space<hbm>> -> memref<1x2x128xi32, #tpu.memory_space<hbm>>
        %dma_start3A_124 = tpu.memref_squeeze %dma_start3A_123 : memref<1x2x128xi32, #tpu.memory_space<hbm>> -> memref<2x128xi32, #tpu.memory_space<hbm>>
        %dma_start3A_125 = arith.constant 0 : i32
        %dma_start3A_126 = arith.constant 0 : i32
        %dma_start3A_127 = tpu.memref_slice %arg3[%add3A_120, %dma_start3A_125, %dma_start3A_126] : memref<2560x2x128xi32, #tpu.memory_space<hbm>> -> memref<1x2x128xi32, #tpu.memory_space<hbm>>
        %dma_start3A_128 = tpu.memref_squeeze %dma_start3A_127 : memref<1x2x128xi32, #tpu.memory_space<hbm>> -> memref<2x128xi32, #tpu.memory_space<hbm>>
        tpu.enqueue_dma source(%dma_start3A_128 : memref<2x128xi32, #tpu.memory_space<hbm>>) target(%arg6 : memref<2x128xi32, #tpu.memory_space<vmem>>) target_semaphore(%arg13 : memref<!tpu.dma_semaphore, #tpu.memory_space<semaphore_mem>>)
        %dma_wait3A_129 = arith.constant 0 : i32
        %dma_wait3A_130 = arith.constant 0 : i32
        %dma_wait3A_131 = tpu.memref_slice %arg7[%dma_wait3A_129, %dma_wait3A_130] : memref<2x128xi32, #tpu.memory_space<vmem>> -> memref<1x128xi32, #tpu.memory_space<vmem>>
        %dma_wait3A_132 = tpu.memref_squeeze %dma_wait3A_131 : memref<1x128xi32, #tpu.memory_space<vmem>> -> memref<128xi32, #tpu.memory_space<vmem>>
        %dma_wait3A_133 = arith.constant 0 : i32
        %dma_wait3A_134 = arith.constant 0 : i32
        %dma_wait3A_135 = tpu.memref_slice %arg2[%dma_wait3A_133, %dma_wait3A_134] : memref<10240x128xf32, #tpu.memory_space<hbm>> -> memref<10240x128xf32, #tpu.memory_space<hbm>>
        tpu.wait_indirect_dma semaphore(%arg12 : memref<!tpu.dma_semaphore, #tpu.memory_space<semaphore_mem>>) src(%dma_wait3A_135 : memref<10240x128xf32, #tpu.memory_space<hbm>>) dst(%arg9 : memref<128x128xf32, #tpu.memory_space<vmem>>)
        %dma_wait3A_136 = arith.constant 0 : i32
        %dma_wait3A_137 = arith.constant 0 : i32
        %dma_wait3A_138 = tpu.memref_slice %arg3[%add3A_120, %dma_wait3A_136, %dma_wait3A_137] : memref<2560x2x128xi32, #tpu.memory_space<hbm>> -> memref<1x2x128xi32, #tpu.memory_space<hbm>>
        %dma_wait3A_139 = tpu.memref_squeeze %dma_wait3A_138 : memref<1x2x128xi32, #tpu.memory_space<hbm>> -> memref<2x128xi32, #tpu.memory_space<hbm>>
        %dma_wait3A_140 = arith.constant 0 : i32
        %dma_wait3A_141 = arith.constant 0 : i32
        %dma_wait3A_142 = tpu.memref_slice %arg3[%add3A_120, %dma_wait3A_140, %dma_wait3A_141] : memref<2560x2x128xi32, #tpu.memory_space<hbm>> -> memref<1x2x128xi32, #tpu.memory_space<hbm>>
        %dma_wait3A_143 = tpu.memref_squeeze %dma_wait3A_142 : memref<1x2x128xi32, #tpu.memory_space<hbm>> -> memref<2x128xi32, #tpu.memory_space<hbm>>
        tpu.wait_dma2 semaphore(%arg13 : memref<!tpu.dma_semaphore, #tpu.memory_space<semaphore_mem>>) src(%dma_wait3A_143 : memref<2x128xi32, #tpu.memory_space<hbm>>) dst(%arg6 : memref<2x128xi32, #tpu.memory_space<vmem>>)
        %dma_start3A_144 = arith.constant 0 : i32
        %dma_start3A_145 = arith.constant 0 : i32
        %dma_start3A_146 = tpu.memref_slice %arg6[%dma_start3A_144, %dma_start3A_145] : memref<2x128xi32, #tpu.memory_space<vmem>> -> memref<1x128xi32, #tpu.memory_space<vmem>>
        %dma_start3A_147 = tpu.memref_squeeze %dma_start3A_146 : memref<1x128xi32, #tpu.memory_space<vmem>> -> memref<128xi32, #tpu.memory_space<vmem>>
        %dma_start3A_148 = arith.constant 0 : i32
        %dma_start3A_149 = arith.constant 0 : i32
        %dma_start3A_150 = tpu.memref_slice %arg2[%dma_start3A_148, %dma_start3A_149] : memref<10240x128xf32, #tpu.memory_space<hbm>> -> memref<10240x128xf32, #tpu.memory_space<hbm>>
        tpu.enqueue_indirect_dma source(%dma_start3A_150 : memref<10240x128xf32, #tpu.memory_space<hbm>>) target(%arg8 : memref<128x128xf32, #tpu.memory_space<vmem>>) offsets(%dma_start3A_147 : memref<128xi32, #tpu.memory_space<vmem>>) semaphore(%arg11 : memref<!tpu.dma_semaphore, #tpu.memory_space<semaphore_mem>>)
        %run_scoped3A_151 = arith.constant 1 : i32
        "tpu.region"() ({
          %run_scoped3A_162 = tpu.sem_alloc : memref<!tpu.dma_semaphore, #tpu.memory_space<semaphore_mem>>
          %dma_start3A_163 = arith.constant 0 : i32
          %dma_start3A_164 = tpu.memref_slice %arg7[%run_scoped3A_151, %dma_start3A_163] : memref<2x128xi32, #tpu.memory_space<vmem>> -> memref<1x128xi32, #tpu.memory_space<vmem>>
          %dma_start3A_165 = tpu.memref_squeeze %dma_start3A_164 : memref<1x128xi32, #tpu.memory_space<vmem>> -> memref<128xi32, #tpu.memory_space<vmem>>
          %dma_start3A_166 = arith.constant 0 : i32
          %dma_start3A_167 = arith.constant 0 : i32
          %dma_start3A_168 = tpu.memref_slice %arg10[%dma_start3A_166, %dma_start3A_167] : memref<10240x128xf32, #tpu.memory_space<vmem_shared>> -> memref<10240x128xf32, #tpu.memory_space<vmem_shared>>
          tpu.enqueue_indirect_dma source(%arg9 : memref<128x128xf32, #tpu.memory_space<vmem>>) target(%dma_start3A_168 : memref<10240x128xf32, #tpu.memory_space<vmem_shared>>) offsets(%dma_start3A_165 : memref<128xi32, #tpu.memory_space<vmem>>) semaphore(%run_scoped3A_162 : memref<!tpu.dma_semaphore, #tpu.memory_space<semaphore_mem>>) {add = true}
          %dma_wait3A_169 = arith.constant 0 : i32
          %dma_wait3A_170 = tpu.memref_slice %arg7[%run_scoped3A_151, %dma_wait3A_169] : memref<2x128xi32, #tpu.memory_space<vmem>> -> memref<1x128xi32, #tpu.memory_space<vmem>>
          %dma_wait3A_171 = tpu.memref_squeeze %dma_wait3A_170 : memref<1x128xi32, #tpu.memory_space<vmem>> -> memref<128xi32, #tpu.memory_space<vmem>>
          %dma_wait3A_172 = arith.constant 0 : i32
          %dma_wait3A_173 = arith.constant 0 : i32
          %dma_wait3A_174 = tpu.memref_slice %arg10[%dma_wait3A_172, %dma_wait3A_173] : memref<10240x128xf32, #tpu.memory_space<vmem_shared>> -> memref<10240x128xf32, #tpu.memory_space<vmem_shared>>
          tpu.wait_indirect_dma semaphore(%run_scoped3A_162 : memref<!tpu.dma_semaphore, #tpu.memory_space<semaphore_mem>>) src(%arg9 : memref<128x128xf32, #tpu.memory_space<vmem>>) dst(%dma_wait3A_174 : memref<10240x128xf32, #tpu.memory_space<vmem_shared>>)
          tpu.yield
        }) : () -> ()
        %add3A_152 = arith.constant 3 : i32
        %add3A_153 = arith.addi %add3A_85, %add3A_152 : i32
        %dma_start3A_154 = arith.constant 0 : i32
        %dma_start3A_155 = arith.constant 0 : i32
        %dma_start3A_156 = tpu.memref_slice %arg3[%add3A_153, %dma_start3A_154, %dma_start3A_155] : memref<2560x2x128xi32, #tpu.memory_space<hbm>> -> memref<1x2x128xi32, #tpu.memory_space<hbm>>
        %dma_start3A_157 = tpu.memref_squeeze %dma_start3A_156 : memref<1x2x128xi32, #tpu.memory_space<hbm>> -> memref<2x128xi32, #tpu.memory_space<hbm>>
        %dma_start3A_158 = arith.constant 0 : i32
        %dma_start3A_159 = arith.constant 0 : i32
        %dma_start3A_160 = tpu.memref_slice %arg3[%add3A_153, %dma_start3A_158, %dma_start3A_159] : memref<2560x2x128xi32, #tpu.memory_space<hbm>> -> memref<1x2x128xi32, #tpu.memory_space<hbm>>
        %dma_start3A_161 = tpu.memref_squeeze %dma_start3A_160 : memref<1x2x128xi32, #tpu.memory_space<hbm>> -> memref<2x128xi32, #tpu.memory_space<hbm>>
        tpu.enqueue_dma source(%dma_start3A_161 : memref<2x128xi32, #tpu.memory_space<hbm>>) target(%arg7 : memref<2x128xi32, #tpu.memory_space<vmem>>) target_semaphore(%arg14 : memref<!tpu.dma_semaphore, #tpu.memory_space<semaphore_mem>>)
      } else {
      }
      %sub3A_113 = arith.constant 1 : i32
      %sub3A_114 = arith.subi %select_n3A_8, %sub3A_113 : i32
      %eq3A_115 = arith.cmpi eq, %add3A_82, %sub3A_114 : i32
      %convert_element_type3A_116 = arith.extui %eq3A_115 : i1 to i32
      %cond3A_117 = arith.constant 0 : i32
      %cond3A_118 = arith.cmpi ne, %convert_element_type3A_116, %cond3A_117 : i32
      scf.if %cond3A_118 {
        %dma_wait3A_119 = arith.constant 0 : i32
        %dma_wait3A_120 = arith.constant 0 : i32
        %dma_wait3A_121 = tpu.memref_slice %arg7[%dma_wait3A_119, %dma_wait3A_120] : memref<2x128xi32, #tpu.memory_space<vmem>> -> memref<1x128xi32, #tpu.memory_space<vmem>>
        %dma_wait3A_122 = tpu.memref_squeeze %dma_wait3A_121 : memref<1x128xi32, #tpu.memory_space<vmem>> -> memref<128xi32, #tpu.memory_space<vmem>>
        %dma_wait3A_123 = arith.constant 0 : i32
        %dma_wait3A_124 = arith.constant 0 : i32
        %dma_wait3A_125 = tpu.memref_slice %arg2[%dma_wait3A_123, %dma_wait3A_124] : memref<10240x128xf32, #tpu.memory_space<hbm>> -> memref<10240x128xf32, #tpu.memory_space<hbm>>
        tpu.wait_indirect_dma semaphore(%arg12 : memref<!tpu.dma_semaphore, #tpu.memory_space<semaphore_mem>>) src(%dma_wait3A_125 : memref<10240x128xf32, #tpu.memory_space<hbm>>) dst(%arg9 : memref<128x128xf32, #tpu.memory_space<vmem>>)
        %run_scoped3A_126 = arith.constant 1 : i32
        "tpu.region"() ({
          %run_scoped3A_127 = tpu.sem_alloc : memref<!tpu.dma_semaphore, #tpu.memory_space<semaphore_mem>>
          %dma_start3A_128 = arith.constant 0 : i32
          %dma_start3A_129 = tpu.memref_slice %arg7[%run_scoped3A_126, %dma_start3A_128] : memref<2x128xi32, #tpu.memory_space<vmem>> -> memref<1x128xi32, #tpu.memory_space<vmem>>
          %dma_start3A_130 = tpu.memref_squeeze %dma_start3A_129 : memref<1x128xi32, #tpu.memory_space<vmem>> -> memref<128xi32, #tpu.memory_space<vmem>>
          %dma_start3A_131 = arith.constant 0 : i32
          %dma_start3A_132 = arith.constant 0 : i32
          %dma_start3A_133 = tpu.memref_slice %arg10[%dma_start3A_131, %dma_start3A_132] : memref<10240x128xf32, #tpu.memory_space<vmem_shared>> -> memref<10240x128xf32, #tpu.memory_space<vmem_shared>>
          tpu.enqueue_indirect_dma source(%arg9 : memref<128x128xf32, #tpu.memory_space<vmem>>) target(%dma_start3A_133 : memref<10240x128xf32, #tpu.memory_space<vmem_shared>>) offsets(%dma_start3A_130 : memref<128xi32, #tpu.memory_space<vmem>>) semaphore(%run_scoped3A_127 : memref<!tpu.dma_semaphore, #tpu.memory_space<semaphore_mem>>) {add = true}
          %dma_wait3A_134 = arith.constant 0 : i32
          %dma_wait3A_135 = tpu.memref_slice %arg7[%run_scoped3A_126, %dma_wait3A_134] : memref<2x128xi32, #tpu.memory_space<vmem>> -> memref<1x128xi32, #tpu.memory_space<vmem>>
          %dma_wait3A_136 = tpu.memref_squeeze %dma_wait3A_135 : memref<1x128xi32, #tpu.memory_space<vmem>> -> memref<128xi32, #tpu.memory_space<vmem>>
          %dma_wait3A_137 = arith.constant 0 : i32
          %dma_wait3A_138 = arith.constant 0 : i32
          %dma_wait3A_139 = tpu.memref_slice %arg10[%dma_wait3A_137, %dma_wait3A_138] : memref<10240x128xf32, #tpu.memory_space<vmem_shared>> -> memref<10240x128xf32, #tpu.memory_space<vmem_shared>>
          tpu.wait_indirect_dma semaphore(%run_scoped3A_127 : memref<!tpu.dma_semaphore, #tpu.memory_space<semaphore_mem>>) src(%arg9 : memref<128x128xf32, #tpu.memory_space<vmem>>) dst(%dma_wait3A_139 : memref<10240x128xf32, #tpu.memory_space<vmem_shared>>)
          tpu.yield
        }) : () -> ()
      } else {
      }
    }
    %while3A_63 = arith.constant 1 : i32
    scf.for %while3A_80 = %while3A_61 to %while3A_57 step %while3A_63  : i32 {
      %mul3A_81 = arith.muli %while3A_80, %while3A : i32
      %add3A_82 = arith.addi %while3A_54, %mul3A_81 : i32
      %mul3A_83 = arith.constant 2 : i32
      %mul3A_84 = arith.muli %mul3A_83, %add3A_82 : i32
      %add3A_85 = arith.addi %select_n3A, %mul3A_84 : i32
      %dma_wait3A_86 = arith.constant 0 : i32
      %dma_wait3A_87 = arith.constant 0 : i32
      %dma_wait3A_88 = tpu.memref_slice %arg6[%dma_wait3A_86, %dma_wait3A_87] : memref<2x128xi32, #tpu.memory_space<vmem>> -> memref<1x128xi32, #tpu.memory_space<vmem>>
      %dma_wait3A_89 = tpu.memref_squeeze %dma_wait3A_88 : memref<1x128xi32, #tpu.memory_space<vmem>> -> memref<128xi32, #tpu.memory_space<vmem>>
      %dma_wait3A_90 = arith.constant 0 : i32
      %dma_wait3A_91 = arith.constant 0 : i32
      %dma_wait3A_92 = tpu.memref_slice %arg2[%dma_wait3A_90, %dma_wait3A_91] : memref<10240x128xf32, #tpu.memory_space<hbm>> -> memref<10240x128xf32, #tpu.memory_space<hbm>>
      tpu.wait_indirect_dma semaphore(%arg11 : memref<!tpu.dma_semaphore, #tpu.memory_space<semaphore_mem>>) src(%dma_wait3A_92 : memref<10240x128xf32, #tpu.memory_space<hbm>>) dst(%arg8 : memref<128x128xf32, #tpu.memory_space<vmem>>)
      %add3A_93 = arith.constant 1 : i32
      %add3A_94 = arith.addi %add3A_85, %add3A_93 : i32
      %dma_wait3A_95 = arith.constant 0 : i32
      %dma_wait3A_96 = arith.constant 0 : i32
      %dma_wait3A_97 = tpu.memref_slice %arg3[%add3A_94, %dma_wait3A_95, %dma_wait3A_96] : memref<2560x2x128xi32, #tpu.memory_space<hbm>> -> memref<1x2x128xi32, #tpu.memory_space<hbm>>
      %dma_wait3A_98 = tpu.memref_squeeze %dma_wait3A_97 : memref<1x2x128xi32, #tpu.memory_space<hbm>> -> memref<2x128xi32, #tpu.memory_space<hbm>>
      %dma_wait3A_99 = arith.constant 0 : i32
      %dma_wait3A_100 = arith.constant 0 : i32
      %dma_wait3A_101 = tpu.memref_slice %arg3[%add3A_94, %dma_wait3A_99, %dma_wait3A_100] : memref<2560x2x128xi32, #tpu.memory_space<hbm>> -> memref<1x2x128xi32, #tpu.memory_space<hbm>>
      %dma_wait3A_102 = tpu.memref_squeeze %dma_wait3A_101 : memref<1x2x128xi32, #tpu.memory_space<hbm>> -> memref<2x128xi32, #tpu.memory_space<hbm>>
      tpu.wait_dma2 semaphore(%arg14 : memref<!tpu.dma_semaphore, #tpu.memory_space<semaphore_mem>>) src(%dma_wait3A_102 : memref<2x128xi32, #tpu.memory_space<hbm>>) dst(%arg7 : memref<2x128xi32, #tpu.memory_space<vmem>>)
      %dma_start3A_103 = arith.constant 0 : i32
      %dma_start3A_104 = arith.constant 0 : i32
      %dma_start3A_105 = tpu.memref_slice %arg7[%dma_start3A_103, %dma_start3A_104] : memref<2x128xi32, #tpu.memory_space<vmem>> -> memref<1x128xi32, #tpu.memory_space<vmem>>
      %dma_start3A_106 = tpu.memref_squeeze %dma_start3A_105 : memref<1x128xi32, #tpu.memory_space<vmem>> -> memref<128xi32, #tpu.memory_space<vmem>>
      %dma_start3A_107 = arith.constant 0 : i32
      %dma_start3A_108 = arith.constant 0 : i32
      %dma_start3A_109 = tpu.memref_slice %arg2[%dma_start3A_107, %dma_start3A_108] : memref<10240x128xf32, #tpu.memory_space<hbm>> -> memref<10240x128xf32, #tpu.memory_space<hbm>>
      tpu.enqueue_indirect_dma source(%dma_start3A_109 : memref<10240x128xf32, #tpu.memory_space<hbm>>) target(%arg9 : memref<128x128xf32, #tpu.memory_space<vmem>>) offsets(%dma_start3A_106 : memref<128xi32, #tpu.memory_space<vmem>>) semaphore(%arg12 : memref<!tpu.dma_semaphore, #tpu.memory_space<semaphore_mem>>)
      %run_scoped3A = arith.constant 1 : i32
      "tpu.region"() ({
        %run_scoped3A_119 = tpu.sem_alloc : memref<!tpu.dma_semaphore, #tpu.memory_space<semaphore_mem>>
        %dma_start3A_120 = arith.constant 0 : i32
        %dma_start3A_121 = tpu.memref_slice %arg6[%run_scoped3A, %dma_start3A_120] : memref<2x128xi32, #tpu.memory_space<vmem>> -> memref<1x128xi32, #tpu.memory_space<vmem>>
        %dma_start3A_122 = tpu.memref_squeeze %dma_start3A_121 : memref<1x128xi32, #tpu.memory_space<vmem>> -> memref<128xi32, #tpu.memory_space<vmem>>
        %dma_start3A_123 = arith.constant 0 : i32
        %dma_start3A_124 = arith.constant 0 : i32
        %dma_start3A_125 = tpu.memref_slice %arg10[%dma_start3A_123, %dma_start3A_124] : memref<10240x128xf32, #tpu.memory_space<vmem_shared>> -> memref<10240x128xf32, #tpu.memory_space<vmem_shared>>
        tpu.enqueue_indirect_dma source(%arg8 : memref<128x128xf32, #tpu.memory_space<vmem>>) target(%dma_start3A_125 : memref<10240x128xf32, #tpu.memory_space<vmem_shared>>) offsets(%dma_start3A_122 : memref<128xi32, #tpu.memory_space<vmem>>) semaphore(%run_scoped3A_119 : memref<!tpu.dma_semaphore, #tpu.memory_space<semaphore_mem>>) {add = true}
        %dma_wait3A_126 = arith.constant 0 : i32
        %dma_wait3A_127 = tpu.memref_slice %arg6[%run_scoped3A, %dma_wait3A_126] : memref<2x128xi32, #tpu.memory_space<vmem>> -> memref<1x128xi32, #tpu.memory_space<vmem>>
        %dma_wait3A_128 = tpu.memref_squeeze %dma_wait3A_127 : memref<1x128xi32, #tpu.memory_space<vmem>> -> memref<128xi32, #tpu.memory_space<vmem>>
        %dma_wait3A_129 = arith.constant 0 : i32
        %dma_wait3A_130 = arith.constant 0 : i32
        %dma_wait3A_131 = tpu.memref_slice %arg10[%dma_wait3A_129, %dma_wait3A_130] : memref<10240x128xf32, #tpu.memory_space<vmem_shared>> -> memref<10240x128xf32, #tpu.memory_space<vmem_shared>>
        tpu.wait_indirect_dma semaphore(%run_scoped3A_119 : memref<!tpu.dma_semaphore, #tpu.memory_space<semaphore_mem>>) src(%arg8 : memref<128x128xf32, #tpu.memory_space<vmem>>) dst(%dma_wait3A_131 : memref<10240x128xf32, #tpu.memory_space<vmem_shared>>)
        tpu.yield
      }) : () -> ()
      %sub3A_110 = arith.constant 1 : i32
      %sub3A_111 = arith.subi %select_n3A_8, %sub3A_110 : i32
      %lt3A = arith.cmpi slt, %add3A_82, %sub3A_111 : i32
      %convert_element_type3A = arith.extui %lt3A : i1 to i32
      %cond3A = arith.constant 0 : i32
      %cond3A_112 = arith.cmpi ne, %convert_element_type3A, %cond3A : i32
      scf.if %cond3A_112 {
        %add3A_119 = arith.constant 2 : i32
        %add3A_120 = arith.addi %add3A_85, %add3A_119 : i32
        %dma_start3A_121 = arith.constant 0 : i32
        %dma_start3A_122 = arith.constant 0 : i32
        %dma_start3A_123 = tpu.memref_slice %arg3[%add3A_120, %dma_start3A_121, %dma_start3A_122] : memref<2560x2x128xi32, #tpu.memory_space<hbm>> -> memref<1x2x128xi32, #tpu.memory_space<hbm>>
        %dma_start3A_124 = tpu.memref_squeeze %dma_start3A_123 : memref<1x2x128xi32, #tpu.memory_space<hbm>> -> memref<2x128xi32, #tpu.memory_space<hbm>>
        %dma_start3A_125 = arith.constant 0 : i32
        %dma_start3A_126 = arith.constant 0 : i32
        %dma_start3A_127 = tpu.memref_slice %arg3[%add3A_120, %dma_start3A_125, %dma_start3A_126] : memref<2560x2x128xi32, #tpu.memory_space<hbm>> -> memref<1x2x128xi32, #tpu.memory_space<hbm>>
        %dma_start3A_128 = tpu.memref_squeeze %dma_start3A_127 : memref<1x2x128xi32, #tpu.memory_space<hbm>> -> memref<2x128xi32, #tpu.memory_space<hbm>>
        tpu.enqueue_dma source(%dma_start3A_128 : memref<2x128xi32, #tpu.memory_space<hbm>>) target(%arg6 : memref<2x128xi32, #tpu.memory_space<vmem>>) target_semaphore(%arg13 : memref<!tpu.dma_semaphore, #tpu.memory_space<semaphore_mem>>)
        %dma_wait3A_129 = arith.constant 0 : i32
        %dma_wait3A_130 = arith.constant 0 : i32
        %dma_wait3A_131 = tpu.memref_slice %arg7[%dma_wait3A_129, %dma_wait3A_130] : memref<2x128xi32, #tpu.memory_space<vmem>> -> memref<1x128xi32, #tpu.memory_space<vmem>>
        %dma_wait3A_132 = tpu.memref_squeeze %dma_wait3A_131 : memref<1x128xi32, #tpu.memory_space<vmem>> -> memref<128xi32, #tpu.memory_space<vmem>>
        %dma_wait3A_133 = arith.constant 0 : i32
        %dma_wait3A_134 = arith.constant 0 : i32
        %dma_wait3A_135 = tpu.memref_slice %arg2[%dma_wait3A_133, %dma_wait3A_134] : memref<10240x128xf32, #tpu.memory_space<hbm>> -> memref<10240x128xf32, #tpu.memory_space<hbm>>
        tpu.wait_indirect_dma semaphore(%arg12 : memref<!tpu.dma_semaphore, #tpu.memory_space<semaphore_mem>>) src(%dma_wait3A_135 : memref<10240x128xf32, #tpu.memory_space<hbm>>) dst(%arg9 : memref<128x128xf32, #tpu.memory_space<vmem>>)
        %dma_wait3A_136 = arith.constant 0 : i32
        %dma_wait3A_137 = arith.constant 0 : i32
        %dma_wait3A_138 = tpu.memref_slice %arg3[%add3A_120, %dma_wait3A_136, %dma_wait3A_137] : memref<2560x2x128xi32, #tpu.memory_space<hbm>> -> memref<1x2x128xi32, #tpu.memory_space<hbm>>
        %dma_wait3A_139 = tpu.memref_squeeze %dma_wait3A_138 : memref<1x2x128xi32, #tpu.memory_space<hbm>> -> memref<2x128xi32, #tpu.memory_space<hbm>>
        %dma_wait3A_140 = arith.constant 0 : i32
        %dma_wait3A_141 = arith.constant 0 : i32
        %dma_wait3A_142 = tpu.memref_slice %arg3[%add3A_120, %dma_wait3A_140, %dma_wait3A_141] : memref<2560x2x128xi32, #tpu.memory_space<hbm>> -> memref<1x2x128xi32, #tpu.memory_space<hbm>>
        %dma_wait3A_143 = tpu.memref_squeeze %dma_wait3A_142 : memref<1x2x128xi32, #tpu.memory_space<hbm>> -> memref<2x128xi32, #tpu.memory_space<hbm>>
        tpu.wait_dma2 semaphore(%arg13 : memref<!tpu.dma_semaphore, #tpu.memory_space<semaphore_mem>>) src(%dma_wait3A_143 : memref<2x128xi32, #tpu.memory_space<hbm>>) dst(%arg6 : memref<2x128xi32, #tpu.memory_space<vmem>>)
        %dma_start3A_144 = arith.constant 0 : i32
        %dma_start3A_145 = arith.constant 0 : i32
        %dma_start3A_146 = tpu.memref_slice %arg6[%dma_start3A_144, %dma_start3A_145] : memref<2x128xi32, #tpu.memory_space<vmem>> -> memref<1x128xi32, #tpu.memory_space<vmem>>
        %dma_start3A_147 = tpu.memref_squeeze %dma_start3A_146 : memref<1x128xi32, #tpu.memory_space<vmem>> -> memref<128xi32, #tpu.memory_space<vmem>>
        %dma_start3A_148 = arith.constant 0 : i32
        %dma_start3A_149 = arith.constant 0 : i32
        %dma_start3A_150 = tpu.memref_slice %arg2[%dma_start3A_148, %dma_start3A_149] : memref<10240x128xf32, #tpu.memory_space<hbm>> -> memref<10240x128xf32, #tpu.memory_space<hbm>>
        tpu.enqueue_indirect_dma source(%dma_start3A_150 : memref<10240x128xf32, #tpu.memory_space<hbm>>) target(%arg8 : memref<128x128xf32, #tpu.memory_space<vmem>>) offsets(%dma_start3A_147 : memref<128xi32, #tpu.memory_space<vmem>>) semaphore(%arg11 : memref<!tpu.dma_semaphore, #tpu.memory_space<semaphore_mem>>)
        %run_scoped3A_151 = arith.constant 1 : i32
        "tpu.region"() ({
          %run_scoped3A_162 = tpu.sem_alloc : memref<!tpu.dma_semaphore, #tpu.memory_space<semaphore_mem>>
          %dma_start3A_163 = arith.constant 0 : i32
          %dma_start3A_164 = tpu.memref_slice %arg7[%run_scoped3A_151, %dma_start3A_163] : memref<2x128xi32, #tpu.memory_space<vmem>> -> memref<1x128xi32, #tpu.memory_space<vmem>>
          %dma_start3A_165 = tpu.memref_squeeze %dma_start3A_164 : memref<1x128xi32, #tpu.memory_space<vmem>> -> memref<128xi32, #tpu.memory_space<vmem>>
          %dma_start3A_166 = arith.constant 0 : i32
          %dma_start3A_167 = arith.constant 0 : i32
          %dma_start3A_168 = tpu.memref_slice %arg10[%dma_start3A_166, %dma_start3A_167] : memref<10240x128xf32, #tpu.memory_space<vmem_shared>> -> memref<10240x128xf32, #tpu.memory_space<vmem_shared>>
          tpu.enqueue_indirect_dma source(%arg9 : memref<128x128xf32, #tpu.memory_space<vmem>>) target(%dma_start3A_168 : memref<10240x128xf32, #tpu.memory_space<vmem_shared>>) offsets(%dma_start3A_165 : memref<128xi32, #tpu.memory_space<vmem>>) semaphore(%run_scoped3A_162 : memref<!tpu.dma_semaphore, #tpu.memory_space<semaphore_mem>>) {add = true}
          %dma_wait3A_169 = arith.constant 0 : i32
          %dma_wait3A_170 = tpu.memref_slice %arg7[%run_scoped3A_151, %dma_wait3A_169] : memref<2x128xi32, #tpu.memory_space<vmem>> -> memref<1x128xi32, #tpu.memory_space<vmem>>
          %dma_wait3A_171 = tpu.memref_squeeze %dma_wait3A_170 : memref<1x128xi32, #tpu.memory_space<vmem>> -> memref<128xi32, #tpu.memory_space<vmem>>
          %dma_wait3A_172 = arith.constant 0 : i32
          %dma_wait3A_173 = arith.constant 0 : i32
          %dma_wait3A_174 = tpu.memref_slice %arg10[%dma_wait3A_172, %dma_wait3A_173] : memref<10240x128xf32, #tpu.memory_space<vmem_shared>> -> memref<10240x128xf32, #tpu.memory_space<vmem_shared>>
          tpu.wait_indirect_dma semaphore(%run_scoped3A_162 : memref<!tpu.dma_semaphore, #tpu.memory_space<semaphore_mem>>) src(%arg9 : memref<128x128xf32, #tpu.memory_space<vmem>>) dst(%dma_wait3A_174 : memref<10240x128xf32, #tpu.memory_space<vmem_shared>>)
          tpu.yield
        }) : () -> ()
        %add3A_152 = arith.constant 3 : i32
        %add3A_153 = arith.addi %add3A_85, %add3A_152 : i32
        %dma_start3A_154 = arith.constant 0 : i32
        %dma_start3A_155 = arith.constant 0 : i32
        %dma_start3A_156 = tpu.memref_slice %arg3[%add3A_153, %dma_start3A_154, %dma_start3A_155] : memref<2560x2x128xi32, #tpu.memory_space<hbm>> -> memref<1x2x128xi32, #tpu.memory_space<hbm>>
        %dma_start3A_157 = tpu.memref_squeeze %dma_start3A_156 : memref<1x2x128xi32, #tpu.memory_space<hbm>> -> memref<2x128xi32, #tpu.memory_space<hbm>>
        %dma_start3A_158 = arith.constant 0 : i32
        %dma_start3A_159 = arith.constant 0 : i32
        %dma_start3A_160 = tpu.memref_slice %arg3[%add3A_153, %dma_start3A_158, %dma_start3A_159] : memref<2560x2x128xi32, #tpu.memory_space<hbm>> -> memref<1x2x128xi32, #tpu.memory_space<hbm>>
        %dma_start3A_161 = tpu.memref_squeeze %dma_start3A_160 : memref<1x2x128xi32, #tpu.memory_space<hbm>> -> memref<2x128xi32, #tpu.memory_space<hbm>>
        tpu.enqueue_dma source(%dma_start3A_161 : memref<2x128xi32, #tpu.memory_space<hbm>>) target(%arg7 : memref<2x128xi32, #tpu.memory_space<vmem>>) target_semaphore(%arg14 : memref<!tpu.dma_semaphore, #tpu.memory_space<semaphore_mem>>)
      } else {
      }
      %sub3A_113 = arith.constant 1 : i32
      %sub3A_114 = arith.subi %select_n3A_8, %sub3A_113 : i32
      %eq3A_115 = arith.cmpi eq, %add3A_82, %sub3A_114 : i32
      %convert_element_type3A_116 = arith.extui %eq3A_115 : i1 to i32
      %cond3A_117 = arith.constant 0 : i32
      %cond3A_118 = arith.cmpi ne, %convert_element_type3A_116, %cond3A_117 : i32
      scf.if %cond3A_118 {
        %dma_wait3A_119 = arith.constant 0 : i32
        %dma_wait3A_120 = arith.constant 0 : i32
        %dma_wait3A_121 = tpu.memref_slice %arg7[%dma_wait3A_119, %dma_wait3A_120] : memref<2x128xi32, #tpu.memory_space<vmem>> -> memref<1x128xi32, #tpu.memory_space<vmem>>
        %dma_wait3A_122 = tpu.memref_squeeze %dma_wait3A_121 : memref<1x128xi32, #tpu.memory_space<vmem>> -> memref<128xi32, #tpu.memory_space<vmem>>
        %dma_wait3A_123 = arith.constant 0 : i32
        %dma_wait3A_124 = arith.constant 0 : i32
        %dma_wait3A_125 = tpu.memref_slice %arg2[%dma_wait3A_123, %dma_wait3A_124] : memref<10240x128xf32, #tpu.memory_space<hbm>> -> memref<10240x128xf32, #tpu.memory_space<hbm>>
        tpu.wait_indirect_dma semaphore(%arg12 : memref<!tpu.dma_semaphore, #tpu.memory_space<semaphore_mem>>) src(%dma_wait3A_125 : memref<10240x128xf32, #tpu.memory_space<hbm>>) dst(%arg9 : memref<128x128xf32, #tpu.memory_space<vmem>>)
        %run_scoped3A_126 = arith.constant 1 : i32
        "tpu.region"() ({
          %run_scoped3A_127 = tpu.sem_alloc : memref<!tpu.dma_semaphore, #tpu.memory_space<semaphore_mem>>
          %dma_start3A_128 = arith.constant 0 : i32
          %dma_start3A_129 = tpu.memref_slice %arg7[%run_scoped3A_126, %dma_start3A_128] : memref<2x128xi32, #tpu.memory_space<vmem>> -> memref<1x128xi32, #tpu.memory_space<vmem>>
          %dma_start3A_130 = tpu.memref_squeeze %dma_start3A_129 : memref<1x128xi32, #tpu.memory_space<vmem>> -> memref<128xi32, #tpu.memory_space<vmem>>
          %dma_start3A_131 = arith.constant 0 : i32
          %dma_start3A_132 = arith.constant 0 : i32
          %dma_start3A_133 = tpu.memref_slice %arg10[%dma_start3A_131, %dma_start3A_132] : memref<10240x128xf32, #tpu.memory_space<vmem_shared>> -> memref<10240x128xf32, #tpu.memory_space<vmem_shared>>
          tpu.enqueue_indirect_dma source(%arg9 : memref<128x128xf32, #tpu.memory_space<vmem>>) target(%dma_start3A_133 : memref<10240x128xf32, #tpu.memory_space<vmem_shared>>) offsets(%dma_start3A_130 : memref<128xi32, #tpu.memory_space<vmem>>) semaphore(%run_scoped3A_127 : memref<!tpu.dma_semaphore, #tpu.memory_space<semaphore_mem>>) {add = true}
          %dma_wait3A_134 = arith.constant 0 : i32
          %dma_wait3A_135 = tpu.memref_slice %arg7[%run_scoped3A_126, %dma_wait3A_134] : memref<2x128xi32, #tpu.memory_space<vmem>> -> memref<1x128xi32, #tpu.memory_space<vmem>>
          %dma_wait3A_136 = tpu.memref_squeeze %dma_wait3A_135 : memref<1x128xi32, #tpu.memory_space<vmem>> -> memref<128xi32, #tpu.memory_space<vmem>>
          %dma_wait3A_137 = arith.constant 0 : i32
          %dma_wait3A_138 = arith.constant 0 : i32
          %dma_wait3A_139 = tpu.memref_slice %arg10[%dma_wait3A_137, %dma_wait3A_138] : memref<10240x128xf32, #tpu.memory_space<vmem_shared>> -> memref<10240x128xf32, #tpu.memory_space<vmem_shared>>
          tpu.wait_indirect_dma semaphore(%run_scoped3A_127 : memref<!tpu.dma_semaphore, #tpu.memory_space<semaphore_mem>>) src(%arg9 : memref<128x128xf32, #tpu.memory_space<vmem>>) dst(%dma_wait3A_139 : memref<10240x128xf32, #tpu.memory_space<vmem_shared>>)
          tpu.yield
        }) : () -> ()
      } else {
      }
    }
    %barrier3A_64 = arith.constant 0 : index
    tpu.barrier barrier_id(%barrier3A_64)
    %mul3A_65 = arith.constant 640 : i32
    %mul3A_66 = arith.muli %arg1, %mul3A_65 : i32
    %mul3A_67 = arith.constant 10240 : i32
    %mul3A_68 = arith.muli %arg0, %mul3A_67 : i32
    %mul3A_69 = arith.constant 640 : i32
    %mul3A_70 = arith.muli %arg1, %mul3A_69 : i32
    %add3A_71 = arith.addi %mul3A_68, %mul3A_70 : i32
    %dma_start3A_72 = arith.constant 0 : i32
    %dma_start3A_73 = tpu.memref_slice %arg5[%add3A_71, %dma_start3A_72] : memref<20480x128xf32, #tpu.memory_space<hbm>> -> memref<640x128xf32, #tpu.memory_space<hbm>>
    %dma_start3A_74 = arith.constant 0 : i32
    %dma_start3A_75 = tpu.memref_slice %arg10[%mul3A_66, %dma_start3A_74] : memref<10240x128xf32, #tpu.memory_space<vmem_shared>> -> memref<640x128xf32, #tpu.memory_space<vmem_shared>>
    tpu.enqueue_dma source(%dma_start3A_75 : memref<640x128xf32, #tpu.memory_space<vmem_shared>>) target(%dma_start3A_73 : memref<640x128xf32, #tpu.memory_space<hbm>>) target_semaphore(%arg11 : memref<!tpu.dma_semaphore, #tpu.memory_space<semaphore_mem>>)
    %dma_wait3A_76 = arith.constant 0 : i32
    %dma_wait3A_77 = tpu.memref_slice %arg5[%add3A_71, %dma_wait3A_76] : memref<20480x128xf32, #tpu.memory_space<hbm>> -> memref<640x128xf32, #tpu.memory_space<hbm>>
    %dma_wait3A_78 = arith.constant 0 : i32
    %dma_wait3A_79 = tpu.memref_slice %arg10[%mul3A_66, %dma_wait3A_78] : memref<10240x128xf32, #tpu.memory_space<vmem_shared>> -> memref<640x128xf32, #tpu.memory_space<vmem_shared>>
    tpu.wait_dma2 semaphore(%arg11 : memref<!tpu.dma_semaphore, #tpu.memory_space<semaphore_mem>>) src(%dma_wait3A_79 : memref<640x128xf32, #tpu.memory_space<vmem_shared>>) dst(%dma_wait3A_77 : memref<640x128xf32, #tpu.memory_space<hbm>>)
    return
  }
}

#map = affine_map<(d0, d1) -> (0, 0, 0)>
#map1 = affine_map<(d0, d1) -> (0, 0)>
module attributes {stable_mosaic.version = 14 : i64} {
  func.func @run(%arg0: i32, %arg1: i32, %arg2: memref<32x80x128xi32, #tpu.memory_space<hbm>>, %arg3: memref<128x128xf32, #tpu.memory_space<hbm>>, %arg4: memref<640x128xf32, #tpu.memory_space<hbm>>, %arg5: memref<20480x128xf32, #tpu.memory_space<hbm>>, %arg6: memref<80x128xi32, #tpu.memory_space<vmem>>, %arg7: memref<128x128xf32, #tpu.memory_space<vmem>>, %arg8: memref<10240x128xf32, #tpu.memory_space<vmem_shared>>, %arg9: memref<!tpu.dma_semaphore, #tpu.memory_space<semaphore_mem>>) attributes {dimension_semantics = [#tpu.dimension_semantics<core_parallel>, #tpu.dimension_semantics<subcore_parallel>], iteration_bounds = array<i64: 2, 16>, scalar_prefetch = 0 : i64, scratch_operands = 4 : i64, tpu.core_type = #tpu.core_type<sc_vector_subcore>, window_params = [{transform_indices = #map}, {transform_indices = #map1}, {transform_indices = #map1}, {transform_indices = #map1}]} {
    %mul3A = arith.constant 16 : i32
    %mul3A_0 = arith.muli %arg0, %mul3A : i32
    %add3A = arith.addi %mul3A_0, %arg1 : i32
    %dma_start3A = arith.constant 0 : i32
    %dma_start3A_1 = arith.constant 0 : i32
    %dma_start3A_2 = tpu.memref_slice %arg2[%add3A, %dma_start3A, %dma_start3A_1] : memref<32x80x128xi32, #tpu.memory_space<hbm>> -> memref<1x80x128xi32, #tpu.memory_space<hbm>>
    %dma_start3A_3 = tpu.memref_squeeze %dma_start3A_2 : memref<1x80x128xi32, #tpu.memory_space<hbm>> -> memref<80x128xi32, #tpu.memory_space<hbm>>
    %dma_start3A_4 = arith.constant 0 : i32
    %dma_start3A_5 = arith.constant 0 : i32
    %dma_start3A_6 = tpu.memref_slice %arg2[%add3A, %dma_start3A_4, %dma_start3A_5] : memref<32x80x128xi32, #tpu.memory_space<hbm>> -> memref<1x80x128xi32, #tpu.memory_space<hbm>>
    %dma_start3A_7 = tpu.memref_squeeze %dma_start3A_6 : memref<1x80x128xi32, #tpu.memory_space<hbm>> -> memref<80x128xi32, #tpu.memory_space<hbm>>
    tpu.enqueue_dma source(%dma_start3A_7 : memref<80x128xi32, #tpu.memory_space<hbm>>) target(%arg6 : memref<80x128xi32, #tpu.memory_space<vmem>>) target_semaphore(%arg9 : memref<!tpu.dma_semaphore, #tpu.memory_space<semaphore_mem>>)
    %dma_wait3A = arith.constant 0 : i32
    %dma_wait3A_8 = arith.constant 0 : i32
    %dma_wait3A_9 = tpu.memref_slice %arg2[%add3A, %dma_wait3A, %dma_wait3A_8] : memref<32x80x128xi32, #tpu.memory_space<hbm>> -> memref<1x80x128xi32, #tpu.memory_space<hbm>>
    %dma_wait3A_10 = tpu.memref_squeeze %dma_wait3A_9 : memref<1x80x128xi32, #tpu.memory_space<hbm>> -> memref<80x128xi32, #tpu.memory_space<hbm>>
    %dma_wait3A_11 = arith.constant 0 : i32
    %dma_wait3A_12 = arith.constant 0 : i32
    %dma_wait3A_13 = tpu.memref_slice %arg2[%add3A, %dma_wait3A_11, %dma_wait3A_12] : memref<32x80x128xi32, #tpu.memory_space<hbm>> -> memref<1x80x128xi32, #tpu.memory_space<hbm>>
    %dma_wait3A_14 = tpu.memref_squeeze %dma_wait3A_13 : memref<1x80x128xi32, #tpu.memory_space<hbm>> -> memref<80x128xi32, #tpu.memory_space<hbm>>
    tpu.wait_dma2 semaphore(%arg9 : memref<!tpu.dma_semaphore, #tpu.memory_space<semaphore_mem>>) src(%dma_wait3A_14 : memref<80x128xi32, #tpu.memory_space<hbm>>) dst(%arg6 : memref<80x128xi32, #tpu.memory_space<vmem>>)
    tpu.enqueue_dma source(%arg3 : memref<128x128xf32, #tpu.memory_space<hbm>>) target(%arg7 : memref<128x128xf32, #tpu.memory_space<vmem>>) target_semaphore(%arg9 : memref<!tpu.dma_semaphore, #tpu.memory_space<semaphore_mem>>)
    tpu.wait_dma2 semaphore(%arg9 : memref<!tpu.dma_semaphore, #tpu.memory_space<semaphore_mem>>) src(%arg3 : memref<128x128xf32, #tpu.memory_space<hbm>>) dst(%arg7 : memref<128x128xf32, #tpu.memory_space<vmem>>)
    %mul3A_15 = arith.constant 640 : i32
    %mul3A_16 = arith.muli %arg1, %mul3A_15 : i32
    %dma_start3A_17 = arith.constant 0 : i32
    %dma_start3A_18 = tpu.memref_slice %arg8[%mul3A_16, %dma_start3A_17] : memref<10240x128xf32, #tpu.memory_space<vmem_shared>> -> memref<640x128xf32, #tpu.memory_space<vmem_shared>>
    tpu.enqueue_dma source(%arg4 : memref<640x128xf32, #tpu.memory_space<hbm>>) target(%dma_start3A_18 : memref<640x128xf32, #tpu.memory_space<vmem_shared>>) target_semaphore(%arg9 : memref<!tpu.dma_semaphore, #tpu.memory_space<semaphore_mem>>)
    %dma_wait3A_19 = arith.constant 0 : i32
    %dma_wait3A_20 = tpu.memref_slice %arg8[%mul3A_16, %dma_wait3A_19] : memref<10240x128xf32, #tpu.memory_space<vmem_shared>> -> memref<640x128xf32, #tpu.memory_space<vmem_shared>>
    tpu.wait_dma2 semaphore(%arg9 : memref<!tpu.dma_semaphore, #tpu.memory_space<semaphore_mem>>) src(%arg4 : memref<640x128xf32, #tpu.memory_space<hbm>>) dst(%dma_wait3A_20 : memref<640x128xf32, #tpu.memory_space<vmem_shared>>)
    %barrier3A = arith.constant 0 : index
    tpu.barrier barrier_id(%barrier3A)
    %scan3A = arith.constant 0 : i32
    %scan3A_21 = arith.constant 80 : i32
    %scan3A_22 = arith.addi %scan3A, %scan3A_21 : i32
    %scan3A_23 = arith.constant 1 : i32
    scf.for %scan3A_41 = %scan3A to %scan3A_22 step %scan3A_23  : i32 {
      %mul3A_42 = arith.constant 1 : i32
      %mul3A_43 = arith.muli %scan3A_41, %mul3A_42 : i32
      %add3A_44 = arith.constant 0 : i32
      %add3A_45 = arith.addi %add3A_44, %mul3A_43 : i32
      "tpu.region"() ({
        %run_scoped3A = tpu.sem_alloc : memref<!tpu.dma_semaphore, #tpu.memory_space<semaphore_mem>>
        %dma_start3A_46 = arith.constant 0 : i32
        %dma_start3A_47 = tpu.memref_slice %arg6[%add3A_45, %dma_start3A_46] : memref<80x128xi32, #tpu.memory_space<vmem>> -> memref<1x128xi32, #tpu.memory_space<vmem>>
        %dma_start3A_48 = tpu.memref_squeeze %dma_start3A_47 : memref<1x128xi32, #tpu.memory_space<vmem>> -> memref<128xi32, #tpu.memory_space<vmem>>
        %dma_start3A_49 = arith.constant 0 : i32
        %dma_start3A_50 = arith.constant 0 : i32
        %dma_start3A_51 = tpu.memref_slice %arg8[%dma_start3A_49, %dma_start3A_50] : memref<10240x128xf32, #tpu.memory_space<vmem_shared>> -> memref<10240x128xf32, #tpu.memory_space<vmem_shared>>
        tpu.enqueue_indirect_dma source(%arg7 : memref<128x128xf32, #tpu.memory_space<vmem>>) target(%dma_start3A_51 : memref<10240x128xf32, #tpu.memory_space<vmem_shared>>) offsets(%dma_start3A_48 : memref<128xi32, #tpu.memory_space<vmem>>) semaphore(%run_scoped3A : memref<!tpu.dma_semaphore, #tpu.memory_space<semaphore_mem>>) {add = true}
        %dma_wait3A_52 = arith.constant 0 : i32
        %dma_wait3A_53 = tpu.memref_slice %arg6[%add3A_45, %dma_wait3A_52] : memref<80x128xi32, #tpu.memory_space<vmem>> -> memref<1x128xi32, #tpu.memory_space<vmem>>
        %dma_wait3A_54 = tpu.memref_squeeze %dma_wait3A_53 : memref<1x128xi32, #tpu.memory_space<vmem>> -> memref<128xi32, #tpu.memory_space<vmem>>
        %dma_wait3A_55 = arith.constant 0 : i32
        %dma_wait3A_56 = arith.constant 0 : i32
        %dma_wait3A_57 = tpu.memref_slice %arg8[%dma_wait3A_55, %dma_wait3A_56] : memref<10240x128xf32, #tpu.memory_space<vmem_shared>> -> memref<10240x128xf32, #tpu.memory_space<vmem_shared>>
        tpu.wait_indirect_dma semaphore(%run_scoped3A : memref<!tpu.dma_semaphore, #tpu.memory_space<semaphore_mem>>) src(%arg7 : memref<128x128xf32, #tpu.memory_space<vmem>>) dst(%dma_wait3A_57 : memref<10240x128xf32, #tpu.memory_space<vmem_shared>>)
        tpu.yield
      }) : () -> ()
    }
    %scan3A_24 = arith.constant 80 : i32
    %barrier3A_25 = arith.constant 0 : index
    tpu.barrier barrier_id(%barrier3A_25)
    %mul3A_26 = arith.constant 640 : i32
    %mul3A_27 = arith.muli %arg1, %mul3A_26 : i32
    %mul3A_28 = arith.constant 10240 : i32
    %mul3A_29 = arith.muli %arg0, %mul3A_28 : i32
    %mul3A_30 = arith.constant 640 : i32
    %mul3A_31 = arith.muli %arg1, %mul3A_30 : i32
    %add3A_32 = arith.addi %mul3A_29, %mul3A_31 : i32
    %dma_start3A_33 = arith.constant 0 : i32
    %dma_start3A_34 = tpu.memref_slice %arg5[%add3A_32, %dma_start3A_33] : memref<20480x128xf32, #tpu.memory_space<hbm>> -> memref<640x128xf32, #tpu.memory_space<hbm>>
    %dma_start3A_35 = arith.constant 0 : i32
    %dma_start3A_36 = tpu.memref_slice %arg8[%mul3A_27, %dma_start3A_35] : memref<10240x128xf32, #tpu.memory_space<vmem_shared>> -> memref<640x128xf32, #tpu.memory_space<vmem_shared>>
    tpu.enqueue_dma source(%dma_start3A_36 : memref<640x128xf32, #tpu.memory_space<vmem_shared>>) target(%dma_start3A_34 : memref<640x128xf32, #tpu.memory_space<hbm>>) target_semaphore(%arg9 : memref<!tpu.dma_semaphore, #tpu.memory_space<semaphore_mem>>)
    %dma_wait3A_37 = arith.constant 0 : i32
    %dma_wait3A_38 = tpu.memref_slice %arg5[%add3A_32, %dma_wait3A_37] : memref<20480x128xf32, #tpu.memory_space<hbm>> -> memref<640x128xf32, #tpu.memory_space<hbm>>
    %dma_wait3A_39 = arith.constant 0 : i32
    %dma_wait3A_40 = tpu.memref_slice %arg8[%mul3A_27, %dma_wait3A_39] : memref<10240x128xf32, #tpu.memory_space<vmem_shared>> -> memref<640x128xf32, #tpu.memory_space<vmem_shared>>
    tpu.wait_dma2 semaphore(%arg9 : memref<!tpu.dma_semaphore, #tpu.memory_space<semaphore_mem>>) src(%dma_wait3A_40 : memref<640x128xf32, #tpu.memory_space<vmem_shared>>) dst(%dma_wait3A_38 : memref<640x128xf32, #tpu.memory_space<hbm>>)
    return
  }
}

#map = affine_map<(d0, d1) -> (0, 0)>
#map1 = affine_map<(d0, d1) -> (0, 0, 0)>
module attributes {stable_mosaic.version = 14 : i64} {
  func.func @run(%arg0: i32, %arg1: i32, %arg2: memref<10240x128xf32, #tpu.memory_space<hbm>>, %arg3: memref<2560x2x128xi32, #tpu.memory_space<hbm>>, %arg4: memref<640x128xf32, #tpu.memory_space<hbm>>, %arg5: memref<20480x128xf32, #tpu.memory_space<hbm>>, %arg6: memref<2x128xi32, #tpu.memory_space<vmem>>, %arg7: memref<2x128xi32, #tpu.memory_space<vmem>>, %arg8: memref<128x128xf32, #tpu.memory_space<vmem>>, %arg9: memref<128x128xf32, #tpu.memory_space<vmem>>, %arg10: memref<10240x128xf32, #tpu.memory_space<vmem_shared>>, %arg11: memref<!tpu.dma_semaphore, #tpu.memory_space<semaphore_mem>>, %arg12: memref<!tpu.dma_semaphore, #tpu.memory_space<semaphore_mem>>, %arg13: memref<!tpu.dma_semaphore, #tpu.memory_space<semaphore_mem>>, %arg14: memref<!tpu.dma_semaphore, #tpu.memory_space<semaphore_mem>>, %arg15: memref<!tpu.dma_semaphore, #tpu.memory_space<semaphore_mem>>) attributes {dimension_semantics = [#tpu.dimension_semantics<core_parallel>, #tpu.dimension_semantics<subcore_parallel>], iteration_bounds = array<i64: 2, 16>, scalar_prefetch = 0 : i64, scratch_operands = 10 : i64, tpu.core_type = #tpu.core_type<sc_vector_subcore>, window_params = [{transform_indices = #map}, {transform_indices = #map1}, {transform_indices = #map}, {transform_indices = #map}]} {
    %eq3A = arith.constant 0 : i32
    %eq3A_0 = arith.cmpi eq, %arg0, %eq3A : i32
    %mul3A = arith.constant 148 : i32
    %mul3A_1 = arith.muli %arg1, %mul3A : i32
    %mul3A_2 = arith.constant 12 : i32
    %mul3A_3 = arith.muli %arg1, %mul3A_2 : i32
    %add3A = arith.constant 2368 : i32
    %add3A_4 = arith.addi %add3A, %mul3A_3 : i32
    %select_n3A = arith.select %eq3A_0, %mul3A_1, %add3A_4 : i32
    %eq3A_5 = arith.constant 0 : i32
    %eq3A_6 = arith.cmpi eq, %arg0, %eq3A_5 : i32
    %jit3A = arith.constant 74 : i32
    %jit3A_7 = arith.constant 6 : i32
    %select_n3A_8 = arith.select %eq3A_6, %jit3A, %jit3A_7 : i32
    %mul3A_9 = arith.constant 640 : i32
    %mul3A_10 = arith.muli %arg1, %mul3A_9 : i32
    %dma_start3A = arith.constant 0 : i32
    %dma_start3A_11 = tpu.memref_slice %arg10[%mul3A_10, %dma_start3A] : memref<10240x128xf32, #tpu.memory_space<vmem_shared>> -> memref<640x128xf32, #tpu.memory_space<vmem_shared>>
    tpu.enqueue_dma source(%arg4 : memref<640x128xf32, #tpu.memory_space<hbm>>) target(%dma_start3A_11 : memref<640x128xf32, #tpu.memory_space<vmem_shared>>) target_semaphore(%arg15 : memref<!tpu.dma_semaphore, #tpu.memory_space<semaphore_mem>>)
    %dma_start3A_12 = arith.constant 0 : i32
    %dma_start3A_13 = arith.constant 0 : i32
    %dma_start3A_14 = tpu.memref_slice %arg3[%select_n3A, %dma_start3A_12, %dma_start3A_13] : memref<2560x2x128xi32, #tpu.memory_space<hbm>> -> memref<1x2x128xi32, #tpu.memory_space<hbm>>
    %dma_start3A_15 = tpu.memref_squeeze %dma_start3A_14 : memref<1x2x128xi32, #tpu.memory_space<hbm>> -> memref<2x128xi32, #tpu.memory_space<hbm>>
    %dma_start3A_16 = arith.constant 0 : i32
    %dma_start3A_17 = arith.constant 0 : i32
    %dma_start3A_18 = tpu.memref_slice %arg3[%select_n3A, %dma_start3A_16, %dma_start3A_17] : memref<2560x2x128xi32, #tpu.memory_space<hbm>> -> memref<1x2x128xi32, #tpu.memory_space<hbm>>
    %dma_start3A_19 = tpu.memref_squeeze %dma_start3A_18 : memref<1x2x128xi32, #tpu.memory_space<hbm>> -> memref<2x128xi32, #tpu.memory_space<hbm>>
    tpu.enqueue_dma source(%dma_start3A_19 : memref<2x128xi32, #tpu.memory_space<hbm>>) target(%arg6 : memref<2x128xi32, #tpu.memory_space<vmem>>) target_semaphore(%arg13 : memref<!tpu.dma_semaphore, #tpu.memory_space<semaphore_mem>>)
    %dma_wait3A = arith.constant 0 : i32
    %dma_wait3A_20 = arith.constant 0 : i32
    %dma_wait3A_21 = tpu.memref_slice %arg3[%select_n3A, %dma_wait3A, %dma_wait3A_20] : memref<2560x2x128xi32, #tpu.memory_space<hbm>> -> memref<1x2x128xi32, #tpu.memory_space<hbm>>
    %dma_wait3A_22 = tpu.memref_squeeze %dma_wait3A_21 : memref<1x2x128xi32, #tpu.memory_space<hbm>> -> memref<2x128xi32, #tpu.memory_space<hbm>>
    %dma_wait3A_23 = arith.constant 0 : i32
    %dma_wait3A_24 = arith.constant 0 : i32
    %dma_wait3A_25 = tpu.memref_slice %arg3[%select_n3A, %dma_wait3A_23, %dma_wait3A_24] : memref<2560x2x128xi32, #tpu.memory_space<hbm>> -> memref<1x2x128xi32, #tpu.memory_space<hbm>>
    %dma_wait3A_26 = tpu.memref_squeeze %dma_wait3A_25 : memref<1x2x128xi32, #tpu.memory_space<hbm>> -> memref<2x128xi32, #tpu.memory_space<hbm>>
    tpu.wait_dma2 semaphore(%arg13 : memref<!tpu.dma_semaphore, #tpu.memory_space<semaphore_mem>>) src(%dma_wait3A_26 : memref<2x128xi32, #tpu.memory_space<hbm>>) dst(%arg6 : memref<2x128xi32, #tpu.memory_space<vmem>>)
    %add3A_27 = arith.constant 1 : i32
    %add3A_28 = arith.addi %select_n3A, %add3A_27 : i32
    %dma_start3A_29 = arith.constant 0 : i32
    %dma_start3A_30 = arith.constant 0 : i32
    %dma_start3A_31 = tpu.memref_slice %arg3[%add3A_28, %dma_start3A_29, %dma_start3A_30] : memref<2560x2x128xi32, #tpu.memory_space<hbm>> -> memref<1x2x128xi32, #tpu.memory_space<hbm>>
    %dma_start3A_32 = tpu.memref_squeeze %dma_start3A_31 : memref<1x2x128xi32, #tpu.memory_space<hbm>> -> memref<2x128xi32, #tpu.memory_space<hbm>>
    %dma_start3A_33 = arith.constant 0 : i32
    %dma_start3A_34 = arith.constant 0 : i32
    %dma_start3A_35 = tpu.memref_slice %arg3[%add3A_28, %dma_start3A_33, %dma_start3A_34] : memref<2560x2x128xi32, #tpu.memory_space<hbm>> -> memref<1x2x128xi32, #tpu.memory_space<hbm>>
    %dma_start3A_36 = tpu.memref_squeeze %dma_start3A_35 : memref<1x2x128xi32, #tpu.memory_space<hbm>> -> memref<2x128xi32, #tpu.memory_space<hbm>>
    tpu.enqueue_dma source(%dma_start3A_36 : memref<2x128xi32, #tpu.memory_space<hbm>>) target(%arg7 : memref<2x128xi32, #tpu.memory_space<vmem>>) target_semaphore(%arg14 : memref<!tpu.dma_semaphore, #tpu.memory_space<semaphore_mem>>)
    %mul3A_37 = arith.constant 640 : i32
    %mul3A_38 = arith.muli %arg1, %mul3A_37 : i32
    %dma_wait3A_39 = arith.constant 0 : i32
    %dma_wait3A_40 = tpu.memref_slice %arg10[%mul3A_38, %dma_wait3A_39] : memref<10240x128xf32, #tpu.memory_space<vmem_shared>> -> memref<640x128xf32, #tpu.memory_space<vmem_shared>>
    tpu.wait_dma2 semaphore(%arg15 : memref<!tpu.dma_semaphore, #tpu.memory_space<semaphore_mem>>) src(%arg4 : memref<640x128xf32, #tpu.memory_space<hbm>>) dst(%dma_wait3A_40 : memref<640x128xf32, #tpu.memory_space<vmem_shared>>)
    %barrier3A = arith.constant 0 : index
    tpu.barrier barrier_id(%barrier3A)
    %dma_start3A_41 = arith.constant 0 : i32
    %dma_start3A_42 = arith.constant 0 : i32
    %dma_start3A_43 = tpu.memref_slice %arg6[%dma_start3A_41, %dma_start3A_42] : memref<2x128xi32, #tpu.memory_space<vmem>> -> memref<1x128xi32, #tpu.memory_space<vmem>>
    %dma_start3A_44 = tpu.memref_squeeze %dma_start3A_43 : memref<1x128xi32, #tpu.memory_space<vmem>> -> memref<128xi32, #tpu.memory_space<vmem>>
    %dma_start3A_45 = arith.constant 0 : i32
    %dma_start3A_46 = arith.constant 0 : i32
    %dma_start3A_47 = tpu.memref_slice %arg2[%dma_start3A_45, %dma_start3A_46] : memref<10240x128xf32, #tpu.memory_space<hbm>> -> memref<10240x128xf32, #tpu.memory_space<hbm>>
    tpu.enqueue_indirect_dma source(%dma_start3A_47 : memref<10240x128xf32, #tpu.memory_space<hbm>>) target(%arg8 : memref<128x128xf32, #tpu.memory_space<vmem>>) offsets(%dma_start3A_44 : memref<128xi32, #tpu.memory_space<vmem>>) semaphore(%arg11 : memref<!tpu.dma_semaphore, #tpu.memory_space<semaphore_mem>>)
    %sub3A = arith.constant 0 : i32
    %sub3A_48 = arith.subi %select_n3A_8, %sub3A : i32
    %sub3A_49 = arith.constant 1 : i32
    %sub3A_50 = arith.constant 1 : i32
    %sub3A_51 = arith.subi %sub3A_49, %sub3A_50 : i32
    %add3A_52 = arith.addi %sub3A_48, %sub3A_51 : i32
    %div3A = arith.constant 1 : i32
    %div3A_53 = arith.divsi %add3A_52, %div3A : i32
    %while3A = arith.constant 1 : i32
    %while3A_54 = arith.constant 0 : i32
    %while3A_55 = arith.constant 0 : i32
    %while3A_56 = arith.subi %div3A_53, %while3A_55 : i32
    %while3A_57 = arith.addi %while3A_55, %while3A_56 : i32
    %while3A_58 = arith.constant 1 : i32
    %while3A_59 = arith.divsi %while3A_56, %while3A_58 : i32
    %while3A_60 = arith.muli %while3A_59, %while3A_58 : i32
    %while3A_61 = arith.addi %while3A_55, %while3A_60 : i32
    %while3A_62 = arith.constant 1 : i32
    scf.for %while3A_80 = %while3A_55 to %while3A_61 step %while3A_62  : i32 {
      %mul3A_81 = arith.muli %while3A_80, %while3A : i32
      %add3A_82 = arith.addi %while3A_54, %mul3A_81 : i32
      %mul3A_83 = arith.constant 2 : i32
      %mul3A_84 = arith.muli %mul3A_83, %add3A_82 : i32
      %add3A_85 = arith.addi %select_n3A, %mul3A_84 : i32
      %dma_wait3A_86 = arith.constant 0 : i32
      %dma_wait3A_87 = arith.constant 0 : i32
      %dma_wait3A_88 = tpu.memref_slice %arg6[%dma_wait3A_86, %dma_wait3A_87] : memref<2x128xi32, #tpu.memory_space<vmem>> -> memref<1x128xi32, #tpu.memory_space<vmem>>
      %dma_wait3A_89 = tpu.memref_squeeze %dma_wait3A_88 : memref<1x128xi32, #tpu.memory_space<vmem>> -> memref<128xi32, #tpu.memory_space<vmem>>
      %dma_wait3A_90 = arith.constant 0 : i32
      %dma_wait3A_91 = arith.constant 0 : i32
      %dma_wait3A_92 = tpu.memref_slice %arg2[%dma_wait3A_90, %dma_wait3A_91] : memref<10240x128xf32, #tpu.memory_space<hbm>> -> memref<10240x128xf32, #tpu.memory_space<hbm>>
      tpu.wait_indirect_dma semaphore(%arg11 : memref<!tpu.dma_semaphore, #tpu.memory_space<semaphore_mem>>) src(%dma_wait3A_92 : memref<10240x128xf32, #tpu.memory_space<hbm>>) dst(%arg8 : memref<128x128xf32, #tpu.memory_space<vmem>>)
      %add3A_93 = arith.constant 1 : i32
      %add3A_94 = arith.addi %add3A_85, %add3A_93 : i32
      %dma_wait3A_95 = arith.constant 0 : i32
      %dma_wait3A_96 = arith.constant 0 : i32
      %dma_wait3A_97 = tpu.memref_slice %arg3[%add3A_94, %dma_wait3A_95, %dma_wait3A_96] : memref<2560x2x128xi32, #tpu.memory_space<hbm>> -> memref<1x2x128xi32, #tpu.memory_space<hbm>>
      %dma_wait3A_98 = tpu.memref_squeeze %dma_wait3A_97 : memref<1x2x128xi32, #tpu.memory_space<hbm>> -> memref<2x128xi32, #tpu.memory_space<hbm>>
      %dma_wait3A_99 = arith.constant 0 : i32
      %dma_wait3A_100 = arith.constant 0 : i32
      %dma_wait3A_101 = tpu.memref_slice %arg3[%add3A_94, %dma_wait3A_99, %dma_wait3A_100] : memref<2560x2x128xi32, #tpu.memory_space<hbm>> -> memref<1x2x128xi32, #tpu.memory_space<hbm>>
      %dma_wait3A_102 = tpu.memref_squeeze %dma_wait3A_101 : memref<1x2x128xi32, #tpu.memory_space<hbm>> -> memref<2x128xi32, #tpu.memory_space<hbm>>
      tpu.wait_dma2 semaphore(%arg14 : memref<!tpu.dma_semaphore, #tpu.memory_space<semaphore_mem>>) src(%dma_wait3A_102 : memref<2x128xi32, #tpu.memory_space<hbm>>) dst(%arg7 : memref<2x128xi32, #tpu.memory_space<vmem>>)
      %dma_start3A_103 = arith.constant 0 : i32
      %dma_start3A_104 = arith.constant 0 : i32
      %dma_start3A_105 = tpu.memref_slice %arg7[%dma_start3A_103, %dma_start3A_104] : memref<2x128xi32, #tpu.memory_space<vmem>> -> memref<1x128xi32, #tpu.memory_space<vmem>>
      %dma_start3A_106 = tpu.memref_squeeze %dma_start3A_105 : memref<1x128xi32, #tpu.memory_space<vmem>> -> memref<128xi32, #tpu.memory_space<vmem>>
      %dma_start3A_107 = arith.constant 0 : i32
      %dma_start3A_108 = arith.constant 0 : i32
      %dma_start3A_109 = tpu.memref_slice %arg2[%dma_start3A_107, %dma_start3A_108] : memref<10240x128xf32, #tpu.memory_space<hbm>> -> memref<10240x128xf32, #tpu.memory_space<hbm>>
      tpu.enqueue_indirect_dma source(%dma_start3A_109 : memref<10240x128xf32, #tpu.memory_space<hbm>>) target(%arg9 : memref<128x128xf32, #tpu.memory_space<vmem>>) offsets(%dma_start3A_106 : memref<128xi32, #tpu.memory_space<vmem>>) semaphore(%arg12 : memref<!tpu.dma_semaphore, #tpu.memory_space<semaphore_mem>>)
      %run_scoped3A = arith.constant 1 : i32
      "tpu.region"() ({
        %run_scoped3A_119 = tpu.sem_alloc : memref<!tpu.dma_semaphore, #tpu.memory_space<semaphore_mem>>
        %dma_start3A_120 = arith.constant 0 : i32
        %dma_start3A_121 = tpu.memref_slice %arg6[%run_scoped3A, %dma_start3A_120] : memref<2x128xi32, #tpu.memory_space<vmem>> -> memref<1x128xi32, #tpu.memory_space<vmem>>
        %dma_start3A_122 = tpu.memref_squeeze %dma_start3A_121 : memref<1x128xi32, #tpu.memory_space<vmem>> -> memref<128xi32, #tpu.memory_space<vmem>>
        %dma_start3A_123 = arith.constant 0 : i32
        %dma_start3A_124 = arith.constant 0 : i32
        %dma_start3A_125 = tpu.memref_slice %arg10[%dma_start3A_123, %dma_start3A_124] : memref<10240x128xf32, #tpu.memory_space<vmem_shared>> -> memref<10240x128xf32, #tpu.memory_space<vmem_shared>>
        tpu.enqueue_indirect_dma source(%arg8 : memref<128x128xf32, #tpu.memory_space<vmem>>) target(%dma_start3A_125 : memref<10240x128xf32, #tpu.memory_space<vmem_shared>>) offsets(%dma_start3A_122 : memref<128xi32, #tpu.memory_space<vmem>>) semaphore(%run_scoped3A_119 : memref<!tpu.dma_semaphore, #tpu.memory_space<semaphore_mem>>) {add = true}
        %dma_wait3A_126 = arith.constant 0 : i32
        %dma_wait3A_127 = tpu.memref_slice %arg6[%run_scoped3A, %dma_wait3A_126] : memref<2x128xi32, #tpu.memory_space<vmem>> -> memref<1x128xi32, #tpu.memory_space<vmem>>
        %dma_wait3A_128 = tpu.memref_squeeze %dma_wait3A_127 : memref<1x128xi32, #tpu.memory_space<vmem>> -> memref<128xi32, #tpu.memory_space<vmem>>
        %dma_wait3A_129 = arith.constant 0 : i32
        %dma_wait3A_130 = arith.constant 0 : i32
        %dma_wait3A_131 = tpu.memref_slice %arg10[%dma_wait3A_129, %dma_wait3A_130] : memref<10240x128xf32, #tpu.memory_space<vmem_shared>> -> memref<10240x128xf32, #tpu.memory_space<vmem_shared>>
        tpu.wait_indirect_dma semaphore(%run_scoped3A_119 : memref<!tpu.dma_semaphore, #tpu.memory_space<semaphore_mem>>) src(%arg8 : memref<128x128xf32, #tpu.memory_space<vmem>>) dst(%dma_wait3A_131 : memref<10240x128xf32, #tpu.memory_space<vmem_shared>>)
        tpu.yield
      }) : () -> ()
      %sub3A_110 = arith.constant 1 : i32
      %sub3A_111 = arith.subi %select_n3A_8, %sub3A_110 : i32
      %lt3A = arith.cmpi slt, %add3A_82, %sub3A_111 : i32
      %convert_element_type3A = arith.extui %lt3A : i1 to i32
      %cond3A = arith.constant 0 : i32
      %cond3A_112 = arith.cmpi ne, %convert_element_type3A, %cond3A : i32
      scf.if %cond3A_112 {
        %add3A_119 = arith.constant 2 : i32
        %add3A_120 = arith.addi %add3A_85, %add3A_119 : i32
        %dma_start3A_121 = arith.constant 0 : i32
        %dma_start3A_122 = arith.constant 0 : i32
        %dma_start3A_123 = tpu.memref_slice %arg3[%add3A_120, %dma_start3A_121, %dma_start3A_122] : memref<2560x2x128xi32, #tpu.memory_space<hbm>> -> memref<1x2x128xi32, #tpu.memory_space<hbm>>
        %dma_start3A_124 = tpu.memref_squeeze %dma_start3A_123 : memref<1x2x128xi32, #tpu.memory_space<hbm>> -> memref<2x128xi32, #tpu.memory_space<hbm>>
        %dma_start3A_125 = arith.constant 0 : i32
        %dma_start3A_126 = arith.constant 0 : i32
        %dma_start3A_127 = tpu.memref_slice %arg3[%add3A_120, %dma_start3A_125, %dma_start3A_126] : memref<2560x2x128xi32, #tpu.memory_space<hbm>> -> memref<1x2x128xi32, #tpu.memory_space<hbm>>
        %dma_start3A_128 = tpu.memref_squeeze %dma_start3A_127 : memref<1x2x128xi32, #tpu.memory_space<hbm>> -> memref<2x128xi32, #tpu.memory_space<hbm>>
        tpu.enqueue_dma source(%dma_start3A_128 : memref<2x128xi32, #tpu.memory_space<hbm>>) target(%arg6 : memref<2x128xi32, #tpu.memory_space<vmem>>) target_semaphore(%arg13 : memref<!tpu.dma_semaphore, #tpu.memory_space<semaphore_mem>>)
        %dma_wait3A_129 = arith.constant 0 : i32
        %dma_wait3A_130 = arith.constant 0 : i32
        %dma_wait3A_131 = tpu.memref_slice %arg7[%dma_wait3A_129, %dma_wait3A_130] : memref<2x128xi32, #tpu.memory_space<vmem>> -> memref<1x128xi32, #tpu.memory_space<vmem>>
        %dma_wait3A_132 = tpu.memref_squeeze %dma_wait3A_131 : memref<1x128xi32, #tpu.memory_space<vmem>> -> memref<128xi32, #tpu.memory_space<vmem>>
        %dma_wait3A_133 = arith.constant 0 : i32
        %dma_wait3A_134 = arith.constant 0 : i32
        %dma_wait3A_135 = tpu.memref_slice %arg2[%dma_wait3A_133, %dma_wait3A_134] : memref<10240x128xf32, #tpu.memory_space<hbm>> -> memref<10240x128xf32, #tpu.memory_space<hbm>>
        tpu.wait_indirect_dma semaphore(%arg12 : memref<!tpu.dma_semaphore, #tpu.memory_space<semaphore_mem>>) src(%dma_wait3A_135 : memref<10240x128xf32, #tpu.memory_space<hbm>>) dst(%arg9 : memref<128x128xf32, #tpu.memory_space<vmem>>)
        %dma_wait3A_136 = arith.constant 0 : i32
        %dma_wait3A_137 = arith.constant 0 : i32
        %dma_wait3A_138 = tpu.memref_slice %arg3[%add3A_120, %dma_wait3A_136, %dma_wait3A_137] : memref<2560x2x128xi32, #tpu.memory_space<hbm>> -> memref<1x2x128xi32, #tpu.memory_space<hbm>>
        %dma_wait3A_139 = tpu.memref_squeeze %dma_wait3A_138 : memref<1x2x128xi32, #tpu.memory_space<hbm>> -> memref<2x128xi32, #tpu.memory_space<hbm>>
        %dma_wait3A_140 = arith.constant 0 : i32
        %dma_wait3A_141 = arith.constant 0 : i32
        %dma_wait3A_142 = tpu.memref_slice %arg3[%add3A_120, %dma_wait3A_140, %dma_wait3A_141] : memref<2560x2x128xi32, #tpu.memory_space<hbm>> -> memref<1x2x128xi32, #tpu.memory_space<hbm>>
        %dma_wait3A_143 = tpu.memref_squeeze %dma_wait3A_142 : memref<1x2x128xi32, #tpu.memory_space<hbm>> -> memref<2x128xi32, #tpu.memory_space<hbm>>
        tpu.wait_dma2 semaphore(%arg13 : memref<!tpu.dma_semaphore, #tpu.memory_space<semaphore_mem>>) src(%dma_wait3A_143 : memref<2x128xi32, #tpu.memory_space<hbm>>) dst(%arg6 : memref<2x128xi32, #tpu.memory_space<vmem>>)
        %dma_start3A_144 = arith.constant 0 : i32
        %dma_start3A_145 = arith.constant 0 : i32
        %dma_start3A_146 = tpu.memref_slice %arg6[%dma_start3A_144, %dma_start3A_145] : memref<2x128xi32, #tpu.memory_space<vmem>> -> memref<1x128xi32, #tpu.memory_space<vmem>>
        %dma_start3A_147 = tpu.memref_squeeze %dma_start3A_146 : memref<1x128xi32, #tpu.memory_space<vmem>> -> memref<128xi32, #tpu.memory_space<vmem>>
        %dma_start3A_148 = arith.constant 0 : i32
        %dma_start3A_149 = arith.constant 0 : i32
        %dma_start3A_150 = tpu.memref_slice %arg2[%dma_start3A_148, %dma_start3A_149] : memref<10240x128xf32, #tpu.memory_space<hbm>> -> memref<10240x128xf32, #tpu.memory_space<hbm>>
        tpu.enqueue_indirect_dma source(%dma_start3A_150 : memref<10240x128xf32, #tpu.memory_space<hbm>>) target(%arg8 : memref<128x128xf32, #tpu.memory_space<vmem>>) offsets(%dma_start3A_147 : memref<128xi32, #tpu.memory_space<vmem>>) semaphore(%arg11 : memref<!tpu.dma_semaphore, #tpu.memory_space<semaphore_mem>>)
        %run_scoped3A_151 = arith.constant 1 : i32
        "tpu.region"() ({
          %run_scoped3A_162 = tpu.sem_alloc : memref<!tpu.dma_semaphore, #tpu.memory_space<semaphore_mem>>
          %dma_start3A_163 = arith.constant 0 : i32
          %dma_start3A_164 = tpu.memref_slice %arg7[%run_scoped3A_151, %dma_start3A_163] : memref<2x128xi32, #tpu.memory_space<vmem>> -> memref<1x128xi32, #tpu.memory_space<vmem>>
          %dma_start3A_165 = tpu.memref_squeeze %dma_start3A_164 : memref<1x128xi32, #tpu.memory_space<vmem>> -> memref<128xi32, #tpu.memory_space<vmem>>
          %dma_start3A_166 = arith.constant 0 : i32
          %dma_start3A_167 = arith.constant 0 : i32
          %dma_start3A_168 = tpu.memref_slice %arg10[%dma_start3A_166, %dma_start3A_167] : memref<10240x128xf32, #tpu.memory_space<vmem_shared>> -> memref<10240x128xf32, #tpu.memory_space<vmem_shared>>
          tpu.enqueue_indirect_dma source(%arg9 : memref<128x128xf32, #tpu.memory_space<vmem>>) target(%dma_start3A_168 : memref<10240x128xf32, #tpu.memory_space<vmem_shared>>) offsets(%dma_start3A_165 : memref<128xi32, #tpu.memory_space<vmem>>) semaphore(%run_scoped3A_162 : memref<!tpu.dma_semaphore, #tpu.memory_space<semaphore_mem>>) {add = true}
          %dma_wait3A_169 = arith.constant 0 : i32
          %dma_wait3A_170 = tpu.memref_slice %arg7[%run_scoped3A_151, %dma_wait3A_169] : memref<2x128xi32, #tpu.memory_space<vmem>> -> memref<1x128xi32, #tpu.memory_space<vmem>>
          %dma_wait3A_171 = tpu.memref_squeeze %dma_wait3A_170 : memref<1x128xi32, #tpu.memory_space<vmem>> -> memref<128xi32, #tpu.memory_space<vmem>>
          %dma_wait3A_172 = arith.constant 0 : i32
          %dma_wait3A_173 = arith.constant 0 : i32
          %dma_wait3A_174 = tpu.memref_slice %arg10[%dma_wait3A_172, %dma_wait3A_173] : memref<10240x128xf32, #tpu.memory_space<vmem_shared>> -> memref<10240x128xf32, #tpu.memory_space<vmem_shared>>
          tpu.wait_indirect_dma semaphore(%run_scoped3A_162 : memref<!tpu.dma_semaphore, #tpu.memory_space<semaphore_mem>>) src(%arg9 : memref<128x128xf32, #tpu.memory_space<vmem>>) dst(%dma_wait3A_174 : memref<10240x128xf32, #tpu.memory_space<vmem_shared>>)
          tpu.yield
        }) : () -> ()
        %add3A_152 = arith.constant 3 : i32
        %add3A_153 = arith.addi %add3A_85, %add3A_152 : i32
        %dma_start3A_154 = arith.constant 0 : i32
        %dma_start3A_155 = arith.constant 0 : i32
        %dma_start3A_156 = tpu.memref_slice %arg3[%add3A_153, %dma_start3A_154, %dma_start3A_155] : memref<2560x2x128xi32, #tpu.memory_space<hbm>> -> memref<1x2x128xi32, #tpu.memory_space<hbm>>
        %dma_start3A_157 = tpu.memref_squeeze %dma_start3A_156 : memref<1x2x128xi32, #tpu.memory_space<hbm>> -> memref<2x128xi32, #tpu.memory_space<hbm>>
        %dma_start3A_158 = arith.constant 0 : i32
        %dma_start3A_159 = arith.constant 0 : i32
        %dma_start3A_160 = tpu.memref_slice %arg3[%add3A_153, %dma_start3A_158, %dma_start3A_159] : memref<2560x2x128xi32, #tpu.memory_space<hbm>> -> memref<1x2x128xi32, #tpu.memory_space<hbm>>
        %dma_start3A_161 = tpu.memref_squeeze %dma_start3A_160 : memref<1x2x128xi32, #tpu.memory_space<hbm>> -> memref<2x128xi32, #tpu.memory_space<hbm>>
        tpu.enqueue_dma source(%dma_start3A_161 : memref<2x128xi32, #tpu.memory_space<hbm>>) target(%arg7 : memref<2x128xi32, #tpu.memory_space<vmem>>) target_semaphore(%arg14 : memref<!tpu.dma_semaphore, #tpu.memory_space<semaphore_mem>>)
      } else {
      }
      %sub3A_113 = arith.constant 1 : i32
      %sub3A_114 = arith.subi %select_n3A_8, %sub3A_113 : i32
      %eq3A_115 = arith.cmpi eq, %add3A_82, %sub3A_114 : i32
      %convert_element_type3A_116 = arith.extui %eq3A_115 : i1 to i32
      %cond3A_117 = arith.constant 0 : i32
      %cond3A_118 = arith.cmpi ne, %convert_element_type3A_116, %cond3A_117 : i32
      scf.if %cond3A_118 {
        %dma_wait3A_119 = arith.constant 0 : i32
        %dma_wait3A_120 = arith.constant 0 : i32
        %dma_wait3A_121 = tpu.memref_slice %arg7[%dma_wait3A_119, %dma_wait3A_120] : memref<2x128xi32, #tpu.memory_space<vmem>> -> memref<1x128xi32, #tpu.memory_space<vmem>>
        %dma_wait3A_122 = tpu.memref_squeeze %dma_wait3A_121 : memref<1x128xi32, #tpu.memory_space<vmem>> -> memref<128xi32, #tpu.memory_space<vmem>>
        %dma_wait3A_123 = arith.constant 0 : i32
        %dma_wait3A_124 = arith.constant 0 : i32
        %dma_wait3A_125 = tpu.memref_slice %arg2[%dma_wait3A_123, %dma_wait3A_124] : memref<10240x128xf32, #tpu.memory_space<hbm>> -> memref<10240x128xf32, #tpu.memory_space<hbm>>
        tpu.wait_indirect_dma semaphore(%arg12 : memref<!tpu.dma_semaphore, #tpu.memory_space<semaphore_mem>>) src(%dma_wait3A_125 : memref<10240x128xf32, #tpu.memory_space<hbm>>) dst(%arg9 : memref<128x128xf32, #tpu.memory_space<vmem>>)
        %run_scoped3A_126 = arith.constant 1 : i32
        "tpu.region"() ({
          %run_scoped3A_127 = tpu.sem_alloc : memref<!tpu.dma_semaphore, #tpu.memory_space<semaphore_mem>>
          %dma_start3A_128 = arith.constant 0 : i32
          %dma_start3A_129 = tpu.memref_slice %arg7[%run_scoped3A_126, %dma_start3A_128] : memref<2x128xi32, #tpu.memory_space<vmem>> -> memref<1x128xi32, #tpu.memory_space<vmem>>
          %dma_start3A_130 = tpu.memref_squeeze %dma_start3A_129 : memref<1x128xi32, #tpu.memory_space<vmem>> -> memref<128xi32, #tpu.memory_space<vmem>>
          %dma_start3A_131 = arith.constant 0 : i32
          %dma_start3A_132 = arith.constant 0 : i32
          %dma_start3A_133 = tpu.memref_slice %arg10[%dma_start3A_131, %dma_start3A_132] : memref<10240x128xf32, #tpu.memory_space<vmem_shared>> -> memref<10240x128xf32, #tpu.memory_space<vmem_shared>>
          tpu.enqueue_indirect_dma source(%arg9 : memref<128x128xf32, #tpu.memory_space<vmem>>) target(%dma_start3A_133 : memref<10240x128xf32, #tpu.memory_space<vmem_shared>>) offsets(%dma_start3A_130 : memref<128xi32, #tpu.memory_space<vmem>>) semaphore(%run_scoped3A_127 : memref<!tpu.dma_semaphore, #tpu.memory_space<semaphore_mem>>) {add = true}
          %dma_wait3A_134 = arith.constant 0 : i32
          %dma_wait3A_135 = tpu.memref_slice %arg7[%run_scoped3A_126, %dma_wait3A_134] : memref<2x128xi32, #tpu.memory_space<vmem>> -> memref<1x128xi32, #tpu.memory_space<vmem>>
          %dma_wait3A_136 = tpu.memref_squeeze %dma_wait3A_135 : memref<1x128xi32, #tpu.memory_space<vmem>> -> memref<128xi32, #tpu.memory_space<vmem>>
          %dma_wait3A_137 = arith.constant 0 : i32
          %dma_wait3A_138 = arith.constant 0 : i32
          %dma_wait3A_139 = tpu.memref_slice %arg10[%dma_wait3A_137, %dma_wait3A_138] : memref<10240x128xf32, #tpu.memory_space<vmem_shared>> -> memref<10240x128xf32, #tpu.memory_space<vmem_shared>>
          tpu.wait_indirect_dma semaphore(%run_scoped3A_127 : memref<!tpu.dma_semaphore, #tpu.memory_space<semaphore_mem>>) src(%arg9 : memref<128x128xf32, #tpu.memory_space<vmem>>) dst(%dma_wait3A_139 : memref<10240x128xf32, #tpu.memory_space<vmem_shared>>)
          tpu.yield
        }) : () -> ()
      } else {
      }
    }
    %while3A_63 = arith.constant 1 : i32
    scf.for %while3A_80 = %while3A_61 to %while3A_57 step %while3A_63  : i32 {
      %mul3A_81 = arith.muli %while3A_80, %while3A : i32
      %add3A_82 = arith.addi %while3A_54, %mul3A_81 : i32
      %mul3A_83 = arith.constant 2 : i32
      %mul3A_84 = arith.muli %mul3A_83, %add3A_82 : i32
      %add3A_85 = arith.addi %select_n3A, %mul3A_84 : i32
      %dma_wait3A_86 = arith.constant 0 : i32
      %dma_wait3A_87 = arith.constant 0 : i32
      %dma_wait3A_88 = tpu.memref_slice %arg6[%dma_wait3A_86, %dma_wait3A_87] : memref<2x128xi32, #tpu.memory_space<vmem>> -> memref<1x128xi32, #tpu.memory_space<vmem>>
      %dma_wait3A_89 = tpu.memref_squeeze %dma_wait3A_88 : memref<1x128xi32, #tpu.memory_space<vmem>> -> memref<128xi32, #tpu.memory_space<vmem>>
      %dma_wait3A_90 = arith.constant 0 : i32
      %dma_wait3A_91 = arith.constant 0 : i32
      %dma_wait3A_92 = tpu.memref_slice %arg2[%dma_wait3A_90, %dma_wait3A_91] : memref<10240x128xf32, #tpu.memory_space<hbm>> -> memref<10240x128xf32, #tpu.memory_space<hbm>>
      tpu.wait_indirect_dma semaphore(%arg11 : memref<!tpu.dma_semaphore, #tpu.memory_space<semaphore_mem>>) src(%dma_wait3A_92 : memref<10240x128xf32, #tpu.memory_space<hbm>>) dst(%arg8 : memref<128x128xf32, #tpu.memory_space<vmem>>)
      %add3A_93 = arith.constant 1 : i32
      %add3A_94 = arith.addi %add3A_85, %add3A_93 : i32
      %dma_wait3A_95 = arith.constant 0 : i32
      %dma_wait3A_96 = arith.constant 0 : i32
      %dma_wait3A_97 = tpu.memref_slice %arg3[%add3A_94, %dma_wait3A_95, %dma_wait3A_96] : memref<2560x2x128xi32, #tpu.memory_space<hbm>> -> memref<1x2x128xi32, #tpu.memory_space<hbm>>
      %dma_wait3A_98 = tpu.memref_squeeze %dma_wait3A_97 : memref<1x2x128xi32, #tpu.memory_space<hbm>> -> memref<2x128xi32, #tpu.memory_space<hbm>>
      %dma_wait3A_99 = arith.constant 0 : i32
      %dma_wait3A_100 = arith.constant 0 : i32
      %dma_wait3A_101 = tpu.memref_slice %arg3[%add3A_94, %dma_wait3A_99, %dma_wait3A_100] : memref<2560x2x128xi32, #tpu.memory_space<hbm>> -> memref<1x2x128xi32, #tpu.memory_space<hbm>>
      %dma_wait3A_102 = tpu.memref_squeeze %dma_wait3A_101 : memref<1x2x128xi32, #tpu.memory_space<hbm>> -> memref<2x128xi32, #tpu.memory_space<hbm>>
      tpu.wait_dma2 semaphore(%arg14 : memref<!tpu.dma_semaphore, #tpu.memory_space<semaphore_mem>>) src(%dma_wait3A_102 : memref<2x128xi32, #tpu.memory_space<hbm>>) dst(%arg7 : memref<2x128xi32, #tpu.memory_space<vmem>>)
      %dma_start3A_103 = arith.constant 0 : i32
      %dma_start3A_104 = arith.constant 0 : i32
      %dma_start3A_105 = tpu.memref_slice %arg7[%dma_start3A_103, %dma_start3A_104] : memref<2x128xi32, #tpu.memory_space<vmem>> -> memref<1x128xi32, #tpu.memory_space<vmem>>
      %dma_start3A_106 = tpu.memref_squeeze %dma_start3A_105 : memref<1x128xi32, #tpu.memory_space<vmem>> -> memref<128xi32, #tpu.memory_space<vmem>>
      %dma_start3A_107 = arith.constant 0 : i32
      %dma_start3A_108 = arith.constant 0 : i32
      %dma_start3A_109 = tpu.memref_slice %arg2[%dma_start3A_107, %dma_start3A_108] : memref<10240x128xf32, #tpu.memory_space<hbm>> -> memref<10240x128xf32, #tpu.memory_space<hbm>>
      tpu.enqueue_indirect_dma source(%dma_start3A_109 : memref<10240x128xf32, #tpu.memory_space<hbm>>) target(%arg9 : memref<128x128xf32, #tpu.memory_space<vmem>>) offsets(%dma_start3A_106 : memref<128xi32, #tpu.memory_space<vmem>>) semaphore(%arg12 : memref<!tpu.dma_semaphore, #tpu.memory_space<semaphore_mem>>)
      %run_scoped3A = arith.constant 1 : i32
      "tpu.region"() ({
        %run_scoped3A_119 = tpu.sem_alloc : memref<!tpu.dma_semaphore, #tpu.memory_space<semaphore_mem>>
        %dma_start3A_120 = arith.constant 0 : i32
        %dma_start3A_121 = tpu.memref_slice %arg6[%run_scoped3A, %dma_start3A_120] : memref<2x128xi32, #tpu.memory_space<vmem>> -> memref<1x128xi32, #tpu.memory_space<vmem>>
        %dma_start3A_122 = tpu.memref_squeeze %dma_start3A_121 : memref<1x128xi32, #tpu.memory_space<vmem>> -> memref<128xi32, #tpu.memory_space<vmem>>
        %dma_start3A_123 = arith.constant 0 : i32
        %dma_start3A_124 = arith.constant 0 : i32
        %dma_start3A_125 = tpu.memref_slice %arg10[%dma_start3A_123, %dma_start3A_124] : memref<10240x128xf32, #tpu.memory_space<vmem_shared>> -> memref<10240x128xf32, #tpu.memory_space<vmem_shared>>
        tpu.enqueue_indirect_dma source(%arg8 : memref<128x128xf32, #tpu.memory_space<vmem>>) target(%dma_start3A_125 : memref<10240x128xf32, #tpu.memory_space<vmem_shared>>) offsets(%dma_start3A_122 : memref<128xi32, #tpu.memory_space<vmem>>) semaphore(%run_scoped3A_119 : memref<!tpu.dma_semaphore, #tpu.memory_space<semaphore_mem>>) {add = true}
        %dma_wait3A_126 = arith.constant 0 : i32
        %dma_wait3A_127 = tpu.memref_slice %arg6[%run_scoped3A, %dma_wait3A_126] : memref<2x128xi32, #tpu.memory_space<vmem>> -> memref<1x128xi32, #tpu.memory_space<vmem>>
        %dma_wait3A_128 = tpu.memref_squeeze %dma_wait3A_127 : memref<1x128xi32, #tpu.memory_space<vmem>> -> memref<128xi32, #tpu.memory_space<vmem>>
        %dma_wait3A_129 = arith.constant 0 : i32
        %dma_wait3A_130 = arith.constant 0 : i32
        %dma_wait3A_131 = tpu.memref_slice %arg10[%dma_wait3A_129, %dma_wait3A_130] : memref<10240x128xf32, #tpu.memory_space<vmem_shared>> -> memref<10240x128xf32, #tpu.memory_space<vmem_shared>>
        tpu.wait_indirect_dma semaphore(%run_scoped3A_119 : memref<!tpu.dma_semaphore, #tpu.memory_space<semaphore_mem>>) src(%arg8 : memref<128x128xf32, #tpu.memory_space<vmem>>) dst(%dma_wait3A_131 : memref<10240x128xf32, #tpu.memory_space<vmem_shared>>)
        tpu.yield
      }) : () -> ()
      %sub3A_110 = arith.constant 1 : i32
      %sub3A_111 = arith.subi %select_n3A_8, %sub3A_110 : i32
      %lt3A = arith.cmpi slt, %add3A_82, %sub3A_111 : i32
      %convert_element_type3A = arith.extui %lt3A : i1 to i32
      %cond3A = arith.constant 0 : i32
      %cond3A_112 = arith.cmpi ne, %convert_element_type3A, %cond3A : i32
      scf.if %cond3A_112 {
        %add3A_119 = arith.constant 2 : i32
        %add3A_120 = arith.addi %add3A_85, %add3A_119 : i32
        %dma_start3A_121 = arith.constant 0 : i32
        %dma_start3A_122 = arith.constant 0 : i32
        %dma_start3A_123 = tpu.memref_slice %arg3[%add3A_120, %dma_start3A_121, %dma_start3A_122] : memref<2560x2x128xi32, #tpu.memory_space<hbm>> -> memref<1x2x128xi32, #tpu.memory_space<hbm>>
        %dma_start3A_124 = tpu.memref_squeeze %dma_start3A_123 : memref<1x2x128xi32, #tpu.memory_space<hbm>> -> memref<2x128xi32, #tpu.memory_space<hbm>>
        %dma_start3A_125 = arith.constant 0 : i32
        %dma_start3A_126 = arith.constant 0 : i32
        %dma_start3A_127 = tpu.memref_slice %arg3[%add3A_120, %dma_start3A_125, %dma_start3A_126] : memref<2560x2x128xi32, #tpu.memory_space<hbm>> -> memref<1x2x128xi32, #tpu.memory_space<hbm>>
        %dma_start3A_128 = tpu.memref_squeeze %dma_start3A_127 : memref<1x2x128xi32, #tpu.memory_space<hbm>> -> memref<2x128xi32, #tpu.memory_space<hbm>>
        tpu.enqueue_dma source(%dma_start3A_128 : memref<2x128xi32, #tpu.memory_space<hbm>>) target(%arg6 : memref<2x128xi32, #tpu.memory_space<vmem>>) target_semaphore(%arg13 : memref<!tpu.dma_semaphore, #tpu.memory_space<semaphore_mem>>)
        %dma_wait3A_129 = arith.constant 0 : i32
        %dma_wait3A_130 = arith.constant 0 : i32
        %dma_wait3A_131 = tpu.memref_slice %arg7[%dma_wait3A_129, %dma_wait3A_130] : memref<2x128xi32, #tpu.memory_space<vmem>> -> memref<1x128xi32, #tpu.memory_space<vmem>>
        %dma_wait3A_132 = tpu.memref_squeeze %dma_wait3A_131 : memref<1x128xi32, #tpu.memory_space<vmem>> -> memref<128xi32, #tpu.memory_space<vmem>>
        %dma_wait3A_133 = arith.constant 0 : i32
        %dma_wait3A_134 = arith.constant 0 : i32
        %dma_wait3A_135 = tpu.memref_slice %arg2[%dma_wait3A_133, %dma_wait3A_134] : memref<10240x128xf32, #tpu.memory_space<hbm>> -> memref<10240x128xf32, #tpu.memory_space<hbm>>
        tpu.wait_indirect_dma semaphore(%arg12 : memref<!tpu.dma_semaphore, #tpu.memory_space<semaphore_mem>>) src(%dma_wait3A_135 : memref<10240x128xf32, #tpu.memory_space<hbm>>) dst(%arg9 : memref<128x128xf32, #tpu.memory_space<vmem>>)
        %dma_wait3A_136 = arith.constant 0 : i32
        %dma_wait3A_137 = arith.constant 0 : i32
        %dma_wait3A_138 = tpu.memref_slice %arg3[%add3A_120, %dma_wait3A_136, %dma_wait3A_137] : memref<2560x2x128xi32, #tpu.memory_space<hbm>> -> memref<1x2x128xi32, #tpu.memory_space<hbm>>
        %dma_wait3A_139 = tpu.memref_squeeze %dma_wait3A_138 : memref<1x2x128xi32, #tpu.memory_space<hbm>> -> memref<2x128xi32, #tpu.memory_space<hbm>>
        %dma_wait3A_140 = arith.constant 0 : i32
        %dma_wait3A_141 = arith.constant 0 : i32
        %dma_wait3A_142 = tpu.memref_slice %arg3[%add3A_120, %dma_wait3A_140, %dma_wait3A_141] : memref<2560x2x128xi32, #tpu.memory_space<hbm>> -> memref<1x2x128xi32, #tpu.memory_space<hbm>>
        %dma_wait3A_143 = tpu.memref_squeeze %dma_wait3A_142 : memref<1x2x128xi32, #tpu.memory_space<hbm>> -> memref<2x128xi32, #tpu.memory_space<hbm>>
        tpu.wait_dma2 semaphore(%arg13 : memref<!tpu.dma_semaphore, #tpu.memory_space<semaphore_mem>>) src(%dma_wait3A_143 : memref<2x128xi32, #tpu.memory_space<hbm>>) dst(%arg6 : memref<2x128xi32, #tpu.memory_space<vmem>>)
        %dma_start3A_144 = arith.constant 0 : i32
        %dma_start3A_145 = arith.constant 0 : i32
        %dma_start3A_146 = tpu.memref_slice %arg6[%dma_start3A_144, %dma_start3A_145] : memref<2x128xi32, #tpu.memory_space<vmem>> -> memref<1x128xi32, #tpu.memory_space<vmem>>
        %dma_start3A_147 = tpu.memref_squeeze %dma_start3A_146 : memref<1x128xi32, #tpu.memory_space<vmem>> -> memref<128xi32, #tpu.memory_space<vmem>>
        %dma_start3A_148 = arith.constant 0 : i32
        %dma_start3A_149 = arith.constant 0 : i32
        %dma_start3A_150 = tpu.memref_slice %arg2[%dma_start3A_148, %dma_start3A_149] : memref<10240x128xf32, #tpu.memory_space<hbm>> -> memref<10240x128xf32, #tpu.memory_space<hbm>>
        tpu.enqueue_indirect_dma source(%dma_start3A_150 : memref<10240x128xf32, #tpu.memory_space<hbm>>) target(%arg8 : memref<128x128xf32, #tpu.memory_space<vmem>>) offsets(%dma_start3A_147 : memref<128xi32, #tpu.memory_space<vmem>>) semaphore(%arg11 : memref<!tpu.dma_semaphore, #tpu.memory_space<semaphore_mem>>)
        %run_scoped3A_151 = arith.constant 1 : i32
        "tpu.region"() ({
          %run_scoped3A_162 = tpu.sem_alloc : memref<!tpu.dma_semaphore, #tpu.memory_space<semaphore_mem>>
          %dma_start3A_163 = arith.constant 0 : i32
          %dma_start3A_164 = tpu.memref_slice %arg7[%run_scoped3A_151, %dma_start3A_163] : memref<2x128xi32, #tpu.memory_space<vmem>> -> memref<1x128xi32, #tpu.memory_space<vmem>>
          %dma_start3A_165 = tpu.memref_squeeze %dma_start3A_164 : memref<1x128xi32, #tpu.memory_space<vmem>> -> memref<128xi32, #tpu.memory_space<vmem>>
          %dma_start3A_166 = arith.constant 0 : i32
          %dma_start3A_167 = arith.constant 0 : i32
          %dma_start3A_168 = tpu.memref_slice %arg10[%dma_start3A_166, %dma_start3A_167] : memref<10240x128xf32, #tpu.memory_space<vmem_shared>> -> memref<10240x128xf32, #tpu.memory_space<vmem_shared>>
          tpu.enqueue_indirect_dma source(%arg9 : memref<128x128xf32, #tpu.memory_space<vmem>>) target(%dma_start3A_168 : memref<10240x128xf32, #tpu.memory_space<vmem_shared>>) offsets(%dma_start3A_165 : memref<128xi32, #tpu.memory_space<vmem>>) semaphore(%run_scoped3A_162 : memref<!tpu.dma_semaphore, #tpu.memory_space<semaphore_mem>>) {add = true}
          %dma_wait3A_169 = arith.constant 0 : i32
          %dma_wait3A_170 = tpu.memref_slice %arg7[%run_scoped3A_151, %dma_wait3A_169] : memref<2x128xi32, #tpu.memory_space<vmem>> -> memref<1x128xi32, #tpu.memory_space<vmem>>
          %dma_wait3A_171 = tpu.memref_squeeze %dma_wait3A_170 : memref<1x128xi32, #tpu.memory_space<vmem>> -> memref<128xi32, #tpu.memory_space<vmem>>
          %dma_wait3A_172 = arith.constant 0 : i32
          %dma_wait3A_173 = arith.constant 0 : i32
          %dma_wait3A_174 = tpu.memref_slice %arg10[%dma_wait3A_172, %dma_wait3A_173] : memref<10240x128xf32, #tpu.memory_space<vmem_shared>> -> memref<10240x128xf32, #tpu.memory_space<vmem_shared>>
          tpu.wait_indirect_dma semaphore(%run_scoped3A_162 : memref<!tpu.dma_semaphore, #tpu.memory_space<semaphore_mem>>) src(%arg9 : memref<128x128xf32, #tpu.memory_space<vmem>>) dst(%dma_wait3A_174 : memref<10240x128xf32, #tpu.memory_space<vmem_shared>>)
          tpu.yield
        }) : () -> ()
        %add3A_152 = arith.constant 3 : i32
        %add3A_153 = arith.addi %add3A_85, %add3A_152 : i32
        %dma_start3A_154 = arith.constant 0 : i32
        %dma_start3A_155 = arith.constant 0 : i32
        %dma_start3A_156 = tpu.memref_slice %arg3[%add3A_153, %dma_start3A_154, %dma_start3A_155] : memref<2560x2x128xi32, #tpu.memory_space<hbm>> -> memref<1x2x128xi32, #tpu.memory_space<hbm>>
        %dma_start3A_157 = tpu.memref_squeeze %dma_start3A_156 : memref<1x2x128xi32, #tpu.memory_space<hbm>> -> memref<2x128xi32, #tpu.memory_space<hbm>>
        %dma_start3A_158 = arith.constant 0 : i32
        %dma_start3A_159 = arith.constant 0 : i32
        %dma_start3A_160 = tpu.memref_slice %arg3[%add3A_153, %dma_start3A_158, %dma_start3A_159] : memref<2560x2x128xi32, #tpu.memory_space<hbm>> -> memref<1x2x128xi32, #tpu.memory_space<hbm>>
        %dma_start3A_161 = tpu.memref_squeeze %dma_start3A_160 : memref<1x2x128xi32, #tpu.memory_space<hbm>> -> memref<2x128xi32, #tpu.memory_space<hbm>>
        tpu.enqueue_dma source(%dma_start3A_161 : memref<2x128xi32, #tpu.memory_space<hbm>>) target(%arg7 : memref<2x128xi32, #tpu.memory_space<vmem>>) target_semaphore(%arg14 : memref<!tpu.dma_semaphore, #tpu.memory_space<semaphore_mem>>)
      } else {
      }
      %sub3A_113 = arith.constant 1 : i32
      %sub3A_114 = arith.subi %select_n3A_8, %sub3A_113 : i32
      %eq3A_115 = arith.cmpi eq, %add3A_82, %sub3A_114 : i32
      %convert_element_type3A_116 = arith.extui %eq3A_115 : i1 to i32
      %cond3A_117 = arith.constant 0 : i32
      %cond3A_118 = arith.cmpi ne, %convert_element_type3A_116, %cond3A_117 : i32
      scf.if %cond3A_118 {
        %dma_wait3A_119 = arith.constant 0 : i32
        %dma_wait3A_120 = arith.constant 0 : i32
        %dma_wait3A_121 = tpu.memref_slice %arg7[%dma_wait3A_119, %dma_wait3A_120] : memref<2x128xi32, #tpu.memory_space<vmem>> -> memref<1x128xi32, #tpu.memory_space<vmem>>
        %dma_wait3A_122 = tpu.memref_squeeze %dma_wait3A_121 : memref<1x128xi32, #tpu.memory_space<vmem>> -> memref<128xi32, #tpu.memory_space<vmem>>
        %dma_wait3A_123 = arith.constant 0 : i32
        %dma_wait3A_124 = arith.constant 0 : i32
        %dma_wait3A_125 = tpu.memref_slice %arg2[%dma_wait3A_123, %dma_wait3A_124] : memref<10240x128xf32, #tpu.memory_space<hbm>> -> memref<10240x128xf32, #tpu.memory_space<hbm>>
        tpu.wait_indirect_dma semaphore(%arg12 : memref<!tpu.dma_semaphore, #tpu.memory_space<semaphore_mem>>) src(%dma_wait3A_125 : memref<10240x128xf32, #tpu.memory_space<hbm>>) dst(%arg9 : memref<128x128xf32, #tpu.memory_space<vmem>>)
        %run_scoped3A_126 = arith.constant 1 : i32
        "tpu.region"() ({
          %run_scoped3A_127 = tpu.sem_alloc : memref<!tpu.dma_semaphore, #tpu.memory_space<semaphore_mem>>
          %dma_start3A_128 = arith.constant 0 : i32
          %dma_start3A_129 = tpu.memref_slice %arg7[%run_scoped3A_126, %dma_start3A_128] : memref<2x128xi32, #tpu.memory_space<vmem>> -> memref<1x128xi32, #tpu.memory_space<vmem>>
          %dma_start3A_130 = tpu.memref_squeeze %dma_start3A_129 : memref<1x128xi32, #tpu.memory_space<vmem>> -> memref<128xi32, #tpu.memory_space<vmem>>
          %dma_start3A_131 = arith.constant 0 : i32
          %dma_start3A_132 = arith.constant 0 : i32
          %dma_start3A_133 = tpu.memref_slice %arg10[%dma_start3A_131, %dma_start3A_132] : memref<10240x128xf32, #tpu.memory_space<vmem_shared>> -> memref<10240x128xf32, #tpu.memory_space<vmem_shared>>
          tpu.enqueue_indirect_dma source(%arg9 : memref<128x128xf32, #tpu.memory_space<vmem>>) target(%dma_start3A_133 : memref<10240x128xf32, #tpu.memory_space<vmem_shared>>) offsets(%dma_start3A_130 : memref<128xi32, #tpu.memory_space<vmem>>) semaphore(%run_scoped3A_127 : memref<!tpu.dma_semaphore, #tpu.memory_space<semaphore_mem>>) {add = true}
          %dma_wait3A_134 = arith.constant 0 : i32
          %dma_wait3A_135 = tpu.memref_slice %arg7[%run_scoped3A_126, %dma_wait3A_134] : memref<2x128xi32, #tpu.memory_space<vmem>> -> memref<1x128xi32, #tpu.memory_space<vmem>>
          %dma_wait3A_136 = tpu.memref_squeeze %dma_wait3A_135 : memref<1x128xi32, #tpu.memory_space<vmem>> -> memref<128xi32, #tpu.memory_space<vmem>>
          %dma_wait3A_137 = arith.constant 0 : i32
          %dma_wait3A_138 = arith.constant 0 : i32
          %dma_wait3A_139 = tpu.memref_slice %arg10[%dma_wait3A_137, %dma_wait3A_138] : memref<10240x128xf32, #tpu.memory_space<vmem_shared>> -> memref<10240x128xf32, #tpu.memory_space<vmem_shared>>
          tpu.wait_indirect_dma semaphore(%run_scoped3A_127 : memref<!tpu.dma_semaphore, #tpu.memory_space<semaphore_mem>>) src(%arg9 : memref<128x128xf32, #tpu.memory_space<vmem>>) dst(%dma_wait3A_139 : memref<10240x128xf32, #tpu.memory_space<vmem_shared>>)
          tpu.yield
        }) : () -> ()
      } else {
      }
    }
    %barrier3A_64 = arith.constant 0 : index
    tpu.barrier barrier_id(%barrier3A_64)
    %mul3A_65 = arith.constant 640 : i32
    %mul3A_66 = arith.muli %arg1, %mul3A_65 : i32
    %mul3A_67 = arith.constant 10240 : i32
    %mul3A_68 = arith.muli %arg0, %mul3A_67 : i32
    %mul3A_69 = arith.constant 640 : i32
    %mul3A_70 = arith.muli %arg1, %mul3A_69 : i32
    %add3A_71 = arith.addi %mul3A_68, %mul3A_70 : i32
    %dma_start3A_72 = arith.constant 0 : i32
    %dma_start3A_73 = tpu.memref_slice %arg5[%add3A_71, %dma_start3A_72] : memref<20480x128xf32, #tpu.memory_space<hbm>> -> memref<640x128xf32, #tpu.memory_space<hbm>>
    %dma_start3A_74 = arith.constant 0 : i32
    %dma_start3A_75 = tpu.memref_slice %arg10[%mul3A_66, %dma_start3A_74] : memref<10240x128xf32, #tpu.memory_space<vmem_shared>> -> memref<640x128xf32, #tpu.memory_space<vmem_shared>>
    tpu.enqueue_dma source(%dma_start3A_75 : memref<640x128xf32, #tpu.memory_space<vmem_shared>>) target(%dma_start3A_73 : memref<640x128xf32, #tpu.memory_space<hbm>>) target_semaphore(%arg11 : memref<!tpu.dma_semaphore, #tpu.memory_space<semaphore_mem>>)
    %dma_wait3A_76 = arith.constant 0 : i32
    %dma_wait3A_77 = tpu.memref_slice %arg5[%add3A_71, %dma_wait3A_76] : memref<20480x128xf32, #tpu.memory_space<hbm>> -> memref<640x128xf32, #tpu.memory_space<hbm>>
    %dma_wait3A_78 = arith.constant 0 : i32
    %dma_wait3A_79 = tpu.memref_slice %arg10[%mul3A_66, %dma_wait3A_78] : memref<10240x128xf32, #tpu.memory_space<vmem_shared>> -> memref<640x128xf32, #tpu.memory_space<vmem_shared>>
    tpu.wait_dma2 semaphore(%arg11 : memref<!tpu.dma_semaphore, #tpu.memory_space<semaphore_mem>>) src(%dma_wait3A_79 : memref<640x128xf32, #tpu.memory_space<vmem_shared>>) dst(%dma_wait3A_77 : memref<640x128xf32, #tpu.memory_space<hbm>>)
    return
  }
}

#map = affine_map<(d0, d1) -> (0, 0)>
#map1 = affine_map<(d0, d1) -> (0, 0, 0)>
module attributes {stable_mosaic.version = 14 : i64} {
  func.func @run(%arg0: i32, %arg1: i32, %arg2: memref<10240x128xf32, #tpu.memory_space<hbm>>, %arg3: memref<2560x2x128xi32, #tpu.memory_space<hbm>>, %arg4: memref<640x128xf32, #tpu.memory_space<hbm>>, %arg5: memref<20480x128xf32, #tpu.memory_space<hbm>>, %arg6: memref<2x128xi32, #tpu.memory_space<vmem>>, %arg7: memref<2x128xi32, #tpu.memory_space<vmem>>, %arg8: memref<128x128xf32, #tpu.memory_space<vmem>>, %arg9: memref<128x128xf32, #tpu.memory_space<vmem>>, %arg10: memref<10240x128xf32, #tpu.memory_space<vmem_shared>>, %arg11: memref<!tpu.dma_semaphore, #tpu.memory_space<semaphore_mem>>, %arg12: memref<!tpu.dma_semaphore, #tpu.memory_space<semaphore_mem>>, %arg13: memref<!tpu.dma_semaphore, #tpu.memory_space<semaphore_mem>>, %arg14: memref<!tpu.dma_semaphore, #tpu.memory_space<semaphore_mem>>, %arg15: memref<!tpu.dma_semaphore, #tpu.memory_space<semaphore_mem>>) attributes {dimension_semantics = [#tpu.dimension_semantics<core_parallel>, #tpu.dimension_semantics<subcore_parallel>], iteration_bounds = array<i64: 2, 16>, scalar_prefetch = 0 : i64, scratch_operands = 10 : i64, tpu.core_type = #tpu.core_type<sc_vector_subcore>, window_params = [{transform_indices = #map}, {transform_indices = #map1}, {transform_indices = #map}, {transform_indices = #map}]} {
    %eq3A = arith.constant 0 : i32
    %eq3A_0 = arith.cmpi eq, %arg0, %eq3A : i32
    %mul3A = arith.constant 148 : i32
    %mul3A_1 = arith.muli %arg1, %mul3A : i32
    %mul3A_2 = arith.constant 12 : i32
    %mul3A_3 = arith.muli %arg1, %mul3A_2 : i32
    %add3A = arith.constant 2368 : i32
    %add3A_4 = arith.addi %add3A, %mul3A_3 : i32
    %select_n3A = arith.select %eq3A_0, %mul3A_1, %add3A_4 : i32
    %eq3A_5 = arith.constant 0 : i32
    %eq3A_6 = arith.cmpi eq, %arg0, %eq3A_5 : i32
    %jit3A = arith.constant 74 : i32
    %jit3A_7 = arith.constant 6 : i32
    %select_n3A_8 = arith.select %eq3A_6, %jit3A, %jit3A_7 : i32
    %mul3A_9 = arith.constant 640 : i32
    %mul3A_10 = arith.muli %arg1, %mul3A_9 : i32
    %dma_start3A = arith.constant 0 : i32
    %dma_start3A_11 = tpu.memref_slice %arg10[%mul3A_10, %dma_start3A] : memref<10240x128xf32, #tpu.memory_space<vmem_shared>> -> memref<640x128xf32, #tpu.memory_space<vmem_shared>>
    tpu.enqueue_dma source(%arg4 : memref<640x128xf32, #tpu.memory_space<hbm>>) target(%dma_start3A_11 : memref<640x128xf32, #tpu.memory_space<vmem_shared>>) target_semaphore(%arg15 : memref<!tpu.dma_semaphore, #tpu.memory_space<semaphore_mem>>)
    %dma_start3A_12 = arith.constant 0 : i32
    %dma_start3A_13 = arith.constant 0 : i32
    %dma_start3A_14 = tpu.memref_slice %arg3[%select_n3A, %dma_start3A_12, %dma_start3A_13] : memref<2560x2x128xi32, #tpu.memory_space<hbm>> -> memref<1x2x128xi32, #tpu.memory_space<hbm>>
    %dma_start3A_15 = tpu.memref_squeeze %dma_start3A_14 : memref<1x2x128xi32, #tpu.memory_space<hbm>> -> memref<2x128xi32, #tpu.memory_space<hbm>>
    %dma_start3A_16 = arith.constant 0 : i32
    %dma_start3A_17 = arith.constant 0 : i32
    %dma_start3A_18 = tpu.memref_slice %arg3[%select_n3A, %dma_start3A_16, %dma_start3A_17] : memref<2560x2x128xi32, #tpu.memory_space<hbm>> -> memref<1x2x128xi32, #tpu.memory_space<hbm>>
    %dma_start3A_19 = tpu.memref_squeeze %dma_start3A_18 : memref<1x2x128xi32, #tpu.memory_space<hbm>> -> memref<2x128xi32, #tpu.memory_space<hbm>>
    tpu.enqueue_dma source(%dma_start3A_19 : memref<2x128xi32, #tpu.memory_space<hbm>>) target(%arg6 : memref<2x128xi32, #tpu.memory_space<vmem>>) target_semaphore(%arg13 : memref<!tpu.dma_semaphore, #tpu.memory_space<semaphore_mem>>)
    %dma_wait3A = arith.constant 0 : i32
    %dma_wait3A_20 = arith.constant 0 : i32
    %dma_wait3A_21 = tpu.memref_slice %arg3[%select_n3A, %dma_wait3A, %dma_wait3A_20] : memref<2560x2x128xi32, #tpu.memory_space<hbm>> -> memref<1x2x128xi32, #tpu.memory_space<hbm>>
    %dma_wait3A_22 = tpu.memref_squeeze %dma_wait3A_21 : memref<1x2x128xi32, #tpu.memory_space<hbm>> -> memref<2x128xi32, #tpu.memory_space<hbm>>
    %dma_wait3A_23 = arith.constant 0 : i32
    %dma_wait3A_24 = arith.constant 0 : i32
    %dma_wait3A_25 = tpu.memref_slice %arg3[%select_n3A, %dma_wait3A_23, %dma_wait3A_24] : memref<2560x2x128xi32, #tpu.memory_space<hbm>> -> memref<1x2x128xi32, #tpu.memory_space<hbm>>
    %dma_wait3A_26 = tpu.memref_squeeze %dma_wait3A_25 : memref<1x2x128xi32, #tpu.memory_space<hbm>> -> memref<2x128xi32, #tpu.memory_space<hbm>>
    tpu.wait_dma2 semaphore(%arg13 : memref<!tpu.dma_semaphore, #tpu.memory_space<semaphore_mem>>) src(%dma_wait3A_26 : memref<2x128xi32, #tpu.memory_space<hbm>>) dst(%arg6 : memref<2x128xi32, #tpu.memory_space<vmem>>)
    %add3A_27 = arith.constant 1 : i32
    %add3A_28 = arith.addi %select_n3A, %add3A_27 : i32
    %dma_start3A_29 = arith.constant 0 : i32
    %dma_start3A_30 = arith.constant 0 : i32
    %dma_start3A_31 = tpu.memref_slice %arg3[%add3A_28, %dma_start3A_29, %dma_start3A_30] : memref<2560x2x128xi32, #tpu.memory_space<hbm>> -> memref<1x2x128xi32, #tpu.memory_space<hbm>>
    %dma_start3A_32 = tpu.memref_squeeze %dma_start3A_31 : memref<1x2x128xi32, #tpu.memory_space<hbm>> -> memref<2x128xi32, #tpu.memory_space<hbm>>
    %dma_start3A_33 = arith.constant 0 : i32
    %dma_start3A_34 = arith.constant 0 : i32
    %dma_start3A_35 = tpu.memref_slice %arg3[%add3A_28, %dma_start3A_33, %dma_start3A_34] : memref<2560x2x128xi32, #tpu.memory_space<hbm>> -> memref<1x2x128xi32, #tpu.memory_space<hbm>>
    %dma_start3A_36 = tpu.memref_squeeze %dma_start3A_35 : memref<1x2x128xi32, #tpu.memory_space<hbm>> -> memref<2x128xi32, #tpu.memory_space<hbm>>
    tpu.enqueue_dma source(%dma_start3A_36 : memref<2x128xi32, #tpu.memory_space<hbm>>) target(%arg7 : memref<2x128xi32, #tpu.memory_space<vmem>>) target_semaphore(%arg14 : memref<!tpu.dma_semaphore, #tpu.memory_space<semaphore_mem>>)
    %mul3A_37 = arith.constant 640 : i32
    %mul3A_38 = arith.muli %arg1, %mul3A_37 : i32
    %dma_wait3A_39 = arith.constant 0 : i32
    %dma_wait3A_40 = tpu.memref_slice %arg10[%mul3A_38, %dma_wait3A_39] : memref<10240x128xf32, #tpu.memory_space<vmem_shared>> -> memref<640x128xf32, #tpu.memory_space<vmem_shared>>
    tpu.wait_dma2 semaphore(%arg15 : memref<!tpu.dma_semaphore, #tpu.memory_space<semaphore_mem>>) src(%arg4 : memref<640x128xf32, #tpu.memory_space<hbm>>) dst(%dma_wait3A_40 : memref<640x128xf32, #tpu.memory_space<vmem_shared>>)
    %barrier3A = arith.constant 0 : index
    tpu.barrier barrier_id(%barrier3A)
    %dma_start3A_41 = arith.constant 0 : i32
    %dma_start3A_42 = arith.constant 0 : i32
    %dma_start3A_43 = tpu.memref_slice %arg6[%dma_start3A_41, %dma_start3A_42] : memref<2x128xi32, #tpu.memory_space<vmem>> -> memref<1x128xi32, #tpu.memory_space<vmem>>
    %dma_start3A_44 = tpu.memref_squeeze %dma_start3A_43 : memref<1x128xi32, #tpu.memory_space<vmem>> -> memref<128xi32, #tpu.memory_space<vmem>>
    %dma_start3A_45 = arith.constant 0 : i32
    %dma_start3A_46 = arith.constant 0 : i32
    %dma_start3A_47 = tpu.memref_slice %arg2[%dma_start3A_45, %dma_start3A_46] : memref<10240x128xf32, #tpu.memory_space<hbm>> -> memref<10240x128xf32, #tpu.memory_space<hbm>>
    tpu.enqueue_indirect_dma source(%dma_start3A_47 : memref<10240x128xf32, #tpu.memory_space<hbm>>) target(%arg8 : memref<128x128xf32, #tpu.memory_space<vmem>>) offsets(%dma_start3A_44 : memref<128xi32, #tpu.memory_space<vmem>>) semaphore(%arg11 : memref<!tpu.dma_semaphore, #tpu.memory_space<semaphore_mem>>)
    %sub3A = arith.constant 0 : i32
    %sub3A_48 = arith.subi %select_n3A_8, %sub3A : i32
    %sub3A_49 = arith.constant 1 : i32
    %sub3A_50 = arith.constant 1 : i32
    %sub3A_51 = arith.subi %sub3A_49, %sub3A_50 : i32
    %add3A_52 = arith.addi %sub3A_48, %sub3A_51 : i32
    %div3A = arith.constant 1 : i32
    %div3A_53 = arith.divsi %add3A_52, %div3A : i32
    %while3A = arith.constant 1 : i32
    %while3A_54 = arith.constant 0 : i32
    %while3A_55 = arith.constant 0 : i32
    %while3A_56 = arith.subi %div3A_53, %while3A_55 : i32
    %while3A_57 = arith.addi %while3A_55, %while3A_56 : i32
    %while3A_58 = arith.constant 1 : i32
    %while3A_59 = arith.divsi %while3A_56, %while3A_58 : i32
    %while3A_60 = arith.muli %while3A_59, %while3A_58 : i32
    %while3A_61 = arith.addi %while3A_55, %while3A_60 : i32
    %while3A_62 = arith.constant 1 : i32
    scf.for %while3A_80 = %while3A_55 to %while3A_61 step %while3A_62  : i32 {
      %mul3A_81 = arith.muli %while3A_80, %while3A : i32
      %add3A_82 = arith.addi %while3A_54, %mul3A_81 : i32
      %mul3A_83 = arith.constant 2 : i32
      %mul3A_84 = arith.muli %mul3A_83, %add3A_82 : i32
      %add3A_85 = arith.addi %select_n3A, %mul3A_84 : i32
      %dma_wait3A_86 = arith.constant 0 : i32
      %dma_wait3A_87 = arith.constant 0 : i32
      %dma_wait3A_88 = tpu.memref_slice %arg6[%dma_wait3A_86, %dma_wait3A_87] : memref<2x128xi32, #tpu.memory_space<vmem>> -> memref<1x128xi32, #tpu.memory_space<vmem>>
      %dma_wait3A_89 = tpu.memref_squeeze %dma_wait3A_88 : memref<1x128xi32, #tpu.memory_space<vmem>> -> memref<128xi32, #tpu.memory_space<vmem>>
      %dma_wait3A_90 = arith.constant 0 : i32
      %dma_wait3A_91 = arith.constant 0 : i32
      %dma_wait3A_92 = tpu.memref_slice %arg2[%dma_wait3A_90, %dma_wait3A_91] : memref<10240x128xf32, #tpu.memory_space<hbm>> -> memref<10240x128xf32, #tpu.memory_space<hbm>>
      tpu.wait_indirect_dma semaphore(%arg11 : memref<!tpu.dma_semaphore, #tpu.memory_space<semaphore_mem>>) src(%dma_wait3A_92 : memref<10240x128xf32, #tpu.memory_space<hbm>>) dst(%arg8 : memref<128x128xf32, #tpu.memory_space<vmem>>)
      %add3A_93 = arith.constant 1 : i32
      %add3A_94 = arith.addi %add3A_85, %add3A_93 : i32
      %dma_wait3A_95 = arith.constant 0 : i32
      %dma_wait3A_96 = arith.constant 0 : i32
      %dma_wait3A_97 = tpu.memref_slice %arg3[%add3A_94, %dma_wait3A_95, %dma_wait3A_96] : memref<2560x2x128xi32, #tpu.memory_space<hbm>> -> memref<1x2x128xi32, #tpu.memory_space<hbm>>
      %dma_wait3A_98 = tpu.memref_squeeze %dma_wait3A_97 : memref<1x2x128xi32, #tpu.memory_space<hbm>> -> memref<2x128xi32, #tpu.memory_space<hbm>>
      %dma_wait3A_99 = arith.constant 0 : i32
      %dma_wait3A_100 = arith.constant 0 : i32
      %dma_wait3A_101 = tpu.memref_slice %arg3[%add3A_94, %dma_wait3A_99, %dma_wait3A_100] : memref<2560x2x128xi32, #tpu.memory_space<hbm>> -> memref<1x2x128xi32, #tpu.memory_space<hbm>>
      %dma_wait3A_102 = tpu.memref_squeeze %dma_wait3A_101 : memref<1x2x128xi32, #tpu.memory_space<hbm>> -> memref<2x128xi32, #tpu.memory_space<hbm>>
      tpu.wait_dma2 semaphore(%arg14 : memref<!tpu.dma_semaphore, #tpu.memory_space<semaphore_mem>>) src(%dma_wait3A_102 : memref<2x128xi32, #tpu.memory_space<hbm>>) dst(%arg7 : memref<2x128xi32, #tpu.memory_space<vmem>>)
      %dma_start3A_103 = arith.constant 0 : i32
      %dma_start3A_104 = arith.constant 0 : i32
      %dma_start3A_105 = tpu.memref_slice %arg7[%dma_start3A_103, %dma_start3A_104] : memref<2x128xi32, #tpu.memory_space<vmem>> -> memref<1x128xi32, #tpu.memory_space<vmem>>
      %dma_start3A_106 = tpu.memref_squeeze %dma_start3A_105 : memref<1x128xi32, #tpu.memory_space<vmem>> -> memref<128xi32, #tpu.memory_space<vmem>>
      %dma_start3A_107 = arith.constant 0 : i32
      %dma_start3A_108 = arith.constant 0 : i32
      %dma_start3A_109 = tpu.memref_slice %arg2[%dma_start3A_107, %dma_start3A_108] : memref<10240x128xf32, #tpu.memory_space<hbm>> -> memref<10240x128xf32, #tpu.memory_space<hbm>>
      tpu.enqueue_indirect_dma source(%dma_start3A_109 : memref<10240x128xf32, #tpu.memory_space<hbm>>) target(%arg9 : memref<128x128xf32, #tpu.memory_space<vmem>>) offsets(%dma_start3A_106 : memref<128xi32, #tpu.memory_space<vmem>>) semaphore(%arg12 : memref<!tpu.dma_semaphore, #tpu.memory_space<semaphore_mem>>)
      %run_scoped3A = arith.constant 1 : i32
      "tpu.region"() ({
        %run_scoped3A_119 = tpu.sem_alloc : memref<!tpu.dma_semaphore, #tpu.memory_space<semaphore_mem>>
        %dma_start3A_120 = arith.constant 0 : i32
        %dma_start3A_121 = tpu.memref_slice %arg6[%run_scoped3A, %dma_start3A_120] : memref<2x128xi32, #tpu.memory_space<vmem>> -> memref<1x128xi32, #tpu.memory_space<vmem>>
        %dma_start3A_122 = tpu.memref_squeeze %dma_start3A_121 : memref<1x128xi32, #tpu.memory_space<vmem>> -> memref<128xi32, #tpu.memory_space<vmem>>
        %dma_start3A_123 = arith.constant 0 : i32
        %dma_start3A_124 = arith.constant 0 : i32
        %dma_start3A_125 = tpu.memref_slice %arg10[%dma_start3A_123, %dma_start3A_124] : memref<10240x128xf32, #tpu.memory_space<vmem_shared>> -> memref<10240x128xf32, #tpu.memory_space<vmem_shared>>
        tpu.enqueue_indirect_dma source(%arg8 : memref<128x128xf32, #tpu.memory_space<vmem>>) target(%dma_start3A_125 : memref<10240x128xf32, #tpu.memory_space<vmem_shared>>) offsets(%dma_start3A_122 : memref<128xi32, #tpu.memory_space<vmem>>) semaphore(%run_scoped3A_119 : memref<!tpu.dma_semaphore, #tpu.memory_space<semaphore_mem>>) {add = true}
        %dma_wait3A_126 = arith.constant 0 : i32
        %dma_wait3A_127 = tpu.memref_slice %arg6[%run_scoped3A, %dma_wait3A_126] : memref<2x128xi32, #tpu.memory_space<vmem>> -> memref<1x128xi32, #tpu.memory_space<vmem>>
        %dma_wait3A_128 = tpu.memref_squeeze %dma_wait3A_127 : memref<1x128xi32, #tpu.memory_space<vmem>> -> memref<128xi32, #tpu.memory_space<vmem>>
        %dma_wait3A_129 = arith.constant 0 : i32
        %dma_wait3A_130 = arith.constant 0 : i32
        %dma_wait3A_131 = tpu.memref_slice %arg10[%dma_wait3A_129, %dma_wait3A_130] : memref<10240x128xf32, #tpu.memory_space<vmem_shared>> -> memref<10240x128xf32, #tpu.memory_space<vmem_shared>>
        tpu.wait_indirect_dma semaphore(%run_scoped3A_119 : memref<!tpu.dma_semaphore, #tpu.memory_space<semaphore_mem>>) src(%arg8 : memref<128x128xf32, #tpu.memory_space<vmem>>) dst(%dma_wait3A_131 : memref<10240x128xf32, #tpu.memory_space<vmem_shared>>)
        tpu.yield
      }) : () -> ()
      %sub3A_110 = arith.constant 1 : i32
      %sub3A_111 = arith.subi %select_n3A_8, %sub3A_110 : i32
      %lt3A = arith.cmpi slt, %add3A_82, %sub3A_111 : i32
      %convert_element_type3A = arith.extui %lt3A : i1 to i32
      %cond3A = arith.constant 0 : i32
      %cond3A_112 = arith.cmpi ne, %convert_element_type3A, %cond3A : i32
      scf.if %cond3A_112 {
        %add3A_119 = arith.constant 2 : i32
        %add3A_120 = arith.addi %add3A_85, %add3A_119 : i32
        %dma_start3A_121 = arith.constant 0 : i32
        %dma_start3A_122 = arith.constant 0 : i32
        %dma_start3A_123 = tpu.memref_slice %arg3[%add3A_120, %dma_start3A_121, %dma_start3A_122] : memref<2560x2x128xi32, #tpu.memory_space<hbm>> -> memref<1x2x128xi32, #tpu.memory_space<hbm>>
        %dma_start3A_124 = tpu.memref_squeeze %dma_start3A_123 : memref<1x2x128xi32, #tpu.memory_space<hbm>> -> memref<2x128xi32, #tpu.memory_space<hbm>>
        %dma_start3A_125 = arith.constant 0 : i32
        %dma_start3A_126 = arith.constant 0 : i32
        %dma_start3A_127 = tpu.memref_slice %arg3[%add3A_120, %dma_start3A_125, %dma_start3A_126] : memref<2560x2x128xi32, #tpu.memory_space<hbm>> -> memref<1x2x128xi32, #tpu.memory_space<hbm>>
        %dma_start3A_128 = tpu.memref_squeeze %dma_start3A_127 : memref<1x2x128xi32, #tpu.memory_space<hbm>> -> memref<2x128xi32, #tpu.memory_space<hbm>>
        tpu.enqueue_dma source(%dma_start3A_128 : memref<2x128xi32, #tpu.memory_space<hbm>>) target(%arg6 : memref<2x128xi32, #tpu.memory_space<vmem>>) target_semaphore(%arg13 : memref<!tpu.dma_semaphore, #tpu.memory_space<semaphore_mem>>)
        %dma_wait3A_129 = arith.constant 0 : i32
        %dma_wait3A_130 = arith.constant 0 : i32
        %dma_wait3A_131 = tpu.memref_slice %arg7[%dma_wait3A_129, %dma_wait3A_130] : memref<2x128xi32, #tpu.memory_space<vmem>> -> memref<1x128xi32, #tpu.memory_space<vmem>>
        %dma_wait3A_132 = tpu.memref_squeeze %dma_wait3A_131 : memref<1x128xi32, #tpu.memory_space<vmem>> -> memref<128xi32, #tpu.memory_space<vmem>>
        %dma_wait3A_133 = arith.constant 0 : i32
        %dma_wait3A_134 = arith.constant 0 : i32
        %dma_wait3A_135 = tpu.memref_slice %arg2[%dma_wait3A_133, %dma_wait3A_134] : memref<10240x128xf32, #tpu.memory_space<hbm>> -> memref<10240x128xf32, #tpu.memory_space<hbm>>
        tpu.wait_indirect_dma semaphore(%arg12 : memref<!tpu.dma_semaphore, #tpu.memory_space<semaphore_mem>>) src(%dma_wait3A_135 : memref<10240x128xf32, #tpu.memory_space<hbm>>) dst(%arg9 : memref<128x128xf32, #tpu.memory_space<vmem>>)
        %dma_wait3A_136 = arith.constant 0 : i32
        %dma_wait3A_137 = arith.constant 0 : i32
        %dma_wait3A_138 = tpu.memref_slice %arg3[%add3A_120, %dma_wait3A_136, %dma_wait3A_137] : memref<2560x2x128xi32, #tpu.memory_space<hbm>> -> memref<1x2x128xi32, #tpu.memory_space<hbm>>
        %dma_wait3A_139 = tpu.memref_squeeze %dma_wait3A_138 : memref<1x2x128xi32, #tpu.memory_space<hbm>> -> memref<2x128xi32, #tpu.memory_space<hbm>>
        %dma_wait3A_140 = arith.constant 0 : i32
        %dma_wait3A_141 = arith.constant 0 : i32
        %dma_wait3A_142 = tpu.memref_slice %arg3[%add3A_120, %dma_wait3A_140, %dma_wait3A_141] : memref<2560x2x128xi32, #tpu.memory_space<hbm>> -> memref<1x2x128xi32, #tpu.memory_space<hbm>>
        %dma_wait3A_143 = tpu.memref_squeeze %dma_wait3A_142 : memref<1x2x128xi32, #tpu.memory_space<hbm>> -> memref<2x128xi32, #tpu.memory_space<hbm>>
        tpu.wait_dma2 semaphore(%arg13 : memref<!tpu.dma_semaphore, #tpu.memory_space<semaphore_mem>>) src(%dma_wait3A_143 : memref<2x128xi32, #tpu.memory_space<hbm>>) dst(%arg6 : memref<2x128xi32, #tpu.memory_space<vmem>>)
        %dma_start3A_144 = arith.constant 0 : i32
        %dma_start3A_145 = arith.constant 0 : i32
        %dma_start3A_146 = tpu.memref_slice %arg6[%dma_start3A_144, %dma_start3A_145] : memref<2x128xi32, #tpu.memory_space<vmem>> -> memref<1x128xi32, #tpu.memory_space<vmem>>
        %dma_start3A_147 = tpu.memref_squeeze %dma_start3A_146 : memref<1x128xi32, #tpu.memory_space<vmem>> -> memref<128xi32, #tpu.memory_space<vmem>>
        %dma_start3A_148 = arith.constant 0 : i32
        %dma_start3A_149 = arith.constant 0 : i32
        %dma_start3A_150 = tpu.memref_slice %arg2[%dma_start3A_148, %dma_start3A_149] : memref<10240x128xf32, #tpu.memory_space<hbm>> -> memref<10240x128xf32, #tpu.memory_space<hbm>>
        tpu.enqueue_indirect_dma source(%dma_start3A_150 : memref<10240x128xf32, #tpu.memory_space<hbm>>) target(%arg8 : memref<128x128xf32, #tpu.memory_space<vmem>>) offsets(%dma_start3A_147 : memref<128xi32, #tpu.memory_space<vmem>>) semaphore(%arg11 : memref<!tpu.dma_semaphore, #tpu.memory_space<semaphore_mem>>)
        %run_scoped3A_151 = arith.constant 1 : i32
        "tpu.region"() ({
          %run_scoped3A_162 = tpu.sem_alloc : memref<!tpu.dma_semaphore, #tpu.memory_space<semaphore_mem>>
          %dma_start3A_163 = arith.constant 0 : i32
          %dma_start3A_164 = tpu.memref_slice %arg7[%run_scoped3A_151, %dma_start3A_163] : memref<2x128xi32, #tpu.memory_space<vmem>> -> memref<1x128xi32, #tpu.memory_space<vmem>>
          %dma_start3A_165 = tpu.memref_squeeze %dma_start3A_164 : memref<1x128xi32, #tpu.memory_space<vmem>> -> memref<128xi32, #tpu.memory_space<vmem>>
          %dma_start3A_166 = arith.constant 0 : i32
          %dma_start3A_167 = arith.constant 0 : i32
          %dma_start3A_168 = tpu.memref_slice %arg10[%dma_start3A_166, %dma_start3A_167] : memref<10240x128xf32, #tpu.memory_space<vmem_shared>> -> memref<10240x128xf32, #tpu.memory_space<vmem_shared>>
          tpu.enqueue_indirect_dma source(%arg9 : memref<128x128xf32, #tpu.memory_space<vmem>>) target(%dma_start3A_168 : memref<10240x128xf32, #tpu.memory_space<vmem_shared>>) offsets(%dma_start3A_165 : memref<128xi32, #tpu.memory_space<vmem>>) semaphore(%run_scoped3A_162 : memref<!tpu.dma_semaphore, #tpu.memory_space<semaphore_mem>>) {add = true}
          %dma_wait3A_169 = arith.constant 0 : i32
          %dma_wait3A_170 = tpu.memref_slice %arg7[%run_scoped3A_151, %dma_wait3A_169] : memref<2x128xi32, #tpu.memory_space<vmem>> -> memref<1x128xi32, #tpu.memory_space<vmem>>
          %dma_wait3A_171 = tpu.memref_squeeze %dma_wait3A_170 : memref<1x128xi32, #tpu.memory_space<vmem>> -> memref<128xi32, #tpu.memory_space<vmem>>
          %dma_wait3A_172 = arith.constant 0 : i32
          %dma_wait3A_173 = arith.constant 0 : i32
          %dma_wait3A_174 = tpu.memref_slice %arg10[%dma_wait3A_172, %dma_wait3A_173] : memref<10240x128xf32, #tpu.memory_space<vmem_shared>> -> memref<10240x128xf32, #tpu.memory_space<vmem_shared>>
          tpu.wait_indirect_dma semaphore(%run_scoped3A_162 : memref<!tpu.dma_semaphore, #tpu.memory_space<semaphore_mem>>) src(%arg9 : memref<128x128xf32, #tpu.memory_space<vmem>>) dst(%dma_wait3A_174 : memref<10240x128xf32, #tpu.memory_space<vmem_shared>>)
          tpu.yield
        }) : () -> ()
        %add3A_152 = arith.constant 3 : i32
        %add3A_153 = arith.addi %add3A_85, %add3A_152 : i32
        %dma_start3A_154 = arith.constant 0 : i32
        %dma_start3A_155 = arith.constant 0 : i32
        %dma_start3A_156 = tpu.memref_slice %arg3[%add3A_153, %dma_start3A_154, %dma_start3A_155] : memref<2560x2x128xi32, #tpu.memory_space<hbm>> -> memref<1x2x128xi32, #tpu.memory_space<hbm>>
        %dma_start3A_157 = tpu.memref_squeeze %dma_start3A_156 : memref<1x2x128xi32, #tpu.memory_space<hbm>> -> memref<2x128xi32, #tpu.memory_space<hbm>>
        %dma_start3A_158 = arith.constant 0 : i32
        %dma_start3A_159 = arith.constant 0 : i32
        %dma_start3A_160 = tpu.memref_slice %arg3[%add3A_153, %dma_start3A_158, %dma_start3A_159] : memref<2560x2x128xi32, #tpu.memory_space<hbm>> -> memref<1x2x128xi32, #tpu.memory_space<hbm>>
        %dma_start3A_161 = tpu.memref_squeeze %dma_start3A_160 : memref<1x2x128xi32, #tpu.memory_space<hbm>> -> memref<2x128xi32, #tpu.memory_space<hbm>>
        tpu.enqueue_dma source(%dma_start3A_161 : memref<2x128xi32, #tpu.memory_space<hbm>>) target(%arg7 : memref<2x128xi32, #tpu.memory_space<vmem>>) target_semaphore(%arg14 : memref<!tpu.dma_semaphore, #tpu.memory_space<semaphore_mem>>)
      } else {
      }
      %sub3A_113 = arith.constant 1 : i32
      %sub3A_114 = arith.subi %select_n3A_8, %sub3A_113 : i32
      %eq3A_115 = arith.cmpi eq, %add3A_82, %sub3A_114 : i32
      %convert_element_type3A_116 = arith.extui %eq3A_115 : i1 to i32
      %cond3A_117 = arith.constant 0 : i32
      %cond3A_118 = arith.cmpi ne, %convert_element_type3A_116, %cond3A_117 : i32
      scf.if %cond3A_118 {
        %dma_wait3A_119 = arith.constant 0 : i32
        %dma_wait3A_120 = arith.constant 0 : i32
        %dma_wait3A_121 = tpu.memref_slice %arg7[%dma_wait3A_119, %dma_wait3A_120] : memref<2x128xi32, #tpu.memory_space<vmem>> -> memref<1x128xi32, #tpu.memory_space<vmem>>
        %dma_wait3A_122 = tpu.memref_squeeze %dma_wait3A_121 : memref<1x128xi32, #tpu.memory_space<vmem>> -> memref<128xi32, #tpu.memory_space<vmem>>
        %dma_wait3A_123 = arith.constant 0 : i32
        %dma_wait3A_124 = arith.constant 0 : i32
        %dma_wait3A_125 = tpu.memref_slice %arg2[%dma_wait3A_123, %dma_wait3A_124] : memref<10240x128xf32, #tpu.memory_space<hbm>> -> memref<10240x128xf32, #tpu.memory_space<hbm>>
        tpu.wait_indirect_dma semaphore(%arg12 : memref<!tpu.dma_semaphore, #tpu.memory_space<semaphore_mem>>) src(%dma_wait3A_125 : memref<10240x128xf32, #tpu.memory_space<hbm>>) dst(%arg9 : memref<128x128xf32, #tpu.memory_space<vmem>>)
        %run_scoped3A_126 = arith.constant 1 : i32
        "tpu.region"() ({
          %run_scoped3A_127 = tpu.sem_alloc : memref<!tpu.dma_semaphore, #tpu.memory_space<semaphore_mem>>
          %dma_start3A_128 = arith.constant 0 : i32
          %dma_start3A_129 = tpu.memref_slice %arg7[%run_scoped3A_126, %dma_start3A_128] : memref<2x128xi32, #tpu.memory_space<vmem>> -> memref<1x128xi32, #tpu.memory_space<vmem>>
          %dma_start3A_130 = tpu.memref_squeeze %dma_start3A_129 : memref<1x128xi32, #tpu.memory_space<vmem>> -> memref<128xi32, #tpu.memory_space<vmem>>
          %dma_start3A_131 = arith.constant 0 : i32
          %dma_start3A_132 = arith.constant 0 : i32
          %dma_start3A_133 = tpu.memref_slice %arg10[%dma_start3A_131, %dma_start3A_132] : memref<10240x128xf32, #tpu.memory_space<vmem_shared>> -> memref<10240x128xf32, #tpu.memory_space<vmem_shared>>
          tpu.enqueue_indirect_dma source(%arg9 : memref<128x128xf32, #tpu.memory_space<vmem>>) target(%dma_start3A_133 : memref<10240x128xf32, #tpu.memory_space<vmem_shared>>) offsets(%dma_start3A_130 : memref<128xi32, #tpu.memory_space<vmem>>) semaphore(%run_scoped3A_127 : memref<!tpu.dma_semaphore, #tpu.memory_space<semaphore_mem>>) {add = true}
          %dma_wait3A_134 = arith.constant 0 : i32
          %dma_wait3A_135 = tpu.memref_slice %arg7[%run_scoped3A_126, %dma_wait3A_134] : memref<2x128xi32, #tpu.memory_space<vmem>> -> memref<1x128xi32, #tpu.memory_space<vmem>>
          %dma_wait3A_136 = tpu.memref_squeeze %dma_wait3A_135 : memref<1x128xi32, #tpu.memory_space<vmem>> -> memref<128xi32, #tpu.memory_space<vmem>>
          %dma_wait3A_137 = arith.constant 0 : i32
          %dma_wait3A_138 = arith.constant 0 : i32
          %dma_wait3A_139 = tpu.memref_slice %arg10[%dma_wait3A_137, %dma_wait3A_138] : memref<10240x128xf32, #tpu.memory_space<vmem_shared>> -> memref<10240x128xf32, #tpu.memory_space<vmem_shared>>
          tpu.wait_indirect_dma semaphore(%run_scoped3A_127 : memref<!tpu.dma_semaphore, #tpu.memory_space<semaphore_mem>>) src(%arg9 : memref<128x128xf32, #tpu.memory_space<vmem>>) dst(%dma_wait3A_139 : memref<10240x128xf32, #tpu.memory_space<vmem_shared>>)
          tpu.yield
        }) : () -> ()
      } else {
      }
    }
    %while3A_63 = arith.constant 1 : i32
    scf.for %while3A_80 = %while3A_61 to %while3A_57 step %while3A_63  : i32 {
      %mul3A_81 = arith.muli %while3A_80, %while3A : i32
      %add3A_82 = arith.addi %while3A_54, %mul3A_81 : i32
      %mul3A_83 = arith.constant 2 : i32
      %mul3A_84 = arith.muli %mul3A_83, %add3A_82 : i32
      %add3A_85 = arith.addi %select_n3A, %mul3A_84 : i32
      %dma_wait3A_86 = arith.constant 0 : i32
      %dma_wait3A_87 = arith.constant 0 : i32
      %dma_wait3A_88 = tpu.memref_slice %arg6[%dma_wait3A_86, %dma_wait3A_87] : memref<2x128xi32, #tpu.memory_space<vmem>> -> memref<1x128xi32, #tpu.memory_space<vmem>>
      %dma_wait3A_89 = tpu.memref_squeeze %dma_wait3A_88 : memref<1x128xi32, #tpu.memory_space<vmem>> -> memref<128xi32, #tpu.memory_space<vmem>>
      %dma_wait3A_90 = arith.constant 0 : i32
      %dma_wait3A_91 = arith.constant 0 : i32
      %dma_wait3A_92 = tpu.memref_slice %arg2[%dma_wait3A_90, %dma_wait3A_91] : memref<10240x128xf32, #tpu.memory_space<hbm>> -> memref<10240x128xf32, #tpu.memory_space<hbm>>
      tpu.wait_indirect_dma semaphore(%arg11 : memref<!tpu.dma_semaphore, #tpu.memory_space<semaphore_mem>>) src(%dma_wait3A_92 : memref<10240x128xf32, #tpu.memory_space<hbm>>) dst(%arg8 : memref<128x128xf32, #tpu.memory_space<vmem>>)
      %add3A_93 = arith.constant 1 : i32
      %add3A_94 = arith.addi %add3A_85, %add3A_93 : i32
      %dma_wait3A_95 = arith.constant 0 : i32
      %dma_wait3A_96 = arith.constant 0 : i32
      %dma_wait3A_97 = tpu.memref_slice %arg3[%add3A_94, %dma_wait3A_95, %dma_wait3A_96] : memref<2560x2x128xi32, #tpu.memory_space<hbm>> -> memref<1x2x128xi32, #tpu.memory_space<hbm>>
      %dma_wait3A_98 = tpu.memref_squeeze %dma_wait3A_97 : memref<1x2x128xi32, #tpu.memory_space<hbm>> -> memref<2x128xi32, #tpu.memory_space<hbm>>
      %dma_wait3A_99 = arith.constant 0 : i32
      %dma_wait3A_100 = arith.constant 0 : i32
      %dma_wait3A_101 = tpu.memref_slice %arg3[%add3A_94, %dma_wait3A_99, %dma_wait3A_100] : memref<2560x2x128xi32, #tpu.memory_space<hbm>> -> memref<1x2x128xi32, #tpu.memory_space<hbm>>
      %dma_wait3A_102 = tpu.memref_squeeze %dma_wait3A_101 : memref<1x2x128xi32, #tpu.memory_space<hbm>> -> memref<2x128xi32, #tpu.memory_space<hbm>>
      tpu.wait_dma2 semaphore(%arg14 : memref<!tpu.dma_semaphore, #tpu.memory_space<semaphore_mem>>) src(%dma_wait3A_102 : memref<2x128xi32, #tpu.memory_space<hbm>>) dst(%arg7 : memref<2x128xi32, #tpu.memory_space<vmem>>)
      %dma_start3A_103 = arith.constant 0 : i32
      %dma_start3A_104 = arith.constant 0 : i32
      %dma_start3A_105 = tpu.memref_slice %arg7[%dma_start3A_103, %dma_start3A_104] : memref<2x128xi32, #tpu.memory_space<vmem>> -> memref<1x128xi32, #tpu.memory_space<vmem>>
      %dma_start3A_106 = tpu.memref_squeeze %dma_start3A_105 : memref<1x128xi32, #tpu.memory_space<vmem>> -> memref<128xi32, #tpu.memory_space<vmem>>
      %dma_start3A_107 = arith.constant 0 : i32
      %dma_start3A_108 = arith.constant 0 : i32
      %dma_start3A_109 = tpu.memref_slice %arg2[%dma_start3A_107, %dma_start3A_108] : memref<10240x128xf32, #tpu.memory_space<hbm>> -> memref<10240x128xf32, #tpu.memory_space<hbm>>
      tpu.enqueue_indirect_dma source(%dma_start3A_109 : memref<10240x128xf32, #tpu.memory_space<hbm>>) target(%arg9 : memref<128x128xf32, #tpu.memory_space<vmem>>) offsets(%dma_start3A_106 : memref<128xi32, #tpu.memory_space<vmem>>) semaphore(%arg12 : memref<!tpu.dma_semaphore, #tpu.memory_space<semaphore_mem>>)
      %run_scoped3A = arith.constant 1 : i32
      "tpu.region"() ({
        %run_scoped3A_119 = tpu.sem_alloc : memref<!tpu.dma_semaphore, #tpu.memory_space<semaphore_mem>>
        %dma_start3A_120 = arith.constant 0 : i32
        %dma_start3A_121 = tpu.memref_slice %arg6[%run_scoped3A, %dma_start3A_120] : memref<2x128xi32, #tpu.memory_space<vmem>> -> memref<1x128xi32, #tpu.memory_space<vmem>>
        %dma_start3A_122 = tpu.memref_squeeze %dma_start3A_121 : memref<1x128xi32, #tpu.memory_space<vmem>> -> memref<128xi32, #tpu.memory_space<vmem>>
        %dma_start3A_123 = arith.constant 0 : i32
        %dma_start3A_124 = arith.constant 0 : i32
        %dma_start3A_125 = tpu.memref_slice %arg10[%dma_start3A_123, %dma_start3A_124] : memref<10240x128xf32, #tpu.memory_space<vmem_shared>> -> memref<10240x128xf32, #tpu.memory_space<vmem_shared>>
        tpu.enqueue_indirect_dma source(%arg8 : memref<128x128xf32, #tpu.memory_space<vmem>>) target(%dma_start3A_125 : memref<10240x128xf32, #tpu.memory_space<vmem_shared>>) offsets(%dma_start3A_122 : memref<128xi32, #tpu.memory_space<vmem>>) semaphore(%run_scoped3A_119 : memref<!tpu.dma_semaphore, #tpu.memory_space<semaphore_mem>>) {add = true}
        %dma_wait3A_126 = arith.constant 0 : i32
        %dma_wait3A_127 = tpu.memref_slice %arg6[%run_scoped3A, %dma_wait3A_126] : memref<2x128xi32, #tpu.memory_space<vmem>> -> memref<1x128xi32, #tpu.memory_space<vmem>>
        %dma_wait3A_128 = tpu.memref_squeeze %dma_wait3A_127 : memref<1x128xi32, #tpu.memory_space<vmem>> -> memref<128xi32, #tpu.memory_space<vmem>>
        %dma_wait3A_129 = arith.constant 0 : i32
        %dma_wait3A_130 = arith.constant 0 : i32
        %dma_wait3A_131 = tpu.memref_slice %arg10[%dma_wait3A_129, %dma_wait3A_130] : memref<10240x128xf32, #tpu.memory_space<vmem_shared>> -> memref<10240x128xf32, #tpu.memory_space<vmem_shared>>
        tpu.wait_indirect_dma semaphore(%run_scoped3A_119 : memref<!tpu.dma_semaphore, #tpu.memory_space<semaphore_mem>>) src(%arg8 : memref<128x128xf32, #tpu.memory_space<vmem>>) dst(%dma_wait3A_131 : memref<10240x128xf32, #tpu.memory_space<vmem_shared>>)
        tpu.yield
      }) : () -> ()
      %sub3A_110 = arith.constant 1 : i32
      %sub3A_111 = arith.subi %select_n3A_8, %sub3A_110 : i32
      %lt3A = arith.cmpi slt, %add3A_82, %sub3A_111 : i32
      %convert_element_type3A = arith.extui %lt3A : i1 to i32
      %cond3A = arith.constant 0 : i32
      %cond3A_112 = arith.cmpi ne, %convert_element_type3A, %cond3A : i32
      scf.if %cond3A_112 {
        %add3A_119 = arith.constant 2 : i32
        %add3A_120 = arith.addi %add3A_85, %add3A_119 : i32
        %dma_start3A_121 = arith.constant 0 : i32
        %dma_start3A_122 = arith.constant 0 : i32
        %dma_start3A_123 = tpu.memref_slice %arg3[%add3A_120, %dma_start3A_121, %dma_start3A_122] : memref<2560x2x128xi32, #tpu.memory_space<hbm>> -> memref<1x2x128xi32, #tpu.memory_space<hbm>>
        %dma_start3A_124 = tpu.memref_squeeze %dma_start3A_123 : memref<1x2x128xi32, #tpu.memory_space<hbm>> -> memref<2x128xi32, #tpu.memory_space<hbm>>
        %dma_start3A_125 = arith.constant 0 : i32
        %dma_start3A_126 = arith.constant 0 : i32
        %dma_start3A_127 = tpu.memref_slice %arg3[%add3A_120, %dma_start3A_125, %dma_start3A_126] : memref<2560x2x128xi32, #tpu.memory_space<hbm>> -> memref<1x2x128xi32, #tpu.memory_space<hbm>>
        %dma_start3A_128 = tpu.memref_squeeze %dma_start3A_127 : memref<1x2x128xi32, #tpu.memory_space<hbm>> -> memref<2x128xi32, #tpu.memory_space<hbm>>
        tpu.enqueue_dma source(%dma_start3A_128 : memref<2x128xi32, #tpu.memory_space<hbm>>) target(%arg6 : memref<2x128xi32, #tpu.memory_space<vmem>>) target_semaphore(%arg13 : memref<!tpu.dma_semaphore, #tpu.memory_space<semaphore_mem>>)
        %dma_wait3A_129 = arith.constant 0 : i32
        %dma_wait3A_130 = arith.constant 0 : i32
        %dma_wait3A_131 = tpu.memref_slice %arg7[%dma_wait3A_129, %dma_wait3A_130] : memref<2x128xi32, #tpu.memory_space<vmem>> -> memref<1x128xi32, #tpu.memory_space<vmem>>
        %dma_wait3A_132 = tpu.memref_squeeze %dma_wait3A_131 : memref<1x128xi32, #tpu.memory_space<vmem>> -> memref<128xi32, #tpu.memory_space<vmem>>
        %dma_wait3A_133 = arith.constant 0 : i32
        %dma_wait3A_134 = arith.constant 0 : i32
        %dma_wait3A_135 = tpu.memref_slice %arg2[%dma_wait3A_133, %dma_wait3A_134] : memref<10240x128xf32, #tpu.memory_space<hbm>> -> memref<10240x128xf32, #tpu.memory_space<hbm>>
        tpu.wait_indirect_dma semaphore(%arg12 : memref<!tpu.dma_semaphore, #tpu.memory_space<semaphore_mem>>) src(%dma_wait3A_135 : memref<10240x128xf32, #tpu.memory_space<hbm>>) dst(%arg9 : memref<128x128xf32, #tpu.memory_space<vmem>>)
        %dma_wait3A_136 = arith.constant 0 : i32
        %dma_wait3A_137 = arith.constant 0 : i32
        %dma_wait3A_138 = tpu.memref_slice %arg3[%add3A_120, %dma_wait3A_136, %dma_wait3A_137] : memref<2560x2x128xi32, #tpu.memory_space<hbm>> -> memref<1x2x128xi32, #tpu.memory_space<hbm>>
        %dma_wait3A_139 = tpu.memref_squeeze %dma_wait3A_138 : memref<1x2x128xi32, #tpu.memory_space<hbm>> -> memref<2x128xi32, #tpu.memory_space<hbm>>
        %dma_wait3A_140 = arith.constant 0 : i32
        %dma_wait3A_141 = arith.constant 0 : i32
        %dma_wait3A_142 = tpu.memref_slice %arg3[%add3A_120, %dma_wait3A_140, %dma_wait3A_141] : memref<2560x2x128xi32, #tpu.memory_space<hbm>> -> memref<1x2x128xi32, #tpu.memory_space<hbm>>
        %dma_wait3A_143 = tpu.memref_squeeze %dma_wait3A_142 : memref<1x2x128xi32, #tpu.memory_space<hbm>> -> memref<2x128xi32, #tpu.memory_space<hbm>>
        tpu.wait_dma2 semaphore(%arg13 : memref<!tpu.dma_semaphore, #tpu.memory_space<semaphore_mem>>) src(%dma_wait3A_143 : memref<2x128xi32, #tpu.memory_space<hbm>>) dst(%arg6 : memref<2x128xi32, #tpu.memory_space<vmem>>)
        %dma_start3A_144 = arith.constant 0 : i32
        %dma_start3A_145 = arith.constant 0 : i32
        %dma_start3A_146 = tpu.memref_slice %arg6[%dma_start3A_144, %dma_start3A_145] : memref<2x128xi32, #tpu.memory_space<vmem>> -> memref<1x128xi32, #tpu.memory_space<vmem>>
        %dma_start3A_147 = tpu.memref_squeeze %dma_start3A_146 : memref<1x128xi32, #tpu.memory_space<vmem>> -> memref<128xi32, #tpu.memory_space<vmem>>
        %dma_start3A_148 = arith.constant 0 : i32
        %dma_start3A_149 = arith.constant 0 : i32
        %dma_start3A_150 = tpu.memref_slice %arg2[%dma_start3A_148, %dma_start3A_149] : memref<10240x128xf32, #tpu.memory_space<hbm>> -> memref<10240x128xf32, #tpu.memory_space<hbm>>
        tpu.enqueue_indirect_dma source(%dma_start3A_150 : memref<10240x128xf32, #tpu.memory_space<hbm>>) target(%arg8 : memref<128x128xf32, #tpu.memory_space<vmem>>) offsets(%dma_start3A_147 : memref<128xi32, #tpu.memory_space<vmem>>) semaphore(%arg11 : memref<!tpu.dma_semaphore, #tpu.memory_space<semaphore_mem>>)
        %run_scoped3A_151 = arith.constant 1 : i32
        "tpu.region"() ({
          %run_scoped3A_162 = tpu.sem_alloc : memref<!tpu.dma_semaphore, #tpu.memory_space<semaphore_mem>>
          %dma_start3A_163 = arith.constant 0 : i32
          %dma_start3A_164 = tpu.memref_slice %arg7[%run_scoped3A_151, %dma_start3A_163] : memref<2x128xi32, #tpu.memory_space<vmem>> -> memref<1x128xi32, #tpu.memory_space<vmem>>
          %dma_start3A_165 = tpu.memref_squeeze %dma_start3A_164 : memref<1x128xi32, #tpu.memory_space<vmem>> -> memref<128xi32, #tpu.memory_space<vmem>>
          %dma_start3A_166 = arith.constant 0 : i32
          %dma_start3A_167 = arith.constant 0 : i32
          %dma_start3A_168 = tpu.memref_slice %arg10[%dma_start3A_166, %dma_start3A_167] : memref<10240x128xf32, #tpu.memory_space<vmem_shared>> -> memref<10240x128xf32, #tpu.memory_space<vmem_shared>>
          tpu.enqueue_indirect_dma source(%arg9 : memref<128x128xf32, #tpu.memory_space<vmem>>) target(%dma_start3A_168 : memref<10240x128xf32, #tpu.memory_space<vmem_shared>>) offsets(%dma_start3A_165 : memref<128xi32, #tpu.memory_space<vmem>>) semaphore(%run_scoped3A_162 : memref<!tpu.dma_semaphore, #tpu.memory_space<semaphore_mem>>) {add = true}
          %dma_wait3A_169 = arith.constant 0 : i32
          %dma_wait3A_170 = tpu.memref_slice %arg7[%run_scoped3A_151, %dma_wait3A_169] : memref<2x128xi32, #tpu.memory_space<vmem>> -> memref<1x128xi32, #tpu.memory_space<vmem>>
          %dma_wait3A_171 = tpu.memref_squeeze %dma_wait3A_170 : memref<1x128xi32, #tpu.memory_space<vmem>> -> memref<128xi32, #tpu.memory_space<vmem>>
          %dma_wait3A_172 = arith.constant 0 : i32
          %dma_wait3A_173 = arith.constant 0 : i32
          %dma_wait3A_174 = tpu.memref_slice %arg10[%dma_wait3A_172, %dma_wait3A_173] : memref<10240x128xf32, #tpu.memory_space<vmem_shared>> -> memref<10240x128xf32, #tpu.memory_space<vmem_shared>>
          tpu.wait_indirect_dma semaphore(%run_scoped3A_162 : memref<!tpu.dma_semaphore, #tpu.memory_space<semaphore_mem>>) src(%arg9 : memref<128x128xf32, #tpu.memory_space<vmem>>) dst(%dma_wait3A_174 : memref<10240x128xf32, #tpu.memory_space<vmem_shared>>)
          tpu.yield
        }) : () -> ()
        %add3A_152 = arith.constant 3 : i32
        %add3A_153 = arith.addi %add3A_85, %add3A_152 : i32
        %dma_start3A_154 = arith.constant 0 : i32
        %dma_start3A_155 = arith.constant 0 : i32
        %dma_start3A_156 = tpu.memref_slice %arg3[%add3A_153, %dma_start3A_154, %dma_start3A_155] : memref<2560x2x128xi32, #tpu.memory_space<hbm>> -> memref<1x2x128xi32, #tpu.memory_space<hbm>>
        %dma_start3A_157 = tpu.memref_squeeze %dma_start3A_156 : memref<1x2x128xi32, #tpu.memory_space<hbm>> -> memref<2x128xi32, #tpu.memory_space<hbm>>
        %dma_start3A_158 = arith.constant 0 : i32
        %dma_start3A_159 = arith.constant 0 : i32
        %dma_start3A_160 = tpu.memref_slice %arg3[%add3A_153, %dma_start3A_158, %dma_start3A_159] : memref<2560x2x128xi32, #tpu.memory_space<hbm>> -> memref<1x2x128xi32, #tpu.memory_space<hbm>>
        %dma_start3A_161 = tpu.memref_squeeze %dma_start3A_160 : memref<1x2x128xi32, #tpu.memory_space<hbm>> -> memref<2x128xi32, #tpu.memory_space<hbm>>
        tpu.enqueue_dma source(%dma_start3A_161 : memref<2x128xi32, #tpu.memory_space<hbm>>) target(%arg7 : memref<2x128xi32, #tpu.memory_space<vmem>>) target_semaphore(%arg14 : memref<!tpu.dma_semaphore, #tpu.memory_space<semaphore_mem>>)
      } else {
      }
      %sub3A_113 = arith.constant 1 : i32
      %sub3A_114 = arith.subi %select_n3A_8, %sub3A_113 : i32
      %eq3A_115 = arith.cmpi eq, %add3A_82, %sub3A_114 : i32
      %convert_element_type3A_116 = arith.extui %eq3A_115 : i1 to i32
      %cond3A_117 = arith.constant 0 : i32
      %cond3A_118 = arith.cmpi ne, %convert_element_type3A_116, %cond3A_117 : i32
      scf.if %cond3A_118 {
        %dma_wait3A_119 = arith.constant 0 : i32
        %dma_wait3A_120 = arith.constant 0 : i32
        %dma_wait3A_121 = tpu.memref_slice %arg7[%dma_wait3A_119, %dma_wait3A_120] : memref<2x128xi32, #tpu.memory_space<vmem>> -> memref<1x128xi32, #tpu.memory_space<vmem>>
        %dma_wait3A_122 = tpu.memref_squeeze %dma_wait3A_121 : memref<1x128xi32, #tpu.memory_space<vmem>> -> memref<128xi32, #tpu.memory_space<vmem>>
        %dma_wait3A_123 = arith.constant 0 : i32
        %dma_wait3A_124 = arith.constant 0 : i32
        %dma_wait3A_125 = tpu.memref_slice %arg2[%dma_wait3A_123, %dma_wait3A_124] : memref<10240x128xf32, #tpu.memory_space<hbm>> -> memref<10240x128xf32, #tpu.memory_space<hbm>>
        tpu.wait_indirect_dma semaphore(%arg12 : memref<!tpu.dma_semaphore, #tpu.memory_space<semaphore_mem>>) src(%dma_wait3A_125 : memref<10240x128xf32, #tpu.memory_space<hbm>>) dst(%arg9 : memref<128x128xf32, #tpu.memory_space<vmem>>)
        %run_scoped3A_126 = arith.constant 1 : i32
        "tpu.region"() ({
          %run_scoped3A_127 = tpu.sem_alloc : memref<!tpu.dma_semaphore, #tpu.memory_space<semaphore_mem>>
          %dma_start3A_128 = arith.constant 0 : i32
          %dma_start3A_129 = tpu.memref_slice %arg7[%run_scoped3A_126, %dma_start3A_128] : memref<2x128xi32, #tpu.memory_space<vmem>> -> memref<1x128xi32, #tpu.memory_space<vmem>>
          %dma_start3A_130 = tpu.memref_squeeze %dma_start3A_129 : memref<1x128xi32, #tpu.memory_space<vmem>> -> memref<128xi32, #tpu.memory_space<vmem>>
          %dma_start3A_131 = arith.constant 0 : i32
          %dma_start3A_132 = arith.constant 0 : i32
          %dma_start3A_133 = tpu.memref_slice %arg10[%dma_start3A_131, %dma_start3A_132] : memref<10240x128xf32, #tpu.memory_space<vmem_shared>> -> memref<10240x128xf32, #tpu.memory_space<vmem_shared>>
          tpu.enqueue_indirect_dma source(%arg9 : memref<128x128xf32, #tpu.memory_space<vmem>>) target(%dma_start3A_133 : memref<10240x128xf32, #tpu.memory_space<vmem_shared>>) offsets(%dma_start3A_130 : memref<128xi32, #tpu.memory_space<vmem>>) semaphore(%run_scoped3A_127 : memref<!tpu.dma_semaphore, #tpu.memory_space<semaphore_mem>>) {add = true}
          %dma_wait3A_134 = arith.constant 0 : i32
          %dma_wait3A_135 = tpu.memref_slice %arg7[%run_scoped3A_126, %dma_wait3A_134] : memref<2x128xi32, #tpu.memory_space<vmem>> -> memref<1x128xi32, #tpu.memory_space<vmem>>
          %dma_wait3A_136 = tpu.memref_squeeze %dma_wait3A_135 : memref<1x128xi32, #tpu.memory_space<vmem>> -> memref<128xi32, #tpu.memory_space<vmem>>
          %dma_wait3A_137 = arith.constant 0 : i32
          %dma_wait3A_138 = arith.constant 0 : i32
          %dma_wait3A_139 = tpu.memref_slice %arg10[%dma_wait3A_137, %dma_wait3A_138] : memref<10240x128xf32, #tpu.memory_space<vmem_shared>> -> memref<10240x128xf32, #tpu.memory_space<vmem_shared>>
          tpu.wait_indirect_dma semaphore(%run_scoped3A_127 : memref<!tpu.dma_semaphore, #tpu.memory_space<semaphore_mem>>) src(%arg9 : memref<128x128xf32, #tpu.memory_space<vmem>>) dst(%dma_wait3A_139 : memref<10240x128xf32, #tpu.memory_space<vmem_shared>>)
          tpu.yield
        }) : () -> ()
      } else {
      }
    }
    %barrier3A_64 = arith.constant 0 : index
    tpu.barrier barrier_id(%barrier3A_64)
    %mul3A_65 = arith.constant 640 : i32
    %mul3A_66 = arith.muli %arg1, %mul3A_65 : i32
    %mul3A_67 = arith.constant 10240 : i32
    %mul3A_68 = arith.muli %arg0, %mul3A_67 : i32
    %mul3A_69 = arith.constant 640 : i32
    %mul3A_70 = arith.muli %arg1, %mul3A_69 : i32
    %add3A_71 = arith.addi %mul3A_68, %mul3A_70 : i32
    %dma_start3A_72 = arith.constant 0 : i32
    %dma_start3A_73 = tpu.memref_slice %arg5[%add3A_71, %dma_start3A_72] : memref<20480x128xf32, #tpu.memory_space<hbm>> -> memref<640x128xf32, #tpu.memory_space<hbm>>
    %dma_start3A_74 = arith.constant 0 : i32
    %dma_start3A_75 = tpu.memref_slice %arg10[%mul3A_66, %dma_start3A_74] : memref<10240x128xf32, #tpu.memory_space<vmem_shared>> -> memref<640x128xf32, #tpu.memory_space<vmem_shared>>
    tpu.enqueue_dma source(%dma_start3A_75 : memref<640x128xf32, #tpu.memory_space<vmem_shared>>) target(%dma_start3A_73 : memref<640x128xf32, #tpu.memory_space<hbm>>) target_semaphore(%arg11 : memref<!tpu.dma_semaphore, #tpu.memory_space<semaphore_mem>>)
    %dma_wait3A_76 = arith.constant 0 : i32
    %dma_wait3A_77 = tpu.memref_slice %arg5[%add3A_71, %dma_wait3A_76] : memref<20480x128xf32, #tpu.memory_space<hbm>> -> memref<640x128xf32, #tpu.memory_space<hbm>>
    %dma_wait3A_78 = arith.constant 0 : i32
    %dma_wait3A_79 = tpu.memref_slice %arg10[%mul3A_66, %dma_wait3A_78] : memref<10240x128xf32, #tpu.memory_space<vmem_shared>> -> memref<640x128xf32, #tpu.memory_space<vmem_shared>>
    tpu.wait_dma2 semaphore(%arg11 : memref<!tpu.dma_semaphore, #tpu.memory_space<semaphore_mem>>) src(%dma_wait3A_79 : memref<640x128xf32, #tpu.memory_space<vmem_shared>>) dst(%dma_wait3A_77 : memref<640x128xf32, #tpu.memory_space<hbm>>)
    return
  }
}

module attributes {stable_mosaic.version = 14 : i64} {
  func.func @body(%arg0: i32, %arg1: memref<1280x128xf32, #tpu.memory_space<vmem>>, %arg2: memref<128x128xf32, #tpu.memory_space<vmem>>, %arg3: memref<1x128xf32, #tpu.memory_space<vmem>>, %arg4: memref<1280x128xf32, #tpu.memory_space<vmem>>) attributes {dimension_semantics = [#tpu.dimension_semantics<arbitrary>], iteration_bounds = array<i64: 8>, scalar_prefetch = 0 : i64, scratch_operands = 0 : i64, tpu.core_type = #tpu.core_type<tc>, window_params = [{transform_indices = @transform_0, window_bounds = array<i64: 1280, 128>}, {pipeline_mode = #tpu.pipeline_mode<synchronous>, transform_indices = @transform_1, window_bounds = array<i64: 128, 128>}, {pipeline_mode = #tpu.pipeline_mode<synchronous>, transform_indices = @transform_2, window_bounds = array<i64: 1, 128>}, {transform_indices = @transform_3, window_bounds = array<i64: 1280, 128>}]} {
    %get3A = arith.constant 0 : index
    %get3A_0 = arith.constant 0 : index
    %get3A_1 = vector.load %arg1[%get3A, %get3A_0] : memref<1280x128xf32, #tpu.memory_space<vmem>>, vector<1280x128xf32>
    %get3A_2 = arith.constant 0 : index
    %get3A_3 = arith.constant 0 : index
    %get3A_4 = vector.load %arg2[%get3A_2, %get3A_3] : memref<128x128xf32, #tpu.memory_space<vmem>>, vector<128x128xf32>
    %dot_general3A = arith.constant dense<0.000000e+00> : vector<1280x128xf32>
    %dot_general3A_5 = tpu.matmul %get3A_1, %get3A_4, %dot_general3A {dimension_numbers = #tpu.dot_dimension_numbers<[1], [0], [0], [1], [0, 0, 1, 1], [], []>, transpose_lhs_hint = false} : vector<1280x128xf32>, vector<128x128xf32>, vector<1280x128xf32> -> vector<1280x128xf32>
    %get3A_6 = arith.constant 0 : index
    %get3A_7 = arith.constant 0 : index
    %get3A_8 = vector.load %arg3[%get3A_6, %get3A_7] : memref<1x128xf32, #tpu.memory_space<vmem>>, vector<1x128xf32>
    %add3A = vector.broadcast %get3A_8 : vector<1x128xf32> to vector<1280x128xf32>
    %add3A_9 = arith.addf %dot_general3A_5, %add3A : vector<1280x128xf32>
    %swap3A = arith.constant 0 : index
    %swap3A_10 = arith.constant 0 : index
    %swap3A_11 = vector.load %arg4[%swap3A, %swap3A_10] : memref<1280x128xf32, #tpu.memory_space<vmem>>, vector<1280x128xf32>
    tpu.vector_store %arg4[%swap3A, %swap3A_10], %add3A_9 {strides = array<i32>} : memref<1280x128xf32, #tpu.memory_space<vmem>>, vector<1280x128xf32>,
    return
  }
  func.func @transform_0(%arg0: i32) -> (i32, i32) {
    %c0_i32 = arith.constant 0 : i32
    %c0_i32_0 = arith.constant 0 : i32
    return %arg0, %c0_i32 : i32, i32
  }
  func.func @transform_1(%arg0: i32) -> (i32, i32) {
    %c0_i32 = arith.constant 0 : i32
    %c0_i32_0 = arith.constant 0 : i32
    %c0_i32_1 = arith.constant 0 : i32
    return %c0_i32, %c0_i32_0 : i32, i32
  }
  func.func @transform_2(%arg0: i32) -> (i32, i32) {
    %c0_i32 = arith.constant 0 : i32
    %c0_i32_0 = arith.constant 0 : i32
    %c0_i32_1 = arith.constant 0 : i32
    return %c0_i32, %c0_i32_0 : i32, i32
  }
  func.func @transform_3(%arg0: i32) -> (i32, i32) {
    %c0_i32 = arith.constant 0 : i32
    %c0_i32_0 = arith.constant 0 : i32
    return %arg0, %c0_i32 : i32, i32
  }
}

module attributes {stable_mosaic.version = 14 : i64} {
  func.func @body(%arg0: i32, %arg1: memref<1280x128xf32, #tpu.memory_space<vmem>>, %arg2: memref<2x1280x128xf32, #tpu.memory_space<vmem>>, %arg3: memref<128x128xf32, #tpu.memory_space<vmem>>, %arg4: memref<1280x128xf32, #tpu.memory_space<vmem>>, %arg5: memref<1280x1xf32, #tpu.memory_space<vmem>>) attributes {dimension_semantics = [#tpu.dimension_semantics<arbitrary>], iteration_bounds = array<i64: 8>, scalar_prefetch = 0 : i64, scratch_operands = 0 : i64, tpu.core_type = #tpu.core_type<tc>, window_params = [{transform_indices = @transform_0, window_bounds = array<i64: 1280, 128>}, {transform_indices = @transform_1, window_bounds = array<i64: 2, 1280, 128>}, {pipeline_mode = #tpu.pipeline_mode<synchronous>, transform_indices = @transform_2, window_bounds = array<i64: 128, 128>}, {transform_indices = @transform_3, window_bounds = array<i64: 1280, 128>}, {transform_indices = @transform_4, window_bounds = array<i64: 1280, 1>}]} {
    %get3A = arith.constant 0 : index
    %get3A_0 = arith.constant 0 : index
    %get3A_1 = arith.constant 0 : index
    %get3A_2 = vector.load %arg2[%get3A, %get3A_0, %get3A_1] : memref<2x1280x128xf32, #tpu.memory_space<vmem>>, vector<1x1280x1xf32>
    %get3A_3 = vector.shape_cast %get3A_2 : vector<1x1280x1xf32> to vector<1280x1xf32>
    %get3A_4 = arith.constant 1 : index
    %get3A_5 = arith.constant 0 : index
    %get3A_6 = arith.constant 0 : index
    %get3A_7 = vector.load %arg2[%get3A_4, %get3A_5, %get3A_6] : memref<2x1280x128xf32, #tpu.memory_space<vmem>>, vector<1x1280x1xf32>
    %get3A_8 = vector.shape_cast %get3A_7 : vector<1x1280x1xf32> to vector<1280x1xf32>
    %add3A = arith.addf %get3A_3, %get3A_8 : vector<1280x1xf32>
    %add3A_9 = arith.constant 1.000000e+00 : f32
    %add3A_10 = vector.broadcast %add3A_9 : f32 to vector<1280x1xf32>
    %add3A_11 = arith.addf %add3A, %add3A_10 : vector<1280x1xf32>
    %max3A = arith.constant 1.000000e+00 : f32
    %max3A_12 = vector.broadcast %max3A : f32 to vector<1280x1xf32>
    %max3A_13 = arith.maximumf %add3A_11, %max3A_12 : vector<1280x1xf32>
    %rsqrt3A = math.rsqrt %max3A_13 : vector<1280x1xf32>
    %swap3A = arith.constant 0 : index
    %swap3A_14 = arith.constant 0 : index
    %swap3A_15 = vector.load %arg5[%swap3A, %swap3A_14] : memref<1280x1xf32, #tpu.memory_space<vmem>>, vector<1280x1xf32>
    tpu.vector_store %arg5[%swap3A, %swap3A_14], %rsqrt3A {strides = array<i32>} : memref<1280x1xf32, #tpu.memory_space<vmem>>, vector<1280x1xf32>,
    %get3A_16 = arith.constant 0 : index
    %get3A_17 = arith.constant 0 : index
    %get3A_18 = vector.load %arg1[%get3A_16, %get3A_17] : memref<1280x128xf32, #tpu.memory_space<vmem>>, vector<1280x128xf32>
    %get3A_19 = arith.constant 0 : index
    %get3A_20 = arith.constant 0 : index
    %get3A_21 = vector.load %arg3[%get3A_19, %get3A_20] : memref<128x128xf32, #tpu.memory_space<vmem>>, vector<128x128xf32>
    %dot_general3A = arith.constant dense<0.000000e+00> : vector<1280x128xf32>
    %dot_general3A_22 = tpu.matmul %get3A_18, %get3A_21, %dot_general3A {dimension_numbers = #tpu.dot_dimension_numbers<[1], [0], [0], [1], [0, 0, 1, 1], [], []>, transpose_lhs_hint = false} : vector<1280x128xf32>, vector<128x128xf32>, vector<1280x128xf32> -> vector<1280x128xf32>
    %mul3A = vector.broadcast %rsqrt3A : vector<1280x1xf32> to vector<1280x128xf32>
    %mul3A_23 = arith.mulf %mul3A, %dot_general3A_22 : vector<1280x128xf32>
    %swap3A_24 = arith.constant 0 : index
    %swap3A_25 = arith.constant 0 : index
    %swap3A_26 = vector.load %arg4[%swap3A_24, %swap3A_25] : memref<1280x128xf32, #tpu.memory_space<vmem>>, vector<1280x128xf32>
    tpu.vector_store %arg4[%swap3A_24, %swap3A_25], %mul3A_23 {strides = array<i32>} : memref<1280x128xf32, #tpu.memory_space<vmem>>, vector<1280x128xf32>,
    return
  }
  func.func @transform_0(%arg0: i32) -> (i32, i32) {
    %c0_i32 = arith.constant 0 : i32
    %c0_i32_0 = arith.constant 0 : i32
    return %arg0, %c0_i32 : i32, i32
  }
  func.func @transform_1(%arg0: i32) -> (i32, i32, i32) {
    %c0_i32 = arith.constant 0 : i32
    %c0_i32_0 = arith.constant 0 : i32
    %c0_i32_1 = arith.constant 0 : i32
    return %c0_i32, %arg0, %c0_i32_0 : i32, i32, i32
  }
  func.func @transform_2(%arg0: i32) -> (i32, i32) {
    %c0_i32 = arith.constant 0 : i32
    %c0_i32_0 = arith.constant 0 : i32
    %c0_i32_1 = arith.constant 0 : i32
    return %c0_i32, %c0_i32_0 : i32, i32
  }
  func.func @transform_3(%arg0: i32) -> (i32, i32) {
    %c0_i32 = arith.constant 0 : i32
    %c0_i32_0 = arith.constant 0 : i32
    return %arg0, %c0_i32 : i32, i32
  }
  func.func @transform_4(%arg0: i32) -> (i32, i32) {
    %c0_i32 = arith.constant 0 : i32
    %c0_i32_0 = arith.constant 0 : i32
    return %arg0, %c0_i32 : i32, i32
  }
}

module attributes {stable_mosaic.version = 14 : i64} {
  func.func @body(%arg0: i32, %arg1: memref<2x1280x128xf32, #tpu.memory_space<vmem>>, %arg2: memref<1280x128xf32, #tpu.memory_space<vmem>>, %arg3: memref<1280x1xf32, #tpu.memory_space<vmem>>, %arg4: memref<1x128xf32, #tpu.memory_space<vmem>>, %arg5: memref<128x128xf32, #tpu.memory_space<vmem>>, %arg6: memref<1280x128xf32, #tpu.memory_space<vmem>>) attributes {dimension_semantics = [#tpu.dimension_semantics<arbitrary>], iteration_bounds = array<i64: 8>, scalar_prefetch = 0 : i64, scratch_operands = 0 : i64, tpu.core_type = #tpu.core_type<tc>, window_params = [{transform_indices = @transform_0, window_bounds = array<i64: 2, 1280, 128>}, {transform_indices = @transform_1, window_bounds = array<i64: 1280, 128>}, {transform_indices = @transform_2, window_bounds = array<i64: 1280, 1>}, {pipeline_mode = #tpu.pipeline_mode<synchronous>, transform_indices = @transform_3, window_bounds = array<i64: 1, 128>}, {pipeline_mode = #tpu.pipeline_mode<synchronous>, transform_indices = @transform_4, window_bounds = array<i64: 128, 128>}, {transform_indices = @transform_5, window_bounds = array<i64: 1280, 128>}]} {
    %get3A = arith.constant 0 : index
    %get3A_0 = arith.constant 0 : index
    %get3A_1 = vector.load %arg3[%get3A, %get3A_0] : memref<1280x1xf32, #tpu.memory_space<vmem>>, vector<1280x1xf32>
    %get3A_2 = arith.constant 0 : index
    %get3A_3 = arith.constant 0 : index
    %get3A_4 = arith.constant 0 : index
    %get3A_5 = vector.load %arg1[%get3A_2, %get3A_3, %get3A_4] : memref<2x1280x128xf32, #tpu.memory_space<vmem>>, vector<1x1280x128xf32>
    %get3A_6 = vector.shape_cast %get3A_5 : vector<1x1280x128xf32> to vector<1280x128xf32>
    %get3A_7 = arith.constant 1 : index
    %get3A_8 = arith.constant 0 : index
    %get3A_9 = arith.constant 0 : index
    %get3A_10 = vector.load %arg1[%get3A_7, %get3A_8, %get3A_9] : memref<2x1280x128xf32, #tpu.memory_space<vmem>>, vector<1x1280x128xf32>
    %get3A_11 = vector.shape_cast %get3A_10 : vector<1x1280x128xf32> to vector<1280x128xf32>
    %add3A = arith.addf %get3A_6, %get3A_11 : vector<1280x128xf32>
    %get3A_12 = arith.constant 0 : index
    %get3A_13 = arith.constant 0 : index
    %get3A_14 = vector.load %arg2[%get3A_12, %get3A_13] : memref<1280x128xf32, #tpu.memory_space<vmem>>, vector<1280x128xf32>
    %add3A_15 = arith.addf %add3A, %get3A_14 : vector<1280x128xf32>
    %mul3A = vector.broadcast %get3A_1 : vector<1280x1xf32> to vector<1280x128xf32>
    %mul3A_16 = arith.mulf %mul3A, %add3A_15 : vector<1280x128xf32>
    %get3A_17 = arith.constant 0 : index
    %get3A_18 = arith.constant 0 : index
    %get3A_19 = vector.load %arg4[%get3A_17, %get3A_18] : memref<1x128xf32, #tpu.memory_space<vmem>>, vector<1x128xf32>
    %add3A_20 = vector.broadcast %get3A_19 : vector<1x128xf32> to vector<1280x128xf32>
    %add3A_21 = arith.addf %mul3A_16, %add3A_20 : vector<1280x128xf32>
    %max3A = arith.constant 0.000000e+00 : f32
    %max3A_22 = vector.broadcast %max3A : f32 to vector<1280x128xf32>
    %max3A_23 = arith.maximumf %add3A_21, %max3A_22 : vector<1280x128xf32>
    %get3A_24 = arith.constant 0 : index
    %get3A_25 = arith.constant 0 : index
    %get3A_26 = vector.load %arg5[%get3A_24, %get3A_25] : memref<128x128xf32, #tpu.memory_space<vmem>>, vector<128x128xf32>
    %dot_general3A = arith.constant dense<0.000000e+00> : vector<1280x128xf32>
    %dot_general3A_27 = tpu.matmul %max3A_23, %get3A_26, %dot_general3A {dimension_numbers = #tpu.dot_dimension_numbers<[1], [0], [0], [1], [0, 0, 1, 1], [], []>, transpose_lhs_hint = false} : vector<1280x128xf32>, vector<128x128xf32>, vector<1280x128xf32> -> vector<1280x128xf32>
    %mul3A_28 = vector.broadcast %get3A_1 : vector<1280x1xf32> to vector<1280x128xf32>
    %mul3A_29 = arith.mulf %mul3A_28, %dot_general3A_27 : vector<1280x128xf32>
    %swap3A = arith.constant 0 : index
    %swap3A_30 = arith.constant 0 : index
    %swap3A_31 = vector.load %arg6[%swap3A, %swap3A_30] : memref<1280x128xf32, #tpu.memory_space<vmem>>, vector<1280x128xf32>
    tpu.vector_store %arg6[%swap3A, %swap3A_30], %mul3A_29 {strides = array<i32>} : memref<1280x128xf32, #tpu.memory_space<vmem>>, vector<1280x128xf32>,
    return
  }
  func.func @transform_0(%arg0: i32) -> (i32, i32, i32) {
    %c0_i32 = arith.constant 0 : i32
    %c0_i32_0 = arith.constant 0 : i32
    %c0_i32_1 = arith.constant 0 : i32
    return %c0_i32, %arg0, %c0_i32_0 : i32, i32, i32
  }
  func.func @transform_1(%arg0: i32) -> (i32, i32) {
    %c0_i32 = arith.constant 0 : i32
    %c0_i32_0 = arith.constant 0 : i32
    return %arg0, %c0_i32 : i32, i32
  }
  func.func @transform_2(%arg0: i32) -> (i32, i32) {
    %c0_i32 = arith.constant 0 : i32
    %c0_i32_0 = arith.constant 0 : i32
    return %arg0, %c0_i32 : i32, i32
  }
  func.func @transform_3(%arg0: i32) -> (i32, i32) {
    %c0_i32 = arith.constant 0 : i32
    %c0_i32_0 = arith.constant 0 : i32
    %c0_i32_1 = arith.constant 0 : i32
    return %c0_i32, %c0_i32_0 : i32, i32
  }
  func.func @transform_4(%arg0: i32) -> (i32, i32) {
    %c0_i32 = arith.constant 0 : i32
    %c0_i32_0 = arith.constant 0 : i32
    %c0_i32_1 = arith.constant 0 : i32
    return %c0_i32, %c0_i32_0 : i32, i32
  }
  func.func @transform_5(%arg0: i32) -> (i32, i32) {
    %c0_i32 = arith.constant 0 : i32
    %c0_i32_0 = arith.constant 0 : i32
    return %arg0, %c0_i32 : i32, i32
  }
}

module attributes {stable_mosaic.version = 14 : i64} {
  func.func @body(%arg0: i32, %arg1: memref<2x1280x128xf32, #tpu.memory_space<vmem>>, %arg2: memref<1280x128xf32, #tpu.memory_space<vmem>>, %arg3: memref<1280x1xf32, #tpu.memory_space<vmem>>, %arg4: memref<1x128xf32, #tpu.memory_space<vmem>>, %arg5: memref<128x64xf32, #tpu.memory_space<vmem>>, %arg6: memref<1x64xf32, #tpu.memory_space<vmem>>, %arg7: memref<64x32xf32, #tpu.memory_space<vmem>>, %arg8: memref<1x32xf32, #tpu.memory_space<vmem>>, %arg9: memref<32x1xf32, #tpu.memory_space<vmem>>, %arg10: memref<1x1xf32, #tpu.memory_space<vmem>>, %arg11: memref<1280x1xf32, #tpu.memory_space<vmem>>) attributes {dimension_semantics = [#tpu.dimension_semantics<arbitrary>], iteration_bounds = array<i64: 8>, scalar_prefetch = 0 : i64, scratch_operands = 0 : i64, tpu.core_type = #tpu.core_type<tc>, window_params = [{transform_indices = @transform_0, window_bounds = array<i64: 2, 1280, 128>}, {transform_indices = @transform_1, window_bounds = array<i64: 1280, 128>}, {transform_indices = @transform_2, window_bounds = array<i64: 1280, 1>}, {pipeline_mode = #tpu.pipeline_mode<synchronous>, transform_indices = @transform_3, window_bounds = array<i64: 1, 128>}, {pipeline_mode = #tpu.pipeline_mode<synchronous>, transform_indices = @transform_4, window_bounds = array<i64: 128, 64>}, {pipeline_mode = #tpu.pipeline_mode<synchronous>, transform_indices = @transform_5, window_bounds = array<i64: 1, 64>}, {pipeline_mode = #tpu.pipeline_mode<synchronous>, transform_indices = @transform_6, window_bounds = array<i64: 64, 32>}, {pipeline_mode = #tpu.pipeline_mode<synchronous>, transform_indices = @transform_7, window_bounds = array<i64: 1, 32>}, {pipeline_mode = #tpu.pipeline_mode<synchronous>, transform_indices = @transform_8, window_bounds = array<i64: 32, 1>}, {pipeline_mode = #tpu.pipeline_mode<synchronous>, transform_indices = @transform_9, window_bounds = array<i64: 1, 1>}, {transform_indices = @transform_10, window_bounds = array<i64: 1280, 1>}]} {
    %get3A = arith.constant 0 : index
    %get3A_0 = arith.constant 0 : index
    %get3A_1 = vector.load %arg3[%get3A, %get3A_0] : memref<1280x1xf32, #tpu.memory_space<vmem>>, vector<1280x1xf32>
    %get3A_2 = arith.constant 0 : index
    %get3A_3 = arith.constant 0 : index
    %get3A_4 = arith.constant 0 : index
    %get3A_5 = vector.load %arg1[%get3A_2, %get3A_3, %get3A_4] : memref<2x1280x128xf32, #tpu.memory_space<vmem>>, vector<1x1280x128xf32>
    %get3A_6 = vector.shape_cast %get3A_5 : vector<1x1280x128xf32> to vector<1280x128xf32>
    %get3A_7 = arith.constant 1 : index
    %get3A_8 = arith.constant 0 : index
    %get3A_9 = arith.constant 0 : index
    %get3A_10 = vector.load %arg1[%get3A_7, %get3A_8, %get3A_9] : memref<2x1280x128xf32, #tpu.memory_space<vmem>>, vector<1x1280x128xf32>
    %get3A_11 = vector.shape_cast %get3A_10 : vector<1x1280x128xf32> to vector<1280x128xf32>
    %add3A = arith.addf %get3A_6, %get3A_11 : vector<1280x128xf32>
    %get3A_12 = arith.constant 0 : index
    %get3A_13 = arith.constant 0 : index
    %get3A_14 = vector.load %arg2[%get3A_12, %get3A_13] : memref<1280x128xf32, #tpu.memory_space<vmem>>, vector<1280x128xf32>
    %add3A_15 = arith.addf %add3A, %get3A_14 : vector<1280x128xf32>
    %mul3A = vector.broadcast %get3A_1 : vector<1280x1xf32> to vector<1280x128xf32>
    %mul3A_16 = arith.mulf %mul3A, %add3A_15 : vector<1280x128xf32>
    %get3A_17 = arith.constant 0 : index
    %get3A_18 = arith.constant 0 : index
    %get3A_19 = vector.load %arg4[%get3A_17, %get3A_18] : memref<1x128xf32, #tpu.memory_space<vmem>>, vector<1x128xf32>
    %add3A_20 = vector.broadcast %get3A_19 : vector<1x128xf32> to vector<1280x128xf32>
    %add3A_21 = arith.addf %mul3A_16, %add3A_20 : vector<1280x128xf32>
    %get3A_22 = arith.constant 0 : index
    %get3A_23 = arith.constant 0 : index
    %get3A_24 = vector.load %arg5[%get3A_22, %get3A_23] : memref<128x64xf32, #tpu.memory_space<vmem>>, vector<128x64xf32>
    %dot_general3A = arith.constant dense<0.000000e+00> : vector<1280x64xf32>
    %dot_general3A_25 = tpu.matmul %add3A_21, %get3A_24, %dot_general3A {dimension_numbers = #tpu.dot_dimension_numbers<[1], [0], [0], [1], [0, 0, 1, 1], [], []>, transpose_lhs_hint = false} : vector<1280x128xf32>, vector<128x64xf32>, vector<1280x64xf32> -> vector<1280x64xf32>
    %get3A_26 = arith.constant 0 : index
    %get3A_27 = arith.constant 0 : index
    %get3A_28 = vector.load %arg6[%get3A_26, %get3A_27] : memref<1x64xf32, #tpu.memory_space<vmem>>, vector<1x64xf32>
    %add3A_29 = vector.broadcast %get3A_28 : vector<1x64xf32> to vector<1280x64xf32>
    %add3A_30 = arith.addf %dot_general3A_25, %add3A_29 : vector<1280x64xf32>
    %max3A = arith.constant 0.000000e+00 : f32
    %max3A_31 = vector.broadcast %max3A : f32 to vector<1280x64xf32>
    %max3A_32 = arith.maximumf %add3A_30, %max3A_31 : vector<1280x64xf32>
    %get3A_33 = arith.constant 0 : index
    %get3A_34 = arith.constant 0 : index
    %get3A_35 = vector.load %arg7[%get3A_33, %get3A_34] : memref<64x32xf32, #tpu.memory_space<vmem>>, vector<64x32xf32>
    %dot_general3A_36 = arith.constant dense<0.000000e+00> : vector<1280x32xf32>
    %dot_general3A_37 = tpu.matmul %max3A_32, %get3A_35, %dot_general3A_36 {dimension_numbers = #tpu.dot_dimension_numbers<[1], [0], [0], [1], [0, 0, 1, 1], [], []>, transpose_lhs_hint = false} : vector<1280x64xf32>, vector<64x32xf32>, vector<1280x32xf32> -> vector<1280x32xf32>
    %get3A_38 = arith.constant 0 : index
    %get3A_39 = arith.constant 0 : index
    %get3A_40 = vector.load %arg8[%get3A_38, %get3A_39] : memref<1x32xf32, #tpu.memory_space<vmem>>, vector<1x32xf32>
    %add3A_41 = vector.broadcast %get3A_40 : vector<1x32xf32> to vector<1280x32xf32>
    %add3A_42 = arith.addf %dot_general3A_37, %add3A_41 : vector<1280x32xf32>
    %max3A_43 = arith.constant 0.000000e+00 : f32
    %max3A_44 = vector.broadcast %max3A_43 : f32 to vector<1280x32xf32>
    %max3A_45 = arith.maximumf %add3A_42, %max3A_44 : vector<1280x32xf32>
    %get3A_46 = arith.constant 0 : index
    %get3A_47 = arith.constant 0 : index
    %get3A_48 = vector.load %arg9[%get3A_46, %get3A_47] : memref<32x1xf32, #tpu.memory_space<vmem>>, vector<32x1xf32>
    %dot_general3A_49 = arith.constant dense<0.000000e+00> : vector<1280x1xf32>
    %dot_general3A_50 = tpu.matmul %max3A_45, %get3A_48, %dot_general3A_49 {dimension_numbers = #tpu.dot_dimension_numbers<[1], [0], [0], [1], [0, 0, 1, 1], [], []>, transpose_lhs_hint = false} : vector<1280x32xf32>, vector<32x1xf32>, vector<1280x1xf32> -> vector<1280x1xf32>
    %get3A_51 = arith.constant 0 : index
    %get3A_52 = arith.constant 0 : index
    %get3A_53 = vector.load %arg10[%get3A_51, %get3A_52] : memref<1x1xf32, #tpu.memory_space<vmem>>, vector<1x1xf32>
    %add3A_54 = vector.broadcast %get3A_53 : vector<1x1xf32> to vector<1280x1xf32>
    %add3A_55 = arith.addf %dot_general3A_50, %add3A_54 : vector<1280x1xf32>
    %swap3A = arith.constant 0 : index
    %swap3A_56 = arith.constant 0 : index
    %swap3A_57 = vector.load %arg11[%swap3A, %swap3A_56] : memref<1280x1xf32, #tpu.memory_space<vmem>>, vector<1280x1xf32>
    tpu.vector_store %arg11[%swap3A, %swap3A_56], %add3A_55 {strides = array<i32>} : memref<1280x1xf32, #tpu.memory_space<vmem>>, vector<1280x1xf32>,
    return
  }
  func.func @transform_0(%arg0: i32) -> (i32, i32, i32) {
    %c0_i32 = arith.constant 0 : i32
    %c0_i32_0 = arith.constant 0 : i32
    %c0_i32_1 = arith.constant 0 : i32
    return %c0_i32, %arg0, %c0_i32_0 : i32, i32, i32
  }
  func.func @transform_1(%arg0: i32) -> (i32, i32) {
    %c0_i32 = arith.constant 0 : i32
    %c0_i32_0 = arith.constant 0 : i32
    return %arg0, %c0_i32 : i32, i32
  }
  func.func @transform_2(%arg0: i32) -> (i32, i32) {
    %c0_i32 = arith.constant 0 : i32
    %c0_i32_0 = arith.constant 0 : i32
    return %arg0, %c0_i32 : i32, i32
  }
  func.func @transform_3(%arg0: i32) -> (i32, i32) {
    %c0_i32 = arith.constant 0 : i32
    %c0_i32_0 = arith.constant 0 : i32
    %c0_i32_1 = arith.constant 0 : i32
    return %c0_i32, %c0_i32_0 : i32, i32
  }
  func.func @transform_4(%arg0: i32) -> (i32, i32) {
    %c0_i32 = arith.constant 0 : i32
    %c0_i32_0 = arith.constant 0 : i32
    %c0_i32_1 = arith.constant 0 : i32
    return %c0_i32, %c0_i32_0 : i32, i32
  }
  func.func @transform_5(%arg0: i32) -> (i32, i32) {
    %c0_i32 = arith.constant 0 : i32
    %c0_i32_0 = arith.constant 0 : i32
    %c0_i32_1 = arith.constant 0 : i32
    return %c0_i32, %c0_i32_0 : i32, i32
  }
  func.func @transform_6(%arg0: i32) -> (i32, i32) {
    %c0_i32 = arith.constant 0 : i32
    %c0_i32_0 = arith.constant 0 : i32
    %c0_i32_1 = arith.constant 0 : i32
    return %c0_i32, %c0_i32_0 : i32, i32
  }
  func.func @transform_7(%arg0: i32) -> (i32, i32) {
    %c0_i32 = arith.constant 0 : i32
    %c0_i32_0 = arith.constant 0 : i32
    %c0_i32_1 = arith.constant 0 : i32
    return %c0_i32, %c0_i32_0 : i32, i32
  }
  func.func @transform_8(%arg0: i32) -> (i32, i32) {
    %c0_i32 = arith.constant 0 : i32
    %c0_i32_0 = arith.constant 0 : i32
    %c0_i32_1 = arith.constant 0 : i32
    return %c0_i32, %c0_i32_0 : i32, i32
  }
  func.func @transform_9(%arg0: i32) -> (i32, i32) {
    %c0_i32 = arith.constant 0 : i32
    %c0_i32_0 = arith.constant 0 : i32
    %c0_i32_1 = arith.constant 0 : i32
    return %c0_i32, %c0_i32_0 : i32, i32
  }
  func.func @transform_10(%arg0: i32) -> (i32, i32) {
    %c0_i32 = arith.constant 0 : i32
    %c0_i32_0 = arith.constant 0 : i32
    return %arg0, %c0_i32 : i32, i32
  }
}

</mosaic_0001>

<sc_bundles>
// kernel: kernel.11.cloned.1.call-start
scs
__scs_entry_jumppad:
0x0: {  	(pc) =	sbr.rel $0x88, $3  }
0x1: {  	(tag) =	ssettag $0x0;
	lr =	simm.s32 $0x1  }
0x2: {  	[smem:$0x3F91] =	sst lr;
	_ =	strace $0xD0000000  }
0x3: {  	_ = 	snop  }
0x4: {  	_ = 	snop  }
0x5: {  	_ = 	snop  }
0x6: {  	_ = 	snop  }
0x7: {  	_ = 	snop  }
__scs_overlays_trampoline_lowered:
0x8: {  	[smem:$0x3FA0] =	sst s0  }
0x9: {  	[smem:$0x3FA1] =	sst s1  }
0xa: {  	[smem:$0x3FA2] =	sst s2  }
0xb: {  	[smem:$0x3FA3] =	sst s3  }
0xc: {  	[smem:$0x3FA4] =	sst s4  }
0xd: {  	[smem:$0x3FA5] =	sst s5  }
0xe: {  	[smem:$0x3FA6] =	sst s6  }
0xf: {  	[smem:$0x3FA7] =	sst s7  }
0x10: {  	[smem:$0x3FA8] =	sst s8  }
0x11: {  	[smem:$0x3FA9] =	sst s9;
	s0 =	simm.s32 @!p0 $0x0  }
0x12: {  	s1 =	sld [smem:$0x3F8F];
	s0 =	simm.s32 @p0 $0x1  }
0x13: {  	[smem:$0x3FAA] =	sst s0;
	s0 =	simm.s32 @!p1 $0x0  }
0x14: {  	s2 =	sld [smem:$0x3F8E];
	s0 =	simm.s32 @p1 $0x1  }
0x15: {  	[smem:$0x3FAB] =	sst s0;
	s0 =	simm.s32 @!p2 $0x0  }
0x16: {  	s3 =	sld [smem:$0x3FDB];
	s0 =	simm.s32 @p2 $0x1  }
0x17: {  	s4 =	simm.s32 $0x1BF5;
	[smem:$0x3FAD] =	sst s0  }
0x18: {  	s0 =	sld [smem:$0x3F90];
	_ =	swait.ge [sflag:s4], $0x0  }
0x19: {  	s7 =	sld [smem:$0x3F91]  }
0x1a: {  	s8 =	sadd.s32 $0xFFFFE003, lr  }
0x1b: {  	s9 =	sadd.s32 $0xFFFFFEF7, lr;
	s5 =	simm.s32 $0xFFFFFFFF;
	p2 =	slt.u32 s8, $0xFFFFF086  }
0x1c: {  	p1 =	slt.u32 s9, $0xF7A;
	s5 =	simm.s32 @!p2 $0x0  }
0x1d: {  	s5 =	simm.s32 @p1 $0x1;
	p0 =	seq.s32 s7, s2  }
0x1e: {  	s7 =	smul.u32 @!p0 $0xF7A, s2;
	p2 =	seq.s32 @!p0 s5, $0x0  }
0x1f: {  	s9 =	smul.u32 $0xF7A, s1;
	s8 =	simm.s32 @!p0 $0x1BF5;
	p2 =	por !p2, p0  }
0x20: {  	[sflag:s8] =	ssyncset.s32 @!p0 $0xFFFFF086;
	s6 =	sadd.s32 @!p0 s3, s7;
	s7 =	simm.s32 @!p0 $0x108  }
0x21: {  	s3 =	sadd.s32 s3, s9;
	s6 =	sadd.s32 @!p0 $0x88, s6;
	s7 =	simm.s32 @p2 $0x1082  }
0x22: {  	[simem:s7], [sflag:s8] =	dma.local @!p0 [hbm:s6], $0xF7A  }
0x23: {  	s9 =	sor.u32 $0xD0000000, s2;
	s6 =	simm.s32 $0x108;
	_ =	swait.ge @!p0 [sflag:s8], $0x0  }
0x24: {  	s3 =	sadd.s32 $0x88, s3;
	s6 =	simm.s32 @!p1 $0x1082;
	[sflag:s4] =	ssyncset.s32 $0xFFFFF086  }
0x25: {  	[simem:s6], [sflag:s4] =	dma.local [hbm:s3], $0xF7A  }
0x26: {  	[smem:$0x3F91] =	sst s1;
	(tag) =	ssettag s2;
	_ =	strace s9  }
0x27: {  	s1 =	sld [smem:$0x3FA1]  }
0x28: {  	s2 =	sld [smem:$0x3FA2]  }
0x29: {  	s4 =	sld [smem:$0x3FA4]  }
0x2a: {  	p0 =	seq.s32 s5, $0x0;
	s5 =	sld [smem:$0x3FA5]  }
0x2b: {  	s6 =	sld [smem:$0x3FA6]  }
0x2c: {  	s7 =	sld [smem:$0x3FA7]  }
0x2d: {  	s3 =	simm.s32 $0x108;
	s8 =	sld [smem:$0x3FA8]  }
0x2e: {  	s3 =	simm.s32 @!p0 $0x1082;
	s9 =	sld [smem:$0x3FA9]  }
0x2f: {  	lr =	sadd.s32 s0, s3;
	s0 =	sld [smem:$0x3FA0]  }
0x30: {  	s3 =	sld [smem:$0x3FA3]  }
0x31: {  	[smem:$0x3FAC] =	sst s10  }
0x32: {  	s10 =	sld [smem:$0x3FAA];
	_ =	sdelay $0x3  }
0x33: {  	p0 =	seq.s32 s10, $0x1;
	s10 =	sld [smem:$0x3FAC];
	_ =	sdelay $0x3  }
0x34: {  	[smem:$0x3FAC] =	sst s10  }
0x35: {  	s10 =	sld [smem:$0x3FAB];
	_ =	sdelay $0x3  }
0x36: {  	p1 =	seq.s32 s10, $0x1;
	s10 =	sld [smem:$0x3FAC];
	_ =	sdelay $0x3  }
0x37: {  	[smem:$0x3FAC] =	sst s10  }
0x38: {  	s10 =	sld [smem:$0x3FAD]  }
0x39: {  	_ = 	snop;
	(pc) =	sbr.ind lr, $3  }
0x3a: {  	_ = 	snop  }
0x3b: {  	_ = 	snop  }
0x3c: {  	p2 =	seq.s32 s10, $0x1;
	s10 =	sld [smem:$0x3FAC]  }
0x3d: {  	_ =	shalt  }
0x3e: {  	_ =	shalt  }
0x3f: {  	_ =	shalt  }
0x40: {  	_ =	shalt  }
0x41: {  	_ =	shalt  }
0x42: {  	_ =	shalt  }
0x43: {  	_ =	shalt  }
0x44: {  	_ =	shalt  }
0x45: {  	_ =	shalt  }
0x46: {  	_ =	shalt  }
0x47: {  	_ =	shalt  }
0x48: {  	_ =	shalt  }
0x49: {  	_ =	shalt  }
0x4a: {  	_ =	shalt  }
0x4b: {  	_ =	shalt  }
0x4c: {  	_ =	shalt  }
0x4d: {  	_ =	shalt  }
0x4e: {  	_ =	shalt  }
0x4f: {  	_ =	shalt  }
0x50: {  	_ =	shalt  }
0x51: {  	_ =	shalt  }
0x52: {  	_ =	shalt  }
0x53: {  	_ =	shalt  }
0x54: {  	_ =	shalt  }
0x55: {  	_ =	shalt  }
0x56: {  	_ =	shalt  }
0x57: {  	_ =	shalt  }
0x58: {  	_ =	shalt  }
0x59: {  	_ =	shalt  }
0x5a: {  	_ =	shalt  }
0x5b: {  	_ =	shalt  }
0x5c: {  	_ =	shalt  }
0x5d: {  	_ =	shalt  }
0x5e: {  	_ =	shalt  }
0x5f: {  	_ =	shalt  }
0x60: {  	_ =	shalt  }
0x61: {  	_ =	shalt  }
0x62: {  	_ =	shalt  }
0x63: {  	_ =	shalt  }
0x64: {  	_ =	shalt  }
0x65: {  	_ =	shalt  }
0x66: {  	_ =	shalt  }
0x67: {  	_ =	shalt  }
0x68: {  	_ =	shalt  }
0x69: {  	_ =	shalt  }
0x6a: {  	_ =	shalt  }
0x6b: {  	_ =	shalt  }
0x6c: {  	_ =	shalt  }
0x6d: {  	_ =	shalt  }
0x6e: {  	_ =	shalt  }
0x6f: {  	_ =	shalt  }
0x70: {  	_ =	shalt  }
0x71: {  	_ =	shalt  }
0x72: {  	_ =	shalt  }
0x73: {  	_ =	shalt  }
0x74: {  	_ =	shalt  }
0x75: {  	_ =	shalt  }
0x76: {  	_ =	shalt  }
0x77: {  	_ =	shalt  }
0x78: {  	_ =	shalt  }
0x79: {  	_ =	shalt  }
0x7a: {  	_ =	shalt  }
0x7b: {  	_ =	shalt  }
0x7c: {  	_ =	shalt  }
0x7d: {  	_ =	shalt  }
0x7e: {  	_ =	shalt  }
0x7f: {  	_ =	shalt  }
0x80: {  	_ =	shalt  }
0x81: {  	_ =	shalt  }
0x82: {  	_ =	shalt  }
0x83: {  	_ =	shalt  }
0x84: {  	_ =	shalt  }
0x85: {  	_ =	shalt  }
0x86: {  	_ =	shalt  }
0x87: {  	_ =	shalt  }
.Lfunc_end0:
.L_simem_size_0:
called_computation_lowered:
.L_overlay_start_0:
0x88: {  	s2 =	sld [smem:$0x3FD9]  }
0x89: {  	s3 =	sld [smem:$0x3FFE];
	_ =	sdelay $0x1  }
0x8a: {  	s1 =	srdreg.scid  }
0x8b: {  	s0 =	sand.u32 $0x1, s1  }
0x8c: {  	s16 =	sshll.u32 s0, $0xA;
	s2 =	sadd.s32 s3, s2  }
0x8d: {  	s2 =	sadd.s32 s2, s16  }
0x8e: {  	[smem:$0x3FB8] =	sst s2  }
0x8f: {  	_ = 	snop  }
0x90: {  	(tm) =	ssettm $0x1  }
0x91: {  	s17 =	sld [smem:$0x3FFB];
	_ =	sdelay $0x3  }
0x92: {  	_ =	strace s17  }
0x93: {  	s2 =	sld [smem:$0x3FFC];
	_ =	sdelay $0x3  }
0x94: {  	_ =	strace s2  }
0x95: {  	s2 =	sld [smem:$0x3FFD];
	_ =	sdelay $0x3  }
0x96: {  	_ =	strace s2  }
0x97: {  	_ =	strace $0x8FFFFFFF  }
0x98: {  	s18 =	sld [smem:$0x3FDB];
	_ =	sdelay $0x1  }
0x99: {  	s19 =	simm.s32 $_scs_section_size  }
0x9a: {  	s4 =	simm.s32 $_size__tile_overlayer_lowered;
	s5 =	simm.s32 $_tile_overlayer_lowered  }
0x9b: {  	s22 =	simm.s32 $0x1BFF;
	s21 =	sshll.u32 s5, $0x1;
	s2 =	sadd.s32 s19, s18  }
0x9c: {  	s6 =	simm.s32 $0x0;
	s20 =	sshll.u32 s4, $0x1;
	s4 =	sadd.s32 s21, s2  }
0x9d: {  	[timem:s6], [sflag:s22] =	dma.local [hbm:s4], s20  }
0x9e: {  	_ =	swait.ge [sflag:s22], s20  }
0x9f: {  	s3 =	ssub.s32 $0x0, s20;
	[sflag:s22] =	ssyncset.done $0x0  }
0xa0: {  	[sflag:s22] =	ssyncadd.s32 s3;
	_ =	sdelay $0x1  }
0xa1: {  	s23 =	simm.s32 $0x1B8B  }
0xa2: {  	_ =	swait.ge [sflag:s23], $0x1  }
0xa3: {  	[sflag:s23] =	ssyncset.done $0x0  }
0xa4: {  	s25 =	simm.s32 $0x1B8E;
	s24 =	sld [smem:$0x3FFE];
	[sflag:s23] =	ssyncadd.s32 $0xFFFFFFFF  }
0xa5: {  	s26 =	simm.s32 $execute0_lowered;
	[smem:$0x3FD2] =	sst s25  }
0xa6: {  	s4 =	sshll.u32 s26, $0x1;
	_ =	strace $0x80000046;
	[dreg:$0x1] =	wrdreg $0xFFFFFFFF  }
0xa7: {  	s28 =	simm.s32 $_size_execute0_lowered;
	s2 =	sadd.s32 s2, s4;
	[dreg:$0x0] =	wrdreg $0x0  }
0xa8: {  	s4 =	sshll.u32 s28, $0x1;
	[dreg:$0x2] =	wrdreg s2  }
0xa9: {  	[dreg:$0x3] =	wrdreg s4  }
0xaa: {  	[dreg:$0x4] =	wrdreg $0xC0  }
0xab: {  	_ =	task [dreg:s6], $0x5FFFF  }
0xac: {  	[dreg:$0x1] =	wrdreg $0xFFFFFFFF  }
0xad: {  	[dreg:$0x0] =	wrdreg $0x60  }
0xae: {  	[dreg:$0x2] =	wrdreg s24  }
0xaf: {  	[dreg:$0x3] =	wrdreg $0x68000  }
0xb0: {  	[dreg:$0x4] =	wrdreg $0x9  }
0xb1: {  	_ =	task.clear_ibuf [dreg:s6], $0x5FFFF;
	_ =	strace $0x90000046  }
0xb2: {  	s29 =	simm.s32 $0x9;
	_ =	strace $0x80000048  }
0xb3: {  	_ =	swait.ge [sflag:s29], $0x1  }
0xb4: {  	[sflag:s29] =	ssyncadd.s32 $0xFFFFFFFF  }
0xb5: {  	_ =	strace $0x90000048  }
0xb6: {  	_ =	sfence  }
0xb7: {  	s30 =	sld [smem:$0x0];
	_ =	sdelay $0x2  }
0xb8: {  	s31 =	sshll.u32 s1, $0xD;
	s1 =	sshrl.u32 s1, $0x2  }
0xb9: {  	s3 =	sand.u32 $0x4000, s31;
	s1 =	sadd.s32 s1, s30  }
0xba: {  	s0 =	sor.u32 s3, s0;
	s1 =	sshll.u32 s1, $0x11  }
0xbb: {  	s0 =	sor.u32 s1, s0  }
0xbc: {  	s0 =	sadd.s32 $0x8F2B, s0  }
0xbd: {  	[sflag:s0] =	ssyncadd.remote.s32 $0x1  }
0xbe: {  	_ =	sfence.sel $0xFFFF  }
0xbf: {  	[dreg:$0x0] =	wrdreg $0xFFFFFFFF;
	(pc) =	sbr.abs _section_cstart, $3  }
0xc0: {  	[dreg:$0x1] =	wrdreg $0xFFFFFFFF  }
0xc1: {  	_ =	task.clear_ibuf [dreg:s6], $0x2FFFF;
	_ =	strace $0x9FFFFFFF  }
0xc2: {  	(tm) =	ssettm $0x7FFFFFFF  }
0xc3: {  	_ =	shalt  }
tec
execute0_lowered:
.L_overlay_start_1:
0x0: {  	(tag) =	ssettag $0x1  }
0x1: {  	s6 =	rddreg [dreg:$0x0]  }
0x2: {  	s0 =	srdreg.scid;
	s2 =	rddreg [dreg:$0x1]  }
0x3: {  	s3 =	simm.s32 $0x0;
	s5 =	sand.u32 $0x1, s0;
	s0 =	stileid.u32  }
0x4: {  	s13 =	simm.s32 $0x80;
	s14 =	simm.s32 $0x2;
	s7 =	smul.u32 $0x2800, s0  }
0x5: {  	s15 =	simm.s32 $0x0;
	[smem:$0x7FF] =	sst s3;
	s9 =	smul.u32 $0x28000, s5  }
0x6: {  	s1 =	sshll.u32 s5, $0x4;
	s10 =	ssub.s32 $0x2, s5;
	s11 =	smul.u32 $0x50000, s0  }
0x7: {  	s5 =	sadd.s32 $0xE000, s6;
	s31 =	sshll.u32 s0, $0x6;
	s4 =	sor.u32 s0, s1  }
0x8: {  	s1 =	rddreg [dreg:$0x2];
	_ =	strace $0x80000047;
	s29 =	sshrl.u32 s10, $0x1  }
0x9: {  	s4 =	smul.u32 $0x500, s4;
	s7 =	sadd.s32 s7, s9;
	s9 =	ssub.s32 s10, s29  }
0xa: {  	s30 =	sshrl.u32 s11, $0x2;
	s10 =	simm.s32 $0x2800;
	s11 =	sor.u32 $0x1C01, s31  }
0xb: {  	s7 =	sadd.s32 s7, s6;
	s12 =	sadd.s32 s30, s2;
	s8 =	sadd.s32 s4, s6  }
0xc: {  	s4 =	sadd.s32 $0x10800, s6;
	s7 =	sadd.s32 $0x11000, s7;
	s12 =	sshrl.u32 s12, $0x3  }
0xd: {  	s6 =	sadd.s32 $0x4000, s8;
	s8 =	smax.u32 s9, $0x1;
	s9 =	simm.s32 $0x1  }
.LBB2_1:
0xe: {  	[tilespmem:s3], [sflag:$0x1] =	stream.linear.gather [hbm4b:s6+s3], $0x2800, $0x38;
	[tilespmem:$0x1A800] =	vst v63  }
0xf: {  	_ =	swait.ge [sflag:s9], $0x2800  }
0x10: {  	[sflag:s9] =	ssyncset.done $0x0  }
0x11: {  	[sflag:s9] =	ssyncadd.s32 $0xFFFFD800  }
0x12: {  	[tilespmem:s10], [sflag:$0x1] =	stream.linear.gather [hbm4b:s4+s3], $0x4000, $0x38;
	[tilespmem:$0x1A800] =	vst v63  }
0x13: {  	_ =	swait.ge [sflag:s9], $0x4000  }
0x14: {  	[sflag:s9] =	ssyncset.done $0x0  }
0x15: {  	[sflag:s9] =	ssyncadd.s32 $0xFFFFC000  }
0x16: {  	[spmem:s12], [sflag:s11] =	dma.local [hbm:s5], $0x2800  }
0x17: {  	_ =	swait.ge [sflag:s9], $0x2800  }
0x18: {  	[sflag:s9] =	ssyncset.done $0x0  }
0x19: {  	[sflag:s9] =	ssyncadd.s32 $0xFFFFD800  }
0x1a: {  	s16 =	simm.s32 $0x0;
	[bflag:$0x0] =	sbarrier.arrive $0xFFFF  }
0x1b: {  	[spmem:s2] =	stream.indirect.scatter.add.f32 [tilespmem:s10], [sflag:$0x2], $0x80, s16, s13, $0xb8;
	[tilespmem:$0x1A800] =	vst v63  }
0x1c: {  	_ =	swait.ge [sflag:s14], $0x4000  }
0x1d: {  	s16 =	simm.s32 $0x200;
	[sflag:s14] =	ssyncset.done $0x0  }
.LBB2_2:
0x1e: {  	s17 =	sshra.s32 s16, $0x2;
	[sflag:s14] =	ssyncadd.s32 $0xFFFFC000;
	p0 =	sne.s32 s16, $0x9E00  }
0x1f: {  	[spmem:s2] =	stream.indirect.scatter.add.f32 [tilespmem:s10], [sflag:$0x2], $0x80, s17, s13, $0xb8;
	[tilespmem:$0x1A800] =	vst v63  }
.Ltmp0:
0x20: {  	_ = 	snop;
	(pc) =	sbr.rel @p0 .LBB2_2-.Ltmp0, $4  }
0x21: {  	_ = 	snop  }
0x22: {  	s16 =	sadd.s32 $0x200, s16  }
0x23: {  	_ =	swait.ge [sflag:s14], $0x4000  }
0x24: {  	[sflag:s14] =	ssyncset.done $0x0  }
0x25: {  	s15 =	sadd.s32 $0x1, s15  }
0x26: {  	[sflag:s14] =	ssyncadd.s32 $0xFFFFC000;
	p0 =	sne.s32 s15, s8  }
.Ltmp1:
0x27: {  	[bflag:$0x0] =	sbarrier.arrive $0xFFFF;
	(pc) =	sbr.rel @p0 .LBB2_1-.Ltmp1, $4  }
0x28: {  	[hbm:s7], [sflag:s11] =	dma.local [spmem:s12], $0x2800  }
0x29: {  	_ =	swait.ge [sflag:s9], $0x2800  }
0x2a: {  	[sflag:s9] =	ssyncset.done $0x0  }
0x2b: {  	[sflag:s9] =	ssyncadd.s32 $0xFFFFD800  }
0x2c: {  	_ =	sfence.sel $0x180000  }
0x2d: {  	[bflag:$0x0] =	sbarrier.arrive $0xFFFF  }
0x2e: {  	p0 =	sne.s32 s0, $0x0;
	_ =	strace $0x90000047  }
0x2f: {  	s0 =	sadd.s32 @!p0 $0x100000, s1;
	[bflag:$0x2] =	sbarrier.arrive $0xFFFF  }
0x30: {  	[sflag:s0] =	ssyncadd.tile.s32 @!p0 $0x1;
	_ =	shalt  }
.Lfunc_end2:
_tile_overlayer_lowered:
.L_overlay_start_2:
0x31: {  	(tag) =	ssettag $0x2  }
0x32: {  	s0 =	rddreg [dreg:$0x0];
	s2 =	stileid.u32  }
0x33: {  	s1 =	rddreg [dreg:$0x1];
	p0 =	sne.s32 s2, $0x0  }
0x34: {  	s3 =	rddreg [dreg:$0x2];
	[bflag:$0x3] =	sbarrier.arrive $0xFFFF;
	s2 =	simm.s32 @!p0 $0x1C02  }
0x35: {  	[timem:s3], [sflag:s2] =	dma.local @!p0 [hbm:s0], s1  }
0x36: {  	s0 =	simm.s32 @!p0 $0x2  }
0x37: {  	_ =	swait.ge @!p0 [sflag:s0], s1  }
0x38: {  	s1 =	ssub.s32 @!p0 $0x0, s1;
	[sflag:s0] =	ssyncset.done @!p0 $0x0  }
0x39: {  	[sflag:s0] =	ssyncadd.s32 @!p0 s1  }
0x3a: {  	[bflag:$0x3] =	sbarrier.arrive $0xFFFF  }
0x3b: {  	_ =	shalt  }

// kernel: kernel.14.cloned.1.call-start
scs
__scs_entry_jumppad:
0x0: {  	(pc) =	sbr.rel $0x88, $3  }
0x1: {  	(tag) =	ssettag $0x0;
	lr =	simm.s32 $0x1  }
0x2: {  	[smem:$0x3F91] =	sst lr;
	_ =	strace $0xD0000000  }
0x3: {  	_ = 	snop  }
0x4: {  	_ = 	snop  }
0x5: {  	_ = 	snop  }
0x6: {  	_ = 	snop  }
0x7: {  	_ = 	snop  }
__scs_overlays_trampoline_lowered:
0x8: {  	[smem:$0x3FA0] =	sst s0  }
0x9: {  	[smem:$0x3FA1] =	sst s1  }
0xa: {  	[smem:$0x3FA2] =	sst s2  }
0xb: {  	[smem:$0x3FA3] =	sst s3  }
0xc: {  	[smem:$0x3FA4] =	sst s4  }
0xd: {  	[smem:$0x3FA5] =	sst s5  }
0xe: {  	[smem:$0x3FA6] =	sst s6  }
0xf: {  	[smem:$0x3FA7] =	sst s7  }
0x10: {  	[smem:$0x3FA8] =	sst s8  }
0x11: {  	[smem:$0x3FA9] =	sst s9;
	s0 =	simm.s32 @!p0 $0x0  }
0x12: {  	s1 =	sld [smem:$0x3F8F];
	s0 =	simm.s32 @p0 $0x1  }
0x13: {  	[smem:$0x3FAA] =	sst s0;
	s0 =	simm.s32 @!p1 $0x0  }
0x14: {  	s2 =	sld [smem:$0x3F8E];
	s0 =	simm.s32 @p1 $0x1  }
0x15: {  	[smem:$0x3FAB] =	sst s0;
	s0 =	simm.s32 @!p2 $0x0  }
0x16: {  	s3 =	sld [smem:$0x3FDB];
	s0 =	simm.s32 @p2 $0x1  }
0x17: {  	s4 =	simm.s32 $0x1BF5;
	[smem:$0x3FAD] =	sst s0  }
0x18: {  	s0 =	sld [smem:$0x3F90];
	_ =	swait.ge [sflag:s4], $0x0  }
0x19: {  	s7 =	sld [smem:$0x3F91]  }
0x1a: {  	s8 =	sadd.s32 $0xFFFFE003, lr  }
0x1b: {  	s9 =	sadd.s32 $0xFFFFFEF7, lr;
	s5 =	simm.s32 $0xFFFFFFFF;
	p2 =	slt.u32 s8, $0xFFFFF086  }
0x1c: {  	p1 =	slt.u32 s9, $0xF7A;
	s5 =	simm.s32 @!p2 $0x0  }
0x1d: {  	s5 =	simm.s32 @p1 $0x1;
	p0 =	seq.s32 s7, s2  }
0x1e: {  	s7 =	smul.u32 @!p0 $0xF7A, s2;
	p2 =	seq.s32 @!p0 s5, $0x0  }
0x1f: {  	s9 =	smul.u32 $0xF7A, s1;
	s8 =	simm.s32 @!p0 $0x1BF5;
	p2 =	por !p2, p0  }
0x20: {  	[sflag:s8] =	ssyncset.s32 @!p0 $0xFFFFF086;
	s6 =	sadd.s32 @!p0 s3, s7;
	s7 =	simm.s32 @!p0 $0x108  }
0x21: {  	s3 =	sadd.s32 s3, s9;
	s6 =	sadd.s32 @!p0 $0x88, s6;
	s7 =	simm.s32 @p2 $0x1082  }
0x22: {  	[simem:s7], [sflag:s8] =	dma.local @!p0 [hbm:s6], $0xF7A  }
0x23: {  	s9 =	sor.u32 $0xD0000000, s2;
	s6 =	simm.s32 $0x108;
	_ =	swait.ge @!p0 [sflag:s8], $0x0  }
0x24: {  	s3 =	sadd.s32 $0x88, s3;
	s6 =	simm.s32 @!p1 $0x1082;
	[sflag:s4] =	ssyncset.s32 $0xFFFFF086  }
0x25: {  	[simem:s6], [sflag:s4] =	dma.local [hbm:s3], $0xF7A  }
0x26: {  	[smem:$0x3F91] =	sst s1;
	(tag) =	ssettag s2;
	_ =	strace s9  }
0x27: {  	s1 =	sld [smem:$0x3FA1]  }
0x28: {  	s2 =	sld [smem:$0x3FA2]  }
0x29: {  	s4 =	sld [smem:$0x3FA4]  }
0x2a: {  	p0 =	seq.s32 s5, $0x0;
	s5 =	sld [smem:$0x3FA5]  }
0x2b: {  	s6 =	sld [smem:$0x3FA6]  }
0x2c: {  	s7 =	sld [smem:$0x3FA7]  }
0x2d: {  	s3 =	simm.s32 $0x108;
	s8 =	sld [smem:$0x3FA8]  }
0x2e: {  	s3 =	simm.s32 @!p0 $0x1082;
	s9 =	sld [smem:$0x3FA9]  }
0x2f: {  	lr =	sadd.s32 s0, s3;
	s0 =	sld [smem:$0x3FA0]  }
0x30: {  	s3 =	sld [smem:$0x3FA3]  }
0x31: {  	[smem:$0x3FAC] =	sst s10  }
0x32: {  	s10 =	sld [smem:$0x3FAA];
	_ =	sdelay $0x3  }
0x33: {  	p0 =	seq.s32 s10, $0x1;
	s10 =	sld [smem:$0x3FAC];
	_ =	sdelay $0x3  }
0x34: {  	[smem:$0x3FAC] =	sst s10  }
0x35: {  	s10 =	sld [smem:$0x3FAB];
	_ =	sdelay $0x3  }
0x36: {  	p1 =	seq.s32 s10, $0x1;
	s10 =	sld [smem:$0x3FAC];
	_ =	sdelay $0x3  }
0x37: {  	[smem:$0x3FAC] =	sst s10  }
0x38: {  	s10 =	sld [smem:$0x3FAD]  }
0x39: {  	_ = 	snop;
	(pc) =	sbr.ind lr, $3  }
0x3a: {  	_ = 	snop  }
0x3b: {  	_ = 	snop  }
0x3c: {  	p2 =	seq.s32 s10, $0x1;
	s10 =	sld [smem:$0x3FAC]  }
0x3d: {  	_ =	shalt  }
0x3e: {  	_ =	shalt  }
0x3f: {  	_ =	shalt  }
0x40: {  	_ =	shalt  }
0x41: {  	_ =	shalt  }
0x42: {  	_ =	shalt  }
0x43: {  	_ =	shalt  }
0x44: {  	_ =	shalt  }
0x45: {  	_ =	shalt  }
0x46: {  	_ =	shalt  }
0x47: {  	_ =	shalt  }
0x48: {  	_ =	shalt  }
0x49: {  	_ =	shalt  }
0x4a: {  	_ =	shalt  }
0x4b: {  	_ =	shalt  }
0x4c: {  	_ =	shalt  }
0x4d: {  	_ =	shalt  }
0x4e: {  	_ =	shalt  }
0x4f: {  	_ =	shalt  }
0x50: {  	_ =	shalt  }
0x51: {  	_ =	shalt  }
0x52: {  	_ =	shalt  }
0x53: {  	_ =	shalt  }
0x54: {  	_ =	shalt  }
0x55: {  	_ =	shalt  }
0x56: {  	_ =	shalt  }
0x57: {  	_ =	shalt  }
0x58: {  	_ =	shalt  }
0x59: {  	_ =	shalt  }
0x5a: {  	_ =	shalt  }
0x5b: {  	_ =	shalt  }
0x5c: {  	_ =	shalt  }
0x5d: {  	_ =	shalt  }
0x5e: {  	_ =	shalt  }
0x5f: {  	_ =	shalt  }
0x60: {  	_ =	shalt  }
0x61: {  	_ =	shalt  }
0x62: {  	_ =	shalt  }
0x63: {  	_ =	shalt  }
0x64: {  	_ =	shalt  }
0x65: {  	_ =	shalt  }
0x66: {  	_ =	shalt  }
0x67: {  	_ =	shalt  }
0x68: {  	_ =	shalt  }
0x69: {  	_ =	shalt  }
0x6a: {  	_ =	shalt  }
0x6b: {  	_ =	shalt  }
0x6c: {  	_ =	shalt  }
0x6d: {  	_ =	shalt  }
0x6e: {  	_ =	shalt  }
0x6f: {  	_ =	shalt  }
0x70: {  	_ =	shalt  }
0x71: {  	_ =	shalt  }
0x72: {  	_ =	shalt  }
0x73: {  	_ =	shalt  }
0x74: {  	_ =	shalt  }
0x75: {  	_ =	shalt  }
0x76: {  	_ =	shalt  }
0x77: {  	_ =	shalt  }
0x78: {  	_ =	shalt  }
0x79: {  	_ =	shalt  }
0x7a: {  	_ =	shalt  }
0x7b: {  	_ =	shalt  }
0x7c: {  	_ =	shalt  }
0x7d: {  	_ =	shalt  }
0x7e: {  	_ =	shalt  }
0x7f: {  	_ =	shalt  }
0x80: {  	_ =	shalt  }
0x81: {  	_ =	shalt  }
0x82: {  	_ =	shalt  }
0x83: {  	_ =	shalt  }
0x84: {  	_ =	shalt  }
0x85: {  	_ =	shalt  }
0x86: {  	_ =	shalt  }
0x87: {  	_ =	shalt  }
.Lfunc_end0:
.L_simem_size_0:
called_computation.1_lowered:
.L_overlay_start_0:
0x88: {  	s2 =	sld [smem:$0x3FD9]  }
0x89: {  	s3 =	sld [smem:$0x3FFE];
	_ =	sdelay $0x1  }
0x8a: {  	s1 =	srdreg.scid  }
0x8b: {  	s0 =	sand.u32 $0x1, s1  }
0x8c: {  	s16 =	sshll.u32 s0, $0xA;
	s2 =	sadd.s32 s3, s2  }
0x8d: {  	s2 =	sadd.s32 s2, s16  }
0x8e: {  	[smem:$0x3FB8] =	sst s2  }
0x8f: {  	_ = 	snop  }
0x90: {  	(tm) =	ssettm $0x1  }
0x91: {  	s17 =	sld [smem:$0x3FFB];
	_ =	sdelay $0x3  }
0x92: {  	_ =	strace s17  }
0x93: {  	s2 =	sld [smem:$0x3FFC];
	_ =	sdelay $0x3  }
0x94: {  	_ =	strace s2  }
0x95: {  	s2 =	sld [smem:$0x3FFD];
	_ =	sdelay $0x3  }
0x96: {  	_ =	strace s2  }
0x97: {  	_ =	strace $0x8FFFFFFF  }
0x98: {  	s18 =	sld [smem:$0x3FDB];
	_ =	sdelay $0x1  }
0x99: {  	s19 =	simm.s32 $_scs_section_size  }
0x9a: {  	s4 =	simm.s32 $_size__tile_overlayer_lowered;
	s5 =	simm.s32 $_tile_overlayer_lowered  }
0x9b: {  	s22 =	simm.s32 $0x1BFF;
	s21 =	sshll.u32 s5, $0x1;
	s2 =	sadd.s32 s19, s18  }
0x9c: {  	s6 =	simm.s32 $0x0;
	s20 =	sshll.u32 s4, $0x1;
	s4 =	sadd.s32 s21, s2  }
0x9d: {  	[timem:s6], [sflag:s22] =	dma.local [hbm:s4], s20  }
0x9e: {  	_ =	swait.ge [sflag:s22], s20  }
0x9f: {  	s3 =	ssub.s32 $0x0, s20;
	[sflag:s22] =	ssyncset.done $0x0  }
0xa0: {  	[sflag:s22] =	ssyncadd.s32 s3;
	_ =	sdelay $0x1  }
0xa1: {  	s23 =	simm.s32 $0x1B8B  }
0xa2: {  	_ =	swait.ge [sflag:s23], $0x1  }
0xa3: {  	[sflag:s23] =	ssyncset.done $0x0  }
0xa4: {  	s25 =	simm.s32 $0x1B8E;
	s24 =	sld [smem:$0x3FFE];
	[sflag:s23] =	ssyncadd.s32 $0xFFFFFFFF  }
0xa5: {  	s26 =	simm.s32 $execute0_lowered;
	[smem:$0x3FD2] =	sst s25  }
0xa6: {  	s4 =	sshll.u32 s26, $0x1;
	_ =	strace $0x80000049;
	[dreg:$0x1] =	wrdreg $0xFFFFFFFF  }
0xa7: {  	s28 =	simm.s32 $_size_execute0_lowered;
	s2 =	sadd.s32 s2, s4;
	[dreg:$0x0] =	wrdreg $0x0  }
0xa8: {  	s4 =	sshll.u32 s28, $0x1;
	[dreg:$0x2] =	wrdreg s2  }
0xa9: {  	[dreg:$0x3] =	wrdreg s4  }
0xaa: {  	[dreg:$0x4] =	wrdreg $0xC0  }
0xab: {  	_ =	task [dreg:s6], $0x5FFFF  }
0xac: {  	[dreg:$0x1] =	wrdreg $0xFFFFFFFF  }
0xad: {  	[dreg:$0x0] =	wrdreg $0x60  }
0xae: {  	[dreg:$0x2] =	wrdreg s24  }
0xaf: {  	[dreg:$0x3] =	wrdreg $0x82000  }
0xb0: {  	[dreg:$0x4] =	wrdreg $0x9  }
0xb1: {  	_ =	task.clear_ibuf [dreg:s6], $0x5FFFF;
	_ =	strace $0x90000049  }
0xb2: {  	s29 =	simm.s32 $0x9;
	_ =	strace $0x8000004B  }
0xb3: {  	_ =	swait.ge [sflag:s29], $0x1  }
0xb4: {  	[sflag:s29] =	ssyncadd.s32 $0xFFFFFFFF  }
0xb5: {  	_ =	strace $0x9000004B  }
0xb6: {  	_ =	sfence  }
0xb7: {  	s30 =	sld [smem:$0x0];
	_ =	sdelay $0x2  }
0xb8: {  	s31 =	sshll.u32 s1, $0xD;
	s1 =	sshrl.u32 s1, $0x2  }
0xb9: {  	s3 =	sand.u32 $0x4000, s31;
	s1 =	sadd.s32 s1, s30  }
0xba: {  	s0 =	sor.u32 s3, s0;
	s1 =	sshll.u32 s1, $0x11  }
0xbb: {  	s0 =	sor.u32 s1, s0  }
0xbc: {  	s0 =	sadd.s32 $0x8F2B, s0  }
0xbd: {  	[sflag:s0] =	ssyncadd.remote.s32 $0x1  }
0xbe: {  	_ =	sfence.sel $0xFFFF  }
0xbf: {  	[dreg:$0x0] =	wrdreg $0xFFFFFFFF;
	(pc) =	sbr.abs _section_cstart, $3  }
0xc0: {  	[dreg:$0x1] =	wrdreg $0xFFFFFFFF  }
0xc1: {  	_ =	task.clear_ibuf [dreg:s6], $0x2FFFF;
	_ =	strace $0x9FFFFFFF  }
0xc2: {  	(tm) =	ssettm $0x7FFFFFFF  }
0xc3: {  	_ =	shalt  }
tec
execute0_lowered:
.L_overlay_start_1:
0x0: {  	(tag) =	ssettag $0x1  }
0x1: {  	s6 =	rddreg [dreg:$0x0]  }
0x2: {  	s2 =	rddreg [dreg:$0x1]  }
0x3: {  	s1 =	stileid.u32;
	s4 =	srdreg.scid;
	s3 =	simm.s32 $0x0  }
0x4: {  	s15 =	simm.s32 $0x3;
	s16 =	simm.s32 $0x100;
	s17 =	simm.s32 $0x5  }
0x5: {  	s18 =	simm.s32 $0x80;
	s19 =	simm.s32 $0x200;
	s20 =	simm.s32 $0x1  }
0x6: {  	s21 =	simm.s32 $0x4;
	s22 =	simm.s32 $0x4200;
	s23 =	simm.s32 $0x7  }
0x7: {  	s24 =	simm.s32 $0x2;
	s25 =	simm.s32 $0x180;
	s5 =	smul.u32 $0xC, s1  }
0x8: {  	s26 =	simm.s32 $0x6;
	s7 =	sand.u32 $0x1, s4;
	s4 =	smul.u32 $0x94, s1  }
0x9: {  	s28 =	simm.s32 $0x0;
	[smem:$0x7FF] =	sst s3;
	s8 =	smul.u32 $0x2800, s1  }
0xa: {  	s10 =	smul.u32 $0x50000, s1;
	p0 =	seq.s32 s7, $0x0;
	_ =	strace $0x8000004A  }
0xb: {  	s9 =	smul.u32 $0x28000, s7;
	s7 =	ssub.s32 $0x2, s7;
	s5 =	sadd.s32 $0x940, s5  }
0xc: {  	s30 =	sshrl.u32 s7, $0x1;
	s31 =	sshrl.u32 s10, $0x2;
	s5 =	smov.u32 @p0 s4  }
0xd: {  	s4 =	sadd.s32 $0x10800, s6;
	s8 =	sadd.s32 s8, s9;
	s12 =	ssub.s32 s7, s30  }
0xe: {  	s7 =	sshll.u32 s1, $0x6;
	s14 =	sadd.s32 s31, s2;
	s5 =	sshll.u32 s5, $0x5  }
0xf: {  	s11 =	sadd.s32 s8, s6;
	s8 =	sor.u32 $0x1C05, s7;
	s12 =	smax.u32 s12, $0x1  }
0x10: {  	s13 =	sadd.s32 s5, s6;
	s5 =	sadd.s32 $0xE000, s6;
	s6 =	simm.s32 $0x49  }
0x11: {  	s14 =	sshrl.u32 s14, $0x3;
	s11 =	sadd.s32 $0x75000, s11;
	s6 =	simm.s32 @!p0 $0x5  }
0x12: {  	s9 =	sadd.s32 $0x61000, s13;
	s10 =	sadd.s32 $0x61020, s13;
	s13 =	sadd.s32 $0x61060, s13  }
.LBB2_1:
0x13: {  	[spmem:s14], [sflag:s8] =	dma.local [hbm:s5], $0x2800  }
0x14: {  	[tilespmem:s3], [sflag:$0x3] =	stream.linear.gather [hbm4b:s9+s3], $0x100, $0x38;
	[tilespmem:$0x1C200] =	vst v63  }
0x15: {  	_ =	swait.ge [sflag:s15], $0x100  }
0x16: {  	[sflag:s15] =	ssyncset.done $0x0  }
0x17: {  	[sflag:s15] =	ssyncadd.s32 $0xFFFFFF00  }
0x18: {  	[tilespmem:s16], [sflag:$0x4] =	stream.linear.gather [hbm4b:s10+s3], $0x100, $0x38;
	[tilespmem:$0x1C200] =	vst v63  }
0x19: {  	_ =	swait.ge [sflag:s17], $0x2800  }
0x1a: {  	[sflag:s17] =	ssyncset.done $0x0  }
0x1b: {  	[sflag:s17] =	ssyncadd.s32 $0xFFFFD800  }
0x1c: {  	[bflag:$0x0] =	sbarrier.arrive $0xFFFF  }
0x1d: {  	[tilespmem:s19], [sflag:$0x1] =	stream.indirect.gather [hbm4b:s4+s18], $0x80, s3, s18, $0xb8;
	[tilespmem:$0x1C200] =	vst v63  }
0x1e: {  	_ =	swait.ge [sflag:s20], $0x4000  }
0x1f: {  	[sflag:s20] =	ssyncset.done $0x0  }
0x20: {  	[sflag:s20] =	ssyncadd.s32 $0xFFFFC000  }
0x21: {  	_ =	swait.ge [sflag:s21], $0x100  }
0x22: {  	[sflag:s21] =	ssyncset.done $0x0  }
0x23: {  	[sflag:s21] =	ssyncadd.s32 $0xFFFFFF00  }
0x24: {  	[tilespmem:s22], [sflag:$0x2] =	stream.indirect.gather [hbm4b:s4+s18], $0x80, s16, s18, $0xb8;
	[tilespmem:$0x1C200] =	vst v63  }
0x25: {  	_ = 	snop  }
0x26: {  	[spmem:s2] =	stream.indirect.scatter.add.f32 [tilespmem:s19], [sflag:$0x7], $0x80, s18, s18, $0xb8;
	[tilespmem:$0x1C200] =	vst v63  }
0x27: {  	_ =	swait.ge [sflag:s23], $0x4000  }
0x28: {  	[sflag:s23] =	ssyncset.done $0x0  }
0x29: {  	s29 =	sadd.s32 $0xFFFFFFE0, s13;
	[sflag:s23] =	ssyncadd.s32 $0xFFFFC000  }
0x2a: {  	[tilespmem:s3], [sflag:$0x3] =	stream.linear.gather [hbm4b:s29+s3], $0x100, $0x38;
	[tilespmem:$0x1C200] =	vst v63  }
0x2b: {  	_ =	swait.ge [sflag:s24], $0x4000  }
0x2c: {  	[sflag:s24] =	ssyncset.done $0x0  }
0x2d: {  	[sflag:s24] =	ssyncadd.s32 $0xFFFFC000  }
0x2e: {  	_ =	swait.ge [sflag:s15], $0x100  }
0x2f: {  	[sflag:s15] =	ssyncset.done $0x0  }
0x30: {  	p0 =	sne.s32 s6, $0x1;
	[sflag:s15] =	ssyncadd.s32 $0xFFFFFF00  }
0x31: {  	[tilespmem:s19], [sflag:$0x1] =	stream.indirect.gather [hbm4b:s4+s18], $0x80, s3, s18, $0xb8;
	[tilespmem:$0x1C200] =	vst v63  }
.Ltmp0:
0x32: {  	_ = 	snop;
	(pc) =	sbr.rel @!p0 .LBB2_3-.Ltmp0, $4  }
0x33: {  	[spmem:s2] =	stream.indirect.scatter.add.f32 [tilespmem:s22], [sflag:$0x7], $0x80, s25, s18, $0xb8;
	[tilespmem:$0x1C200] =	vst v63  }
0x34: {  	_ =	swait.ge [sflag:s23], $0x4000  }
0x35: {  	s30 =	sadd.s32 $0x40, s13;
	[sflag:s23] =	ssyncset.done $0x0  }
0x36: {  	s31 =	smov.u32 s13;
	s29 =	simm.s32 $0x1;
	[sflag:s23] =	ssyncadd.s32 $0xFFFFC000  }
.LBB2_2:
0x37: {  	[tilespmem:s16], [sflag:$0x4] =	stream.linear.gather [hbm4b:s31+s3], $0x100, $0x38;
	[tilespmem:$0x1C200] =	vst v63  }
0x38: {  	s29 =	sadd.s32 $0x1, s29;
	s31 =	smov.u32 s30;
	_ =	swait.ge [sflag:s20], $0x4000  }
0x39: {  	p0 =	sne.s32 s6, s29;
	[sflag:s20] =	ssyncset.done $0x0  }
0x3a: {  	[sflag:s20] =	ssyncadd.s32 $0xFFFFC000  }
0x3b: {  	_ =	swait.ge [sflag:s21], $0x100  }
0x3c: {  	[sflag:s21] =	ssyncset.done $0x0  }
0x3d: {  	[sflag:s21] =	ssyncadd.s32 $0xFFFFFF00  }
0x3e: {  	[tilespmem:s22], [sflag:$0x2] =	stream.indirect.gather [hbm4b:s4+s18], $0x80, s16, s18, $0xb8;
	[tilespmem:$0x1C200] =	vst v63  }
0x3f: {  	_ = 	snop  }
0x40: {  	[spmem:s2] =	stream.indirect.scatter.add.f32 [tilespmem:s19], [sflag:$0x7], $0x80, s18, s18, $0xb8;
	[tilespmem:$0x1C200] =	vst v63  }
0x41: {  	_ =	swait.ge [sflag:s23], $0x4000  }
0x42: {  	[sflag:s23] =	ssyncset.done $0x0  }
0x43: {  	s0 =	sadd.s32 $0xFFFFFFE0, s30;
	[sflag:s23] =	ssyncadd.s32 $0xFFFFC000  }
0x44: {  	[tilespmem:s3], [sflag:$0x3] =	stream.linear.gather [hbm4b:s0+s3], $0x100, $0x38;
	[tilespmem:$0x1C200] =	vst v63  }
0x45: {  	_ =	swait.ge [sflag:s24], $0x4000  }
0x46: {  	[sflag:s24] =	ssyncset.done $0x0  }
0x47: {  	[sflag:s24] =	ssyncadd.s32 $0xFFFFC000  }
0x48: {  	_ =	swait.ge [sflag:s15], $0x100  }
0x49: {  	[sflag:s15] =	ssyncset.done $0x0  }
0x4a: {  	[sflag:s15] =	ssyncadd.s32 $0xFFFFFF00  }
0x4b: {  	[tilespmem:s19], [sflag:$0x1] =	stream.indirect.gather [hbm4b:s4+s18], $0x80, s3, s18, $0xb8;
	[tilespmem:$0x1C200] =	vst v63  }
.Ltmp1:
0x4c: {  	(pc) =	sbr.rel @p0 .LBB2_2-.Ltmp1, $4  }
0x4d: {  	[spmem:s2] =	stream.indirect.scatter.add.f32 [tilespmem:s22], [sflag:$0x7], $0x80, s25, s18, $0xb8;
	[tilespmem:$0x1C200] =	vst v63  }
0x4e: {  	_ =	swait.ge [sflag:s23], $0x4000  }
0x4f: {  	[sflag:s23] =	ssyncset.done $0x0  }
0x50: {  	s30 =	sadd.s32 $0x40, s30;
	[sflag:s23] =	ssyncadd.s32 $0xFFFFC000  }
.LBB2_3:
0x51: {  	[tilespmem:s16], [sflag:$0x4] =	stream.linear.gather [hbm4b:s31+s3], $0x100, $0x38;
	[tilespmem:$0x1C200] =	vst v63  }
0x52: {  	_ =	swait.ge [sflag:s20], $0x4000  }
0x53: {  	[sflag:s20] =	ssyncset.done $0x0  }
0x54: {  	[sflag:s20] =	ssyncadd.s32 $0xFFFFC000  }
0x55: {  	_ =	swait.ge [sflag:s21], $0x100  }
0x56: {  	[sflag:s21] =	ssyncset.done $0x0  }
0x57: {  	[sflag:s21] =	ssyncadd.s32 $0xFFFFFF00  }
0x58: {  	[tilespmem:s22], [sflag:$0x2] =	stream.indirect.gather [hbm4b:s4+s18], $0x80, s16, s18, $0xb8;
	[tilespmem:$0x1C200] =	vst v63  }
0x59: {  	_ = 	snop  }
0x5a: {  	[spmem:s2] =	stream.indirect.scatter.add.f32 [tilespmem:s19], [sflag:$0x7], $0x80, s18, s18, $0xb8;
	[tilespmem:$0x1C200] =	vst v63  }
0x5b: {  	_ =	swait.ge [sflag:s23], $0x4000  }
0x5c: {  	[sflag:s23] =	ssyncset.done $0x0  }
0x5d: {  	[sflag:s23] =	ssyncadd.s32 $0xFFFFC000  }
0x5e: {  	_ =	swait.ge [sflag:s24], $0x4000  }
0x5f: {  	[sflag:s24] =	ssyncset.done $0x0  }
0x60: {  	[sflag:s24] =	ssyncadd.s32 $0xFFFFC000  }
0x61: {  	[spmem:s2] =	stream.indirect.scatter.add.f32 [tilespmem:s22], [sflag:$0x6], $0x80, s25, s18, $0xb8;
	[tilespmem:$0x1C200] =	vst v63  }
0x62: {  	_ =	swait.ge [sflag:s26], $0x4000  }
0x63: {  	s28 =	sadd.s32 $0x1, s28;
	[sflag:s26] =	ssyncset.done $0x0  }
0x64: {  	p0 =	sne.s32 s28, s12;
	[sflag:s26] =	ssyncadd.s32 $0xFFFFC000  }
.Ltmp2:
0x65: {  	s0 =	sor.u32 $0x1C01, s7;
	[bflag:$0x0] =	sbarrier.arrive $0xFFFF;
	(pc) =	sbr.rel @p0 .LBB2_1-.Ltmp2, $4  }
0x66: {  	[hbm:s11], [sflag:s0] =	dma.local [spmem:s14], $0x2800  }
0x67: {  	_ =	swait.ge [sflag:s20], $0x2800  }
0x68: {  	[sflag:s20] =	ssyncset.done $0x0  }
0x69: {  	[sflag:s20] =	ssyncadd.s32 $0xFFFFD800  }
0x6a: {  	_ =	sfence.sel $0x180000  }
0x6b: {  	[bflag:$0x0] =	sbarrier.arrive $0xFFFF  }
0x6c: {  	_ =	strace $0x9000004A  }
0x6d: {  	[bflag:$0x2] =	sbarrier.arrive $0xFFFF  }
0x6e: {  	p0 =	sne.s32 s1, $0x0;
	s0 =	rddreg [dreg:$0x2]  }
0x6f: {  	s0 =	sadd.s32 @!p0 $0x100000, s0  }
0x70: {  	[sflag:s0] =	ssyncadd.tile.s32 @!p0 $0x1;
	_ =	shalt  }
.Lfunc_end2:
_tile_overlayer_lowered:
.L_overlay_start_2:
0x71: {  	(tag) =	ssettag $0x2  }
0x72: {  	s0 =	rddreg [dreg:$0x0];
	s2 =	stileid.u32  }
0x73: {  	s1 =	rddreg [dreg:$0x1];
	p0 =	sne.s32 s2, $0x0  }
0x74: {  	s3 =	rddreg [dreg:$0x2];
	[bflag:$0x3] =	sbarrier.arrive $0xFFFF;
	s2 =	simm.s32 @!p0 $0x1C06  }
0x75: {  	[timem:s3], [sflag:s2] =	dma.local @!p0 [hbm:s0], s1  }
0x76: {  	s0 =	simm.s32 @!p0 $0x6  }
0x77: {  	_ =	swait.ge @!p0 [sflag:s0], s1  }
0x78: {  	s1 =	ssub.s32 @!p0 $0x0, s1;
	[sflag:s0] =	ssyncset.done @!p0 $0x0  }
0x79: {  	[sflag:s0] =	ssyncadd.s32 @!p0 s1  }
0x7a: {  	[bflag:$0x3] =	sbarrier.arrive $0xFFFF  }
0x7b: {  	_ =	shalt  }

// kernel: kernel.17.cloned.1.call-start
scs
__scs_entry_jumppad:
0x0: {  	(pc) =	sbr.rel $0x88, $3  }
0x1: {  	(tag) =	ssettag $0x0;
	lr =	simm.s32 $0x1  }
0x2: {  	[smem:$0x3F91] =	sst lr;
	_ =	strace $0xD0000000  }
0x3: {  	_ = 	snop  }
0x4: {  	_ = 	snop  }
0x5: {  	_ = 	snop  }
0x6: {  	_ = 	snop  }
0x7: {  	_ = 	snop  }
__scs_overlays_trampoline_lowered:
0x8: {  	[smem:$0x3FA0] =	sst s0  }
0x9: {  	[smem:$0x3FA1] =	sst s1  }
0xa: {  	[smem:$0x3FA2] =	sst s2  }
0xb: {  	[smem:$0x3FA3] =	sst s3  }
0xc: {  	[smem:$0x3FA4] =	sst s4  }
0xd: {  	[smem:$0x3FA5] =	sst s5  }
0xe: {  	[smem:$0x3FA6] =	sst s6  }
0xf: {  	[smem:$0x3FA7] =	sst s7  }
0x10: {  	[smem:$0x3FA8] =	sst s8  }
0x11: {  	[smem:$0x3FA9] =	sst s9;
	s0 =	simm.s32 @!p0 $0x0  }
0x12: {  	s1 =	sld [smem:$0x3F8F];
	s0 =	simm.s32 @p0 $0x1  }
0x13: {  	[smem:$0x3FAA] =	sst s0;
	s0 =	simm.s32 @!p1 $0x0  }
0x14: {  	s2 =	sld [smem:$0x3F8E];
	s0 =	simm.s32 @p1 $0x1  }
0x15: {  	[smem:$0x3FAB] =	sst s0;
	s0 =	simm.s32 @!p2 $0x0  }
0x16: {  	s3 =	sld [smem:$0x3FDB];
	s0 =	simm.s32 @p2 $0x1  }
0x17: {  	s4 =	simm.s32 $0x1BF5;
	[smem:$0x3FAD] =	sst s0  }
0x18: {  	s0 =	sld [smem:$0x3F90];
	_ =	swait.ge [sflag:s4], $0x0  }
0x19: {  	s7 =	sld [smem:$0x3F91]  }
0x1a: {  	s8 =	sadd.s32 $0xFFFFE003, lr  }
0x1b: {  	s9 =	sadd.s32 $0xFFFFFEF7, lr;
	s5 =	simm.s32 $0xFFFFFFFF;
	p2 =	slt.u32 s8, $0xFFFFF086  }
0x1c: {  	p1 =	slt.u32 s9, $0xF7A;
	s5 =	simm.s32 @!p2 $0x0  }
0x1d: {  	s5 =	simm.s32 @p1 $0x1;
	p0 =	seq.s32 s7, s2  }
0x1e: {  	s7 =	smul.u32 @!p0 $0xF7A, s2;
	p2 =	seq.s32 @!p0 s5, $0x0  }
0x1f: {  	s9 =	smul.u32 $0xF7A, s1;
	s8 =	simm.s32 @!p0 $0x1BF5;
	p2 =	por !p2, p0  }
0x20: {  	[sflag:s8] =	ssyncset.s32 @!p0 $0xFFFFF086;
	s6 =	sadd.s32 @!p0 s3, s7;
	s7 =	simm.s32 @!p0 $0x108  }
0x21: {  	s3 =	sadd.s32 s3, s9;
	s6 =	sadd.s32 @!p0 $0x88, s6;
	s7 =	simm.s32 @p2 $0x1082  }
0x22: {  	[simem:s7], [sflag:s8] =	dma.local @!p0 [hbm:s6], $0xF7A  }
0x23: {  	s9 =	sor.u32 $0xD0000000, s2;
	s6 =	simm.s32 $0x108;
	_ =	swait.ge @!p0 [sflag:s8], $0x0  }
0x24: {  	s3 =	sadd.s32 $0x88, s3;
	s6 =	simm.s32 @!p1 $0x1082;
	[sflag:s4] =	ssyncset.s32 $0xFFFFF086  }
0x25: {  	[simem:s6], [sflag:s4] =	dma.local [hbm:s3], $0xF7A  }
0x26: {  	[smem:$0x3F91] =	sst s1;
	(tag) =	ssettag s2;
	_ =	strace s9  }
0x27: {  	s1 =	sld [smem:$0x3FA1]  }
0x28: {  	s2 =	sld [smem:$0x3FA2]  }
0x29: {  	s4 =	sld [smem:$0x3FA4]  }
0x2a: {  	p0 =	seq.s32 s5, $0x0;
	s5 =	sld [smem:$0x3FA5]  }
0x2b: {  	s6 =	sld [smem:$0x3FA6]  }
0x2c: {  	s7 =	sld [smem:$0x3FA7]  }
0x2d: {  	s3 =	simm.s32 $0x108;
	s8 =	sld [smem:$0x3FA8]  }
0x2e: {  	s3 =	simm.s32 @!p0 $0x1082;
	s9 =	sld [smem:$0x3FA9]  }
0x2f: {  	lr =	sadd.s32 s0, s3;
	s0 =	sld [smem:$0x3FA0]  }
0x30: {  	s3 =	sld [smem:$0x3FA3]  }
0x31: {  	[smem:$0x3FAC] =	sst s10  }
0x32: {  	s10 =	sld [smem:$0x3FAA];
	_ =	sdelay $0x3  }
0x33: {  	p0 =	seq.s32 s10, $0x1;
	s10 =	sld [smem:$0x3FAC];
	_ =	sdelay $0x3  }
0x34: {  	[smem:$0x3FAC] =	sst s10  }
0x35: {  	s10 =	sld [smem:$0x3FAB];
	_ =	sdelay $0x3  }
0x36: {  	p1 =	seq.s32 s10, $0x1;
	s10 =	sld [smem:$0x3FAC];
	_ =	sdelay $0x3  }
0x37: {  	[smem:$0x3FAC] =	sst s10  }
0x38: {  	s10 =	sld [smem:$0x3FAD]  }
0x39: {  	_ = 	snop;
	(pc) =	sbr.ind lr, $3  }
0x3a: {  	_ = 	snop  }
0x3b: {  	_ = 	snop  }
0x3c: {  	p2 =	seq.s32 s10, $0x1;
	s10 =	sld [smem:$0x3FAC]  }
0x3d: {  	_ =	shalt  }
0x3e: {  	_ =	shalt  }
0x3f: {  	_ =	shalt  }
0x40: {  	_ =	shalt  }
0x41: {  	_ =	shalt  }
0x42: {  	_ =	shalt  }
0x43: {  	_ =	shalt  }
0x44: {  	_ =	shalt  }
0x45: {  	_ =	shalt  }
0x46: {  	_ =	shalt  }
0x47: {  	_ =	shalt  }
0x48: {  	_ =	shalt  }
0x49: {  	_ =	shalt  }
0x4a: {  	_ =	shalt  }
0x4b: {  	_ =	shalt  }
0x4c: {  	_ =	shalt  }
0x4d: {  	_ =	shalt  }
0x4e: {  	_ =	shalt  }
0x4f: {  	_ =	shalt  }
0x50: {  	_ =	shalt  }
0x51: {  	_ =	shalt  }
0x52: {  	_ =	shalt  }
0x53: {  	_ =	shalt  }
0x54: {  	_ =	shalt  }
0x55: {  	_ =	shalt  }
0x56: {  	_ =	shalt  }
0x57: {  	_ =	shalt  }
0x58: {  	_ =	shalt  }
0x59: {  	_ =	shalt  }
0x5a: {  	_ =	shalt  }
0x5b: {  	_ =	shalt  }
0x5c: {  	_ =	shalt  }
0x5d: {  	_ =	shalt  }
0x5e: {  	_ =	shalt  }
0x5f: {  	_ =	shalt  }
0x60: {  	_ =	shalt  }
0x61: {  	_ =	shalt  }
0x62: {  	_ =	shalt  }
0x63: {  	_ =	shalt  }
0x64: {  	_ =	shalt  }
0x65: {  	_ =	shalt  }
0x66: {  	_ =	shalt  }
0x67: {  	_ =	shalt  }
0x68: {  	_ =	shalt  }
0x69: {  	_ =	shalt  }
0x6a: {  	_ =	shalt  }
0x6b: {  	_ =	shalt  }
0x6c: {  	_ =	shalt  }
0x6d: {  	_ =	shalt  }
0x6e: {  	_ =	shalt  }
0x6f: {  	_ =	shalt  }
0x70: {  	_ =	shalt  }
0x71: {  	_ =	shalt  }
0x72: {  	_ =	shalt  }
0x73: {  	_ =	shalt  }
0x74: {  	_ =	shalt  }
0x75: {  	_ =	shalt  }
0x76: {  	_ =	shalt  }
0x77: {  	_ =	shalt  }
0x78: {  	_ =	shalt  }
0x79: {  	_ =	shalt  }
0x7a: {  	_ =	shalt  }
0x7b: {  	_ =	shalt  }
0x7c: {  	_ =	shalt  }
0x7d: {  	_ =	shalt  }
0x7e: {  	_ =	shalt  }
0x7f: {  	_ =	shalt  }
0x80: {  	_ =	shalt  }
0x81: {  	_ =	shalt  }
0x82: {  	_ =	shalt  }
0x83: {  	_ =	shalt  }
0x84: {  	_ =	shalt  }
0x85: {  	_ =	shalt  }
0x86: {  	_ =	shalt  }
0x87: {  	_ =	shalt  }
.Lfunc_end0:
.L_simem_size_0:
called_computation.2_lowered:
.L_overlay_start_0:
0x88: {  	s2 =	sld [smem:$0x3FD9]  }
0x89: {  	s3 =	sld [smem:$0x3FFE];
	_ =	sdelay $0x1  }
0x8a: {  	s1 =	srdreg.scid  }
0x8b: {  	s0 =	sand.u32 $0x1, s1  }
0x8c: {  	s16 =	sshll.u32 s0, $0xA;
	s2 =	sadd.s32 s3, s2  }
0x8d: {  	s2 =	sadd.s32 s2, s16  }
0x8e: {  	[smem:$0x3FB8] =	sst s2  }
0x8f: {  	_ = 	snop  }
0x90: {  	(tm) =	ssettm $0x1  }
0x91: {  	s17 =	sld [smem:$0x3FFB];
	_ =	sdelay $0x3  }
0x92: {  	_ =	strace s17  }
0x93: {  	s2 =	sld [smem:$0x3FFC];
	_ =	sdelay $0x3  }
0x94: {  	_ =	strace s2  }
0x95: {  	s2 =	sld [smem:$0x3FFD];
	_ =	sdelay $0x3  }
0x96: {  	_ =	strace s2  }
0x97: {  	_ =	strace $0x8FFFFFFF  }
0x98: {  	s18 =	sld [smem:$0x3FDB];
	_ =	sdelay $0x1  }
0x99: {  	s19 =	simm.s32 $_scs_section_size  }
0x9a: {  	s4 =	simm.s32 $_size__tile_overlayer_lowered;
	s5 =	simm.s32 $_tile_overlayer_lowered  }
0x9b: {  	s22 =	simm.s32 $0x1BFF;
	s21 =	sshll.u32 s5, $0x1;
	s2 =	sadd.s32 s19, s18  }
0x9c: {  	s6 =	simm.s32 $0x0;
	s20 =	sshll.u32 s4, $0x1;
	s4 =	sadd.s32 s21, s2  }
0x9d: {  	[timem:s6], [sflag:s22] =	dma.local [hbm:s4], s20  }
0x9e: {  	_ =	swait.ge [sflag:s22], s20  }
0x9f: {  	s3 =	ssub.s32 $0x0, s20;
	[sflag:s22] =	ssyncset.done $0x0  }
0xa0: {  	[sflag:s22] =	ssyncadd.s32 s3;
	_ =	sdelay $0x1  }
0xa1: {  	s23 =	simm.s32 $0x1B8B  }
0xa2: {  	_ =	swait.ge [sflag:s23], $0x1  }
0xa3: {  	[sflag:s23] =	ssyncset.done $0x0  }
0xa4: {  	s25 =	simm.s32 $0x1B8E;
	s24 =	sld [smem:$0x3FFE];
	[sflag:s23] =	ssyncadd.s32 $0xFFFFFFFF  }
0xa5: {  	s26 =	simm.s32 $execute0_lowered;
	[smem:$0x3FD2] =	sst s25  }
0xa6: {  	s4 =	sshll.u32 s26, $0x1;
	_ =	strace $0x8000004C;
	[dreg:$0x1] =	wrdreg $0xFFFFFFFF  }
0xa7: {  	s28 =	simm.s32 $_size_execute0_lowered;
	s2 =	sadd.s32 s2, s4;
	[dreg:$0x0] =	wrdreg $0x0  }
0xa8: {  	s4 =	sshll.u32 s28, $0x1;
	[dreg:$0x2] =	wrdreg s2  }
0xa9: {  	[dreg:$0x3] =	wrdreg s4  }
0xaa: {  	[dreg:$0x4] =	wrdreg $0xC0  }
0xab: {  	_ =	task [dreg:s6], $0x5FFFF  }
0xac: {  	[dreg:$0x1] =	wrdreg $0xFFFFFFFF  }
0xad: {  	[dreg:$0x0] =	wrdreg $0x60  }
0xae: {  	[dreg:$0x2] =	wrdreg s24  }
0xaf: {  	[dreg:$0x3] =	wrdreg $0x82000  }
0xb0: {  	[dreg:$0x4] =	wrdreg $0x9  }
0xb1: {  	_ =	task.clear_ibuf [dreg:s6], $0x5FFFF;
	_ =	strace $0x9000004C  }
0xb2: {  	s29 =	simm.s32 $0x9;
	_ =	strace $0x8000004E  }
0xb3: {  	_ =	swait.ge [sflag:s29], $0x1  }
0xb4: {  	[sflag:s29] =	ssyncadd.s32 $0xFFFFFFFF  }
0xb5: {  	_ =	strace $0x9000004E  }
0xb6: {  	_ =	sfence  }
0xb7: {  	s30 =	sld [smem:$0x0];
	_ =	sdelay $0x2  }
0xb8: {  	s31 =	sshll.u32 s1, $0xD;
	s1 =	sshrl.u32 s1, $0x2  }
0xb9: {  	s3 =	sand.u32 $0x4000, s31;
	s1 =	sadd.s32 s1, s30  }
0xba: {  	s0 =	sor.u32 s3, s0;
	s1 =	sshll.u32 s1, $0x11  }
0xbb: {  	s0 =	sor.u32 s1, s0  }
0xbc: {  	s0 =	sadd.s32 $0x8F2B, s0  }
0xbd: {  	[sflag:s0] =	ssyncadd.remote.s32 $0x1  }
0xbe: {  	_ =	sfence.sel $0xFFFF  }
0xbf: {  	[dreg:$0x0] =	wrdreg $0xFFFFFFFF;
	(pc) =	sbr.abs _section_cstart, $3  }
0xc0: {  	[dreg:$0x1] =	wrdreg $0xFFFFFFFF  }
0xc1: {  	_ =	task.clear_ibuf [dreg:s6], $0x2FFFF;
	_ =	strace $0x9FFFFFFF  }
0xc2: {  	(tm) =	ssettm $0x7FFFFFFF  }
0xc3: {  	_ =	shalt  }
tec
execute0_lowered:
.L_overlay_start_1:
0x0: {  	(tag) =	ssettag $0x1  }
0x1: {  	s6 =	rddreg [dreg:$0x0]  }
0x2: {  	s2 =	rddreg [dreg:$0x1]  }
0x3: {  	s1 =	stileid.u32;
	s4 =	srdreg.scid;
	s3 =	simm.s32 $0x0  }
0x4: {  	s15 =	simm.s32 $0x3;
	s16 =	simm.s32 $0x100;
	s17 =	simm.s32 $0x5  }
0x5: {  	s18 =	simm.s32 $0x80;
	s19 =	simm.s32 $0x200;
	s20 =	simm.s32 $0x1  }
0x6: {  	s21 =	simm.s32 $0x4;
	s22 =	simm.s32 $0x4200;
	s23 =	simm.s32 $0x7  }
0x7: {  	s24 =	simm.s32 $0x2;
	s25 =	simm.s32 $0x180;
	s5 =	smul.u32 $0xC, s1  }
0x8: {  	s26 =	simm.s32 $0x6;
	s7 =	sand.u32 $0x1, s4;
	s4 =	smul.u32 $0x94, s1  }
0x9: {  	s28 =	simm.s32 $0x0;
	[smem:$0x7FF] =	sst s3;
	s8 =	smul.u32 $0x2800, s1  }
0xa: {  	s10 =	smul.u32 $0x50000, s1;
	p0 =	seq.s32 s7, $0x0;
	_ =	strace $0x8000004D  }
0xb: {  	s9 =	smul.u32 $0x28000, s7;
	s7 =	ssub.s32 $0x2, s7;
	s5 =	sadd.s32 $0x940, s5  }
0xc: {  	s30 =	sshrl.u32 s7, $0x1;
	s31 =	sshrl.u32 s10, $0x2;
	s5 =	smov.u32 @p0 s4  }
0xd: {  	s4 =	sadd.s32 $0x10800, s6;
	s8 =	sadd.s32 s8, s9;
	s12 =	ssub.s32 s7, s30  }
0xe: {  	s7 =	sshll.u32 s1, $0x6;
	s14 =	sadd.s32 s31, s2;
	s5 =	sshll.u32 s5, $0x5  }
0xf: {  	s11 =	sadd.s32 s8, s6;
	s8 =	sor.u32 $0x1C05, s7;
	s12 =	smax.u32 s12, $0x1  }
0x10: {  	s13 =	sadd.s32 s5, s6;
	s5 =	sadd.s32 $0xE000, s6;
	s6 =	simm.s32 $0x49  }
0x11: {  	s14 =	sshrl.u32 s14, $0x3;
	s11 =	sadd.s32 $0x75000, s11;
	s6 =	simm.s32 @!p0 $0x5  }
0x12: {  	s9 =	sadd.s32 $0x61000, s13;
	s10 =	sadd.s32 $0x61020, s13;
	s13 =	sadd.s32 $0x61060, s13  }
.LBB2_1:
0x13: {  	[spmem:s14], [sflag:s8] =	dma.local [hbm:s5], $0x2800  }
0x14: {  	[tilespmem:s3], [sflag:$0x3] =	stream.linear.gather [hbm4b:s9+s3], $0x100, $0x38;
	[tilespmem:$0x1C200] =	vst v63  }
0x15: {  	_ =	swait.ge [sflag:s15], $0x100  }
0x16: {  	[sflag:s15] =	ssyncset.done $0x0  }
0x17: {  	[sflag:s15] =	ssyncadd.s32 $0xFFFFFF00  }
0x18: {  	[tilespmem:s16], [sflag:$0x4] =	stream.linear.gather [hbm4b:s10+s3], $0x100, $0x38;
	[tilespmem:$0x1C200] =	vst v63  }
0x19: {  	_ =	swait.ge [sflag:s17], $0x2800  }
0x1a: {  	[sflag:s17] =	ssyncset.done $0x0  }
0x1b: {  	[sflag:s17] =	ssyncadd.s32 $0xFFFFD800  }
0x1c: {  	[bflag:$0x0] =	sbarrier.arrive $0xFFFF  }
0x1d: {  	[tilespmem:s19], [sflag:$0x1] =	stream.indirect.gather [hbm4b:s4+s18], $0x80, s3, s18, $0xb8;
	[tilespmem:$0x1C200] =	vst v63  }
0x1e: {  	_ =	swait.ge [sflag:s20], $0x4000  }
0x1f: {  	[sflag:s20] =	ssyncset.done $0x0  }
0x20: {  	[sflag:s20] =	ssyncadd.s32 $0xFFFFC000  }
0x21: {  	_ =	swait.ge [sflag:s21], $0x100  }
0x22: {  	[sflag:s21] =	ssyncset.done $0x0  }
0x23: {  	[sflag:s21] =	ssyncadd.s32 $0xFFFFFF00  }
0x24: {  	[tilespmem:s22], [sflag:$0x2] =	stream.indirect.gather [hbm4b:s4+s18], $0x80, s16, s18, $0xb8;
	[tilespmem:$0x1C200] =	vst v63  }
0x25: {  	_ = 	snop  }
0x26: {  	[spmem:s2] =	stream.indirect.scatter.add.f32 [tilespmem:s19], [sflag:$0x7], $0x80, s18, s18, $0xb8;
	[tilespmem:$0x1C200] =	vst v63  }
0x27: {  	_ =	swait.ge [sflag:s23], $0x4000  }
0x28: {  	[sflag:s23] =	ssyncset.done $0x0  }
0x29: {  	s29 =	sadd.s32 $0xFFFFFFE0, s13;
	[sflag:s23] =	ssyncadd.s32 $0xFFFFC000  }
0x2a: {  	[tilespmem:s3], [sflag:$0x3] =	stream.linear.gather [hbm4b:s29+s3], $0x100, $0x38;
	[tilespmem:$0x1C200] =	vst v63  }
0x2b: {  	_ =	swait.ge [sflag:s24], $0x4000  }
0x2c: {  	[sflag:s24] =	ssyncset.done $0x0  }
0x2d: {  	[sflag:s24] =	ssyncadd.s32 $0xFFFFC000  }
0x2e: {  	_ =	swait.ge [sflag:s15], $0x100  }
0x2f: {  	[sflag:s15] =	ssyncset.done $0x0  }
0x30: {  	p0 =	sne.s32 s6, $0x1;
	[sflag:s15] =	ssyncadd.s32 $0xFFFFFF00  }
0x31: {  	[tilespmem:s19], [sflag:$0x1] =	stream.indirect.gather [hbm4b:s4+s18], $0x80, s3, s18, $0xb8;
	[tilespmem:$0x1C200] =	vst v63  }
.Ltmp0:
0x32: {  	_ = 	snop;
	(pc) =	sbr.rel @!p0 .LBB2_3-.Ltmp0, $4  }
0x33: {  	[spmem:s2] =	stream.indirect.scatter.add.f32 [tilespmem:s22], [sflag:$0x7], $0x80, s25, s18, $0xb8;
	[tilespmem:$0x1C200] =	vst v63  }
0x34: {  	_ =	swait.ge [sflag:s23], $0x4000  }
0x35: {  	s30 =	sadd.s32 $0x40, s13;
	[sflag:s23] =	ssyncset.done $0x0  }
0x36: {  	s31 =	smov.u32 s13;
	s29 =	simm.s32 $0x1;
	[sflag:s23] =	ssyncadd.s32 $0xFFFFC000  }
.LBB2_2:
0x37: {  	[tilespmem:s16], [sflag:$0x4] =	stream.linear.gather [hbm4b:s31+s3], $0x100, $0x38;
	[tilespmem:$0x1C200] =	vst v63  }
0x38: {  	s29 =	sadd.s32 $0x1, s29;
	s31 =	smov.u32 s30;
	_ =	swait.ge [sflag:s20], $0x4000  }
0x39: {  	p0 =	sne.s32 s6, s29;
	[sflag:s20] =	ssyncset.done $0x0  }
0x3a: {  	[sflag:s20] =	ssyncadd.s32 $0xFFFFC000  }
0x3b: {  	_ =	swait.ge [sflag:s21], $0x100  }
0x3c: {  	[sflag:s21] =	ssyncset.done $0x0  }
0x3d: {  	[sflag:s21] =	ssyncadd.s32 $0xFFFFFF00  }
0x3e: {  	[tilespmem:s22], [sflag:$0x2] =	stream.indirect.gather [hbm4b:s4+s18], $0x80, s16, s18, $0xb8;
	[tilespmem:$0x1C200] =	vst v63  }
0x3f: {  	_ = 	snop  }
0x40: {  	[spmem:s2] =	stream.indirect.scatter.add.f32 [tilespmem:s19], [sflag:$0x7], $0x80, s18, s18, $0xb8;
	[tilespmem:$0x1C200] =	vst v63  }
0x41: {  	_ =	swait.ge [sflag:s23], $0x4000  }
0x42: {  	[sflag:s23] =	ssyncset.done $0x0  }
0x43: {  	s0 =	sadd.s32 $0xFFFFFFE0, s30;
	[sflag:s23] =	ssyncadd.s32 $0xFFFFC000  }
0x44: {  	[tilespmem:s3], [sflag:$0x3] =	stream.linear.gather [hbm4b:s0+s3], $0x100, $0x38;
	[tilespmem:$0x1C200] =	vst v63  }
0x45: {  	_ =	swait.ge [sflag:s24], $0x4000  }
0x46: {  	[sflag:s24] =	ssyncset.done $0x0  }
0x47: {  	[sflag:s24] =	ssyncadd.s32 $0xFFFFC000  }
0x48: {  	_ =	swait.ge [sflag:s15], $0x100  }
0x49: {  	[sflag:s15] =	ssyncset.done $0x0  }
0x4a: {  	[sflag:s15] =	ssyncadd.s32 $0xFFFFFF00  }
0x4b: {  	[tilespmem:s19], [sflag:$0x1] =	stream.indirect.gather [hbm4b:s4+s18], $0x80, s3, s18, $0xb8;
	[tilespmem:$0x1C200] =	vst v63  }
.Ltmp1:
0x4c: {  	(pc) =	sbr.rel @p0 .LBB2_2-.Ltmp1, $4  }
0x4d: {  	[spmem:s2] =	stream.indirect.scatter.add.f32 [tilespmem:s22], [sflag:$0x7], $0x80, s25, s18, $0xb8;
	[tilespmem:$0x1C200] =	vst v63  }
0x4e: {  	_ =	swait.ge [sflag:s23], $0x4000  }
0x4f: {  	[sflag:s23] =	ssyncset.done $0x0  }
0x50: {  	s30 =	sadd.s32 $0x40, s30;
	[sflag:s23] =	ssyncadd.s32 $0xFFFFC000  }
.LBB2_3:
0x51: {  	[tilespmem:s16], [sflag:$0x4] =	stream.linear.gather [hbm4b:s31+s3], $0x100, $0x38;
	[tilespmem:$0x1C200] =	vst v63  }
0x52: {  	_ =	swait.ge [sflag:s20], $0x4000  }
0x53: {  	[sflag:s20] =	ssyncset.done $0x0  }
0x54: {  	[sflag:s20] =	ssyncadd.s32 $0xFFFFC000  }
0x55: {  	_ =	swait.ge [sflag:s21], $0x100  }
0x56: {  	[sflag:s21] =	ssyncset.done $0x0  }
0x57: {  	[sflag:s21] =	ssyncadd.s32 $0xFFFFFF00  }
0x58: {  	[tilespmem:s22], [sflag:$0x2] =	stream.indirect.gather [hbm4b:s4+s18], $0x80, s16, s18, $0xb8;
	[tilespmem:$0x1C200] =	vst v63  }
0x59: {  	_ = 	snop  }
0x5a: {  	[spmem:s2] =	stream.indirect.scatter.add.f32 [tilespmem:s19], [sflag:$0x7], $0x80, s18, s18, $0xb8;
	[tilespmem:$0x1C200] =	vst v63  }
0x5b: {  	_ =	swait.ge [sflag:s23], $0x4000  }
0x5c: {  	[sflag:s23] =	ssyncset.done $0x0  }
0x5d: {  	[sflag:s23] =	ssyncadd.s32 $0xFFFFC000  }
0x5e: {  	_ =	swait.ge [sflag:s24], $0x4000  }
0x5f: {  	[sflag:s24] =	ssyncset.done $0x0  }
0x60: {  	[sflag:s24] =	ssyncadd.s32 $0xFFFFC000  }
0x61: {  	[spmem:s2] =	stream.indirect.scatter.add.f32 [tilespmem:s22], [sflag:$0x6], $0x80, s25, s18, $0xb8;
	[tilespmem:$0x1C200] =	vst v63  }
0x62: {  	_ =	swait.ge [sflag:s26], $0x4000  }
0x63: {  	s28 =	sadd.s32 $0x1, s28;
	[sflag:s26] =	ssyncset.done $0x0  }
0x64: {  	p0 =	sne.s32 s28, s12;
	[sflag:s26] =	ssyncadd.s32 $0xFFFFC000  }
.Ltmp2:
0x65: {  	s0 =	sor.u32 $0x1C01, s7;
	[bflag:$0x0] =	sbarrier.arrive $0xFFFF;
	(pc) =	sbr.rel @p0 .LBB2_1-.Ltmp2, $4  }
0x66: {  	[hbm:s11], [sflag:s0] =	dma.local [spmem:s14], $0x2800  }
0x67: {  	_ =	swait.ge [sflag:s20], $0x2800  }
0x68: {  	[sflag:s20] =	ssyncset.done $0x0  }
0x69: {  	[sflag:s20] =	ssyncadd.s32 $0xFFFFD800  }
0x6a: {  	_ =	sfence.sel $0x180000  }
0x6b: {  	[bflag:$0x0] =	sbarrier.arrive $0xFFFF  }
0x6c: {  	_ =	strace $0x9000004D  }
0x6d: {  	[bflag:$0x2] =	sbarrier.arrive $0xFFFF  }
0x6e: {  	p0 =	sne.s32 s1, $0x0;
	s0 =	rddreg [dreg:$0x2]  }
0x6f: {  	s0 =	sadd.s32 @!p0 $0x100000, s0  }
0x70: {  	[sflag:s0] =	ssyncadd.tile.s32 @!p0 $0x1;
	_ =	shalt  }
.Lfunc_end2:
_tile_overlayer_lowered:
.L_overlay_start_2:
0x71: {  	(tag) =	ssettag $0x2  }
0x72: {  	s0 =	rddreg [dreg:$0x0];
	s2 =	stileid.u32  }
0x73: {  	s1 =	rddreg [dreg:$0x1];
	p0 =	sne.s32 s2, $0x0  }
0x74: {  	s3 =	rddreg [dreg:$0x2];
	[bflag:$0x3] =	sbarrier.arrive $0xFFFF;
	s2 =	simm.s32 @!p0 $0x1C06  }
0x75: {  	[timem:s3], [sflag:s2] =	dma.local @!p0 [hbm:s0], s1  }
0x76: {  	s0 =	simm.s32 @!p0 $0x6  }
0x77: {  	_ =	swait.ge @!p0 [sflag:s0], s1  }
0x78: {  	s1 =	ssub.s32 @!p0 $0x0, s1;
	[sflag:s0] =	ssyncset.done @!p0 $0x0  }
0x79: {  	[sflag:s0] =	ssyncadd.s32 @!p0 s1  }
0x7a: {  	[bflag:$0x3] =	sbarrier.arrive $0xFFFF  }
0x7b: {  	_ =	shalt  }

// kernel: kernel.20.cloned.1.call-start
scs
__scs_entry_jumppad:
0x0: {  	(pc) =	sbr.rel $0x88, $3  }
0x1: {  	(tag) =	ssettag $0x0;
	lr =	simm.s32 $0x1  }
0x2: {  	[smem:$0x3F91] =	sst lr;
	_ =	strace $0xD0000000  }
0x3: {  	_ = 	snop  }
0x4: {  	_ = 	snop  }
0x5: {  	_ = 	snop  }
0x6: {  	_ = 	snop  }
0x7: {  	_ = 	snop  }
__scs_overlays_trampoline_lowered:
0x8: {  	[smem:$0x3FA0] =	sst s0  }
0x9: {  	[smem:$0x3FA1] =	sst s1  }
0xa: {  	[smem:$0x3FA2] =	sst s2  }
0xb: {  	[smem:$0x3FA3] =	sst s3  }
0xc: {  	[smem:$0x3FA4] =	sst s4  }
0xd: {  	[smem:$0x3FA5] =	sst s5  }
0xe: {  	[smem:$0x3FA6] =	sst s6  }
0xf: {  	[smem:$0x3FA7] =	sst s7  }
0x10: {  	[smem:$0x3FA8] =	sst s8  }
0x11: {  	[smem:$0x3FA9] =	sst s9;
	s0 =	simm.s32 @!p0 $0x0  }
0x12: {  	s1 =	sld [smem:$0x3F8F];
	s0 =	simm.s32 @p0 $0x1  }
0x13: {  	[smem:$0x3FAA] =	sst s0;
	s0 =	simm.s32 @!p1 $0x0  }
0x14: {  	s2 =	sld [smem:$0x3F8E];
	s0 =	simm.s32 @p1 $0x1  }
0x15: {  	[smem:$0x3FAB] =	sst s0;
	s0 =	simm.s32 @!p2 $0x0  }
0x16: {  	s3 =	sld [smem:$0x3FDB];
	s0 =	simm.s32 @p2 $0x1  }
0x17: {  	s4 =	simm.s32 $0x1BF5;
	[smem:$0x3FAD] =	sst s0  }
0x18: {  	s0 =	sld [smem:$0x3F90];
	_ =	swait.ge [sflag:s4], $0x0  }
0x19: {  	s7 =	sld [smem:$0x3F91]  }
0x1a: {  	s8 =	sadd.s32 $0xFFFFE003, lr  }
0x1b: {  	s9 =	sadd.s32 $0xFFFFFEF7, lr;
	s5 =	simm.s32 $0xFFFFFFFF;
	p2 =	slt.u32 s8, $0xFFFFF086  }
0x1c: {  	p1 =	slt.u32 s9, $0xF7A;
	s5 =	simm.s32 @!p2 $0x0  }
0x1d: {  	s5 =	simm.s32 @p1 $0x1;
	p0 =	seq.s32 s7, s2  }
0x1e: {  	s7 =	smul.u32 @!p0 $0xF7A, s2;
	p2 =	seq.s32 @!p0 s5, $0x0  }
0x1f: {  	s9 =	smul.u32 $0xF7A, s1;
	s8 =	simm.s32 @!p0 $0x1BF5;
	p2 =	por !p2, p0  }
0x20: {  	[sflag:s8] =	ssyncset.s32 @!p0 $0xFFFFF086;
	s6 =	sadd.s32 @!p0 s3, s7;
	s7 =	simm.s32 @!p0 $0x108  }
0x21: {  	s3 =	sadd.s32 s3, s9;
	s6 =	sadd.s32 @!p0 $0x88, s6;
	s7 =	simm.s32 @p2 $0x1082  }
0x22: {  	[simem:s7], [sflag:s8] =	dma.local @!p0 [hbm:s6], $0xF7A  }
0x23: {  	s9 =	sor.u32 $0xD0000000, s2;
	s6 =	simm.s32 $0x108;
	_ =	swait.ge @!p0 [sflag:s8], $0x0  }
0x24: {  	s3 =	sadd.s32 $0x88, s3;
	s6 =	simm.s32 @!p1 $0x1082;
	[sflag:s4] =	ssyncset.s32 $0xFFFFF086  }
0x25: {  	[simem:s6], [sflag:s4] =	dma.local [hbm:s3], $0xF7A  }
0x26: {  	[smem:$0x3F91] =	sst s1;
	(tag) =	ssettag s2;
	_ =	strace s9  }
0x27: {  	s1 =	sld [smem:$0x3FA1]  }
0x28: {  	s2 =	sld [smem:$0x3FA2]  }
0x29: {  	s4 =	sld [smem:$0x3FA4]  }
0x2a: {  	p0 =	seq.s32 s5, $0x0;
	s5 =	sld [smem:$0x3FA5]  }
0x2b: {  	s6 =	sld [smem:$0x3FA6]  }
0x2c: {  	s7 =	sld [smem:$0x3FA7]  }
0x2d: {  	s3 =	simm.s32 $0x108;
	s8 =	sld [smem:$0x3FA8]  }
0x2e: {  	s3 =	simm.s32 @!p0 $0x1082;
	s9 =	sld [smem:$0x3FA9]  }
0x2f: {  	lr =	sadd.s32 s0, s3;
	s0 =	sld [smem:$0x3FA0]  }
0x30: {  	s3 =	sld [smem:$0x3FA3]  }
0x31: {  	[smem:$0x3FAC] =	sst s10  }
0x32: {  	s10 =	sld [smem:$0x3FAA];
	_ =	sdelay $0x3  }
0x33: {  	p0 =	seq.s32 s10, $0x1;
	s10 =	sld [smem:$0x3FAC];
	_ =	sdelay $0x3  }
0x34: {  	[smem:$0x3FAC] =	sst s10  }
0x35: {  	s10 =	sld [smem:$0x3FAB];
	_ =	sdelay $0x3  }
0x36: {  	p1 =	seq.s32 s10, $0x1;
	s10 =	sld [smem:$0x3FAC];
	_ =	sdelay $0x3  }
0x37: {  	[smem:$0x3FAC] =	sst s10  }
0x38: {  	s10 =	sld [smem:$0x3FAD]  }
0x39: {  	_ = 	snop;
	(pc) =	sbr.ind lr, $3  }
0x3a: {  	_ = 	snop  }
0x3b: {  	_ = 	snop  }
0x3c: {  	p2 =	seq.s32 s10, $0x1;
	s10 =	sld [smem:$0x3FAC]  }
0x3d: {  	_ =	shalt  }
0x3e: {  	_ =	shalt  }
0x3f: {  	_ =	shalt  }
0x40: {  	_ =	shalt  }
0x41: {  	_ =	shalt  }
0x42: {  	_ =	shalt  }
0x43: {  	_ =	shalt  }
0x44: {  	_ =	shalt  }
0x45: {  	_ =	shalt  }
0x46: {  	_ =	shalt  }
0x47: {  	_ =	shalt  }
0x48: {  	_ =	shalt  }
0x49: {  	_ =	shalt  }
0x4a: {  	_ =	shalt  }
0x4b: {  	_ =	shalt  }
0x4c: {  	_ =	shalt  }
0x4d: {  	_ =	shalt  }
0x4e: {  	_ =	shalt  }
0x4f: {  	_ =	shalt  }
0x50: {  	_ =	shalt  }
0x51: {  	_ =	shalt  }
0x52: {  	_ =	shalt  }
0x53: {  	_ =	shalt  }
0x54: {  	_ =	shalt  }
0x55: {  	_ =	shalt  }
0x56: {  	_ =	shalt  }
0x57: {  	_ =	shalt  }
0x58: {  	_ =	shalt  }
0x59: {  	_ =	shalt  }
0x5a: {  	_ =	shalt  }
0x5b: {  	_ =	shalt  }
0x5c: {  	_ =	shalt  }
0x5d: {  	_ =	shalt  }
0x5e: {  	_ =	shalt  }
0x5f: {  	_ =	shalt  }
0x60: {  	_ =	shalt  }
0x61: {  	_ =	shalt  }
0x62: {  	_ =	shalt  }
0x63: {  	_ =	shalt  }
0x64: {  	_ =	shalt  }
0x65: {  	_ =	shalt  }
0x66: {  	_ =	shalt  }
0x67: {  	_ =	shalt  }
0x68: {  	_ =	shalt  }
0x69: {  	_ =	shalt  }
0x6a: {  	_ =	shalt  }
0x6b: {  	_ =	shalt  }
0x6c: {  	_ =	shalt  }
0x6d: {  	_ =	shalt  }
0x6e: {  	_ =	shalt  }
0x6f: {  	_ =	shalt  }
0x70: {  	_ =	shalt  }
0x71: {  	_ =	shalt  }
0x72: {  	_ =	shalt  }
0x73: {  	_ =	shalt  }
0x74: {  	_ =	shalt  }
0x75: {  	_ =	shalt  }
0x76: {  	_ =	shalt  }
0x77: {  	_ =	shalt  }
0x78: {  	_ =	shalt  }
0x79: {  	_ =	shalt  }
0x7a: {  	_ =	shalt  }
0x7b: {  	_ =	shalt  }
0x7c: {  	_ =	shalt  }
0x7d: {  	_ =	shalt  }
0x7e: {  	_ =	shalt  }
0x7f: {  	_ =	shalt  }
0x80: {  	_ =	shalt  }
0x81: {  	_ =	shalt  }
0x82: {  	_ =	shalt  }
0x83: {  	_ =	shalt  }
0x84: {  	_ =	shalt  }
0x85: {  	_ =	shalt  }
0x86: {  	_ =	shalt  }
0x87: {  	_ =	shalt  }
.Lfunc_end0:
.L_simem_size_0:
called_computation.3_lowered:
.L_overlay_start_0:
0x88: {  	s2 =	sld [smem:$0x3FD9]  }
0x89: {  	s3 =	sld [smem:$0x3FFE];
	_ =	sdelay $0x1  }
0x8a: {  	s1 =	srdreg.scid  }
0x8b: {  	s0 =	sand.u32 $0x1, s1  }
0x8c: {  	s16 =	sshll.u32 s0, $0xA;
	s2 =	sadd.s32 s3, s2  }
0x8d: {  	s2 =	sadd.s32 s2, s16  }
0x8e: {  	[smem:$0x3FB8] =	sst s2  }
0x8f: {  	_ = 	snop  }
0x90: {  	(tm) =	ssettm $0x1  }
0x91: {  	s17 =	sld [smem:$0x3FFB];
	_ =	sdelay $0x3  }
0x92: {  	_ =	strace s17  }
0x93: {  	s2 =	sld [smem:$0x3FFC];
	_ =	sdelay $0x3  }
0x94: {  	_ =	strace s2  }
0x95: {  	s2 =	sld [smem:$0x3FFD];
	_ =	sdelay $0x3  }
0x96: {  	_ =	strace s2  }
0x97: {  	_ =	strace $0x8FFFFFFF  }
0x98: {  	s18 =	sld [smem:$0x3FDB];
	_ =	sdelay $0x1  }
0x99: {  	s19 =	simm.s32 $_scs_section_size  }
0x9a: {  	s4 =	simm.s32 $_size__tile_overlayer_lowered;
	s5 =	simm.s32 $_tile_overlayer_lowered  }
0x9b: {  	s22 =	simm.s32 $0x1BFF;
	s21 =	sshll.u32 s5, $0x1;
	s2 =	sadd.s32 s19, s18  }
0x9c: {  	s6 =	simm.s32 $0x0;
	s20 =	sshll.u32 s4, $0x1;
	s4 =	sadd.s32 s21, s2  }
0x9d: {  	[timem:s6], [sflag:s22] =	dma.local [hbm:s4], s20  }
0x9e: {  	_ =	swait.ge [sflag:s22], s20  }
0x9f: {  	s3 =	ssub.s32 $0x0, s20;
	[sflag:s22] =	ssyncset.done $0x0  }
0xa0: {  	[sflag:s22] =	ssyncadd.s32 s3;
	_ =	sdelay $0x1  }
0xa1: {  	s23 =	simm.s32 $0x1B8B  }
0xa2: {  	_ =	swait.ge [sflag:s23], $0x1  }
0xa3: {  	[sflag:s23] =	ssyncset.done $0x0  }
0xa4: {  	s25 =	simm.s32 $0x1B8E;
	s24 =	sld [smem:$0x3FFE];
	[sflag:s23] =	ssyncadd.s32 $0xFFFFFFFF  }
0xa5: {  	s26 =	simm.s32 $execute0_lowered;
	[smem:$0x3FD2] =	sst s25  }
0xa6: {  	s4 =	sshll.u32 s26, $0x1;
	_ =	strace $0x8000004F;
	[dreg:$0x1] =	wrdreg $0xFFFFFFFF  }
0xa7: {  	s28 =	simm.s32 $_size_execute0_lowered;
	s2 =	sadd.s32 s2, s4;
	[dreg:$0x0] =	wrdreg $0x0  }
0xa8: {  	s4 =	sshll.u32 s28, $0x1;
	[dreg:$0x2] =	wrdreg s2  }
0xa9: {  	[dreg:$0x3] =	wrdreg s4  }
0xaa: {  	[dreg:$0x4] =	wrdreg $0xC0  }
0xab: {  	_ =	task [dreg:s6], $0x5FFFF  }
0xac: {  	[dreg:$0x1] =	wrdreg $0xFFFFFFFF  }
0xad: {  	[dreg:$0x0] =	wrdreg $0x60  }
0xae: {  	[dreg:$0x2] =	wrdreg s24  }
0xaf: {  	[dreg:$0x3] =	wrdreg $0x82000  }
0xb0: {  	[dreg:$0x4] =	wrdreg $0x9  }
0xb1: {  	_ =	task.clear_ibuf [dreg:s6], $0x5FFFF;
	_ =	strace $0x9000004F  }
0xb2: {  	s29 =	simm.s32 $0x9;
	_ =	strace $0x80000051  }
0xb3: {  	_ =	swait.ge [sflag:s29], $0x1  }
0xb4: {  	[sflag:s29] =	ssyncadd.s32 $0xFFFFFFFF  }
0xb5: {  	_ =	strace $0x90000051  }
0xb6: {  	_ =	sfence  }
0xb7: {  	s30 =	sld [smem:$0x0];
	_ =	sdelay $0x2  }
0xb8: {  	s31 =	sshll.u32 s1, $0xD;
	s1 =	sshrl.u32 s1, $0x2  }
0xb9: {  	s3 =	sand.u32 $0x4000, s31;
	s1 =	sadd.s32 s1, s30  }
0xba: {  	s0 =	sor.u32 s3, s0;
	s1 =	sshll.u32 s1, $0x11  }
0xbb: {  	s0 =	sor.u32 s1, s0  }
0xbc: {  	s0 =	sadd.s32 $0x8F2B, s0  }
0xbd: {  	[sflag:s0] =	ssyncadd.remote.s32 $0x1  }
0xbe: {  	_ =	sfence.sel $0xFFFF  }
0xbf: {  	[dreg:$0x0] =	wrdreg $0xFFFFFFFF;
	(pc) =	sbr.abs _section_cstart, $3  }
0xc0: {  	[dreg:$0x1] =	wrdreg $0xFFFFFFFF  }
0xc1: {  	_ =	task.clear_ibuf [dreg:s6], $0x2FFFF;
	_ =	strace $0x9FFFFFFF  }
0xc2: {  	(tm) =	ssettm $0x7FFFFFFF  }
0xc3: {  	_ =	shalt  }
tec
execute0_lowered:
.L_overlay_start_1:
0x0: {  	(tag) =	ssettag $0x1  }
0x1: {  	s6 =	rddreg [dreg:$0x0]  }
0x2: {  	s2 =	rddreg [dreg:$0x1]  }
0x3: {  	s1 =	stileid.u32;
	s4 =	srdreg.scid;
	s3 =	simm.s32 $0x0  }
0x4: {  	s15 =	simm.s32 $0x3;
	s16 =	simm.s32 $0x100;
	s17 =	simm.s32 $0x5  }
0x5: {  	s18 =	simm.s32 $0x80;
	s19 =	simm.s32 $0x200;
	s20 =	simm.s32 $0x1  }
0x6: {  	s21 =	simm.s32 $0x4;
	s22 =	simm.s32 $0x4200;
	s23 =	simm.s32 $0x7  }
0x7: {  	s24 =	simm.s32 $0x2;
	s25 =	simm.s32 $0x180;
	s5 =	smul.u32 $0xC, s1  }
0x8: {  	s26 =	simm.s32 $0x6;
	s7 =	sand.u32 $0x1, s4;
	s4 =	smul.u32 $0x94, s1  }
0x9: {  	s28 =	simm.s32 $0x0;
	[smem:$0x7FF] =	sst s3;
	s8 =	smul.u32 $0x2800, s1  }
0xa: {  	s10 =	smul.u32 $0x50000, s1;
	p0 =	seq.s32 s7, $0x0;
	_ =	strace $0x80000050  }
0xb: {  	s9 =	smul.u32 $0x28000, s7;
	s7 =	ssub.s32 $0x2, s7;
	s5 =	sadd.s32 $0x940, s5  }
0xc: {  	s30 =	sshrl.u32 s7, $0x1;
	s31 =	sshrl.u32 s10, $0x2;
	s5 =	smov.u32 @p0 s4  }
0xd: {  	s4 =	sadd.s32 $0x10800, s6;
	s8 =	sadd.s32 s8, s9;
	s12 =	ssub.s32 s7, s30  }
0xe: {  	s7 =	sshll.u32 s1, $0x6;
	s14 =	sadd.s32 s31, s2;
	s5 =	sshll.u32 s5, $0x5  }
0xf: {  	s11 =	sadd.s32 s8, s6;
	s8 =	sor.u32 $0x1C05, s7;
	s12 =	smax.u32 s12, $0x1  }
0x10: {  	s13 =	sadd.s32 s5, s6;
	s5 =	sadd.s32 $0xE000, s6;
	s6 =	simm.s32 $0x49  }
0x11: {  	s14 =	sshrl.u32 s14, $0x3;
	s11 =	sadd.s32 $0x75000, s11;
	s6 =	simm.s32 @!p0 $0x5  }
0x12: {  	s9 =	sadd.s32 $0x61000, s13;
	s10 =	sadd.s32 $0x61020, s13;
	s13 =	sadd.s32 $0x61060, s13  }
.LBB2_1:
0x13: {  	[spmem:s14], [sflag:s8] =	dma.local [hbm:s5], $0x2800  }
0x14: {  	[tilespmem:s3], [sflag:$0x3] =	stream.linear.gather [hbm4b:s9+s3], $0x100, $0x38;
	[tilespmem:$0x1C200] =	vst v63  }
0x15: {  	_ =	swait.ge [sflag:s15], $0x100  }
0x16: {  	[sflag:s15] =	ssyncset.done $0x0  }
0x17: {  	[sflag:s15] =	ssyncadd.s32 $0xFFFFFF00  }
0x18: {  	[tilespmem:s16], [sflag:$0x4] =	stream.linear.gather [hbm4b:s10+s3], $0x100, $0x38;
	[tilespmem:$0x1C200] =	vst v63  }
0x19: {  	_ =	swait.ge [sflag:s17], $0x2800  }
0x1a: {  	[sflag:s17] =	ssyncset.done $0x0  }
0x1b: {  	[sflag:s17] =	ssyncadd.s32 $0xFFFFD800  }
0x1c: {  	[bflag:$0x0] =	sbarrier.arrive $0xFFFF  }
0x1d: {  	[tilespmem:s19], [sflag:$0x1] =	stream.indirect.gather [hbm4b:s4+s18], $0x80, s3, s18, $0xb8;
	[tilespmem:$0x1C200] =	vst v63  }
0x1e: {  	_ =	swait.ge [sflag:s20], $0x4000  }
0x1f: {  	[sflag:s20] =	ssyncset.done $0x0  }
0x20: {  	[sflag:s20] =	ssyncadd.s32 $0xFFFFC000  }
0x21: {  	_ =	swait.ge [sflag:s21], $0x100  }
0x22: {  	[sflag:s21] =	ssyncset.done $0x0  }
0x23: {  	[sflag:s21] =	ssyncadd.s32 $0xFFFFFF00  }
0x24: {  	[tilespmem:s22], [sflag:$0x2] =	stream.indirect.gather [hbm4b:s4+s18], $0x80, s16, s18, $0xb8;
	[tilespmem:$0x1C200] =	vst v63  }
0x25: {  	_ = 	snop  }
0x26: {  	[spmem:s2] =	stream.indirect.scatter.add.f32 [tilespmem:s19], [sflag:$0x7], $0x80, s18, s18, $0xb8;
	[tilespmem:$0x1C200] =	vst v63  }
0x27: {  	_ =	swait.ge [sflag:s23], $0x4000  }
0x28: {  	[sflag:s23] =	ssyncset.done $0x0  }
0x29: {  	s29 =	sadd.s32 $0xFFFFFFE0, s13;
	[sflag:s23] =	ssyncadd.s32 $0xFFFFC000  }
0x2a: {  	[tilespmem:s3], [sflag:$0x3] =	stream.linear.gather [hbm4b:s29+s3], $0x100, $0x38;
	[tilespmem:$0x1C200] =	vst v63  }
0x2b: {  	_ =	swait.ge [sflag:s24], $0x4000  }
0x2c: {  	[sflag:s24] =	ssyncset.done $0x0  }
0x2d: {  	[sflag:s24] =	ssyncadd.s32 $0xFFFFC000  }
0x2e: {  	_ =	swait.ge [sflag:s15], $0x100  }
0x2f: {  	[sflag:s15] =	ssyncset.done $0x0  }
0x30: {  	p0 =	sne.s32 s6, $0x1;
	[sflag:s15] =	ssyncadd.s32 $0xFFFFFF00  }
0x31: {  	[tilespmem:s19], [sflag:$0x1] =	stream.indirect.gather [hbm4b:s4+s18], $0x80, s3, s18, $0xb8;
	[tilespmem:$0x1C200] =	vst v63  }
.Ltmp0:
0x32: {  	_ = 	snop;
	(pc) =	sbr.rel @!p0 .LBB2_3-.Ltmp0, $4  }
0x33: {  	[spmem:s2] =	stream.indirect.scatter.add.f32 [tilespmem:s22], [sflag:$0x7], $0x80, s25, s18, $0xb8;
	[tilespmem:$0x1C200] =	vst v63  }
0x34: {  	_ =	swait.ge [sflag:s23], $0x4000  }
0x35: {  	s30 =	sadd.s32 $0x40, s13;
	[sflag:s23] =	ssyncset.done $0x0  }
0x36: {  	s31 =	smov.u32 s13;
	s29 =	simm.s32 $0x1;
	[sflag:s23] =	ssyncadd.s32 $0xFFFFC000  }
.LBB2_2:
0x37: {  	[tilespmem:s16], [sflag:$0x4] =	stream.linear.gather [hbm4b:s31+s3], $0x100, $0x38;
	[tilespmem:$0x1C200] =	vst v63  }
0x38: {  	s29 =	sadd.s32 $0x1, s29;
	s31 =	smov.u32 s30;
	_ =	swait.ge [sflag:s20], $0x4000  }
0x39: {  	p0 =	sne.s32 s6, s29;
	[sflag:s20] =	ssyncset.done $0x0  }
0x3a: {  	[sflag:s20] =	ssyncadd.s32 $0xFFFFC000  }
0x3b: {  	_ =	swait.ge [sflag:s21], $0x100  }
0x3c: {  	[sflag:s21] =	ssyncset.done $0x0  }
0x3d: {  	[sflag:s21] =	ssyncadd.s32 $0xFFFFFF00  }
0x3e: {  	[tilespmem:s22], [sflag:$0x2] =	stream.indirect.gather [hbm4b:s4+s18], $0x80, s16, s18, $0xb8;
	[tilespmem:$0x1C200] =	vst v63  }
0x3f: {  	_ = 	snop  }
0x40: {  	[spmem:s2] =	stream.indirect.scatter.add.f32 [tilespmem:s19], [sflag:$0x7], $0x80, s18, s18, $0xb8;
	[tilespmem:$0x1C200] =	vst v63  }
0x41: {  	_ =	swait.ge [sflag:s23], $0x4000  }
0x42: {  	[sflag:s23] =	ssyncset.done $0x0  }
0x43: {  	s0 =	sadd.s32 $0xFFFFFFE0, s30;
	[sflag:s23] =	ssyncadd.s32 $0xFFFFC000  }
0x44: {  	[tilespmem:s3], [sflag:$0x3] =	stream.linear.gather [hbm4b:s0+s3], $0x100, $0x38;
	[tilespmem:$0x1C200] =	vst v63  }
0x45: {  	_ =	swait.ge [sflag:s24], $0x4000  }
0x46: {  	[sflag:s24] =	ssyncset.done $0x0  }
0x47: {  	[sflag:s24] =	ssyncadd.s32 $0xFFFFC000  }
0x48: {  	_ =	swait.ge [sflag:s15], $0x100  }
0x49: {  	[sflag:s15] =	ssyncset.done $0x0  }
0x4a: {  	[sflag:s15] =	ssyncadd.s32 $0xFFFFFF00  }
0x4b: {  	[tilespmem:s19], [sflag:$0x1] =	stream.indirect.gather [hbm4b:s4+s18], $0x80, s3, s18, $0xb8;
	[tilespmem:$0x1C200] =	vst v63  }
.Ltmp1:
0x4c: {  	(pc) =	sbr.rel @p0 .LBB2_2-.Ltmp1, $4  }
0x4d: {  	[spmem:s2] =	stream.indirect.scatter.add.f32 [tilespmem:s22], [sflag:$0x7], $0x80, s25, s18, $0xb8;
	[tilespmem:$0x1C200] =	vst v63  }
0x4e: {  	_ =	swait.ge [sflag:s23], $0x4000  }
0x4f: {  	[sflag:s23] =	ssyncset.done $0x0  }
0x50: {  	s30 =	sadd.s32 $0x40, s30;
	[sflag:s23] =	ssyncadd.s32 $0xFFFFC000  }
.LBB2_3:
0x51: {  	[tilespmem:s16], [sflag:$0x4] =	stream.linear.gather [hbm4b:s31+s3], $0x100, $0x38;
	[tilespmem:$0x1C200] =	vst v63  }
0x52: {  	_ =	swait.ge [sflag:s20], $0x4000  }
0x53: {  	[sflag:s20] =	ssyncset.done $0x0  }
0x54: {  	[sflag:s20] =	ssyncadd.s32 $0xFFFFC000  }
0x55: {  	_ =	swait.ge [sflag:s21], $0x100  }
0x56: {  	[sflag:s21] =	ssyncset.done $0x0  }
0x57: {  	[sflag:s21] =	ssyncadd.s32 $0xFFFFFF00  }
0x58: {  	[tilespmem:s22], [sflag:$0x2] =	stream.indirect.gather [hbm4b:s4+s18], $0x80, s16, s18, $0xb8;
	[tilespmem:$0x1C200] =	vst v63  }
0x59: {  	_ = 	snop  }
0x5a: {  	[spmem:s2] =	stream.indirect.scatter.add.f32 [tilespmem:s19], [sflag:$0x7], $0x80, s18, s18, $0xb8;
	[tilespmem:$0x1C200] =	vst v63  }
0x5b: {  	_ =	swait.ge [sflag:s23], $0x4000  }
0x5c: {  	[sflag:s23] =	ssyncset.done $0x0  }
0x5d: {  	[sflag:s23] =	ssyncadd.s32 $0xFFFFC000  }
0x5e: {  	_ =	swait.ge [sflag:s24], $0x4000  }
0x5f: {  	[sflag:s24] =	ssyncset.done $0x0  }
0x60: {  	[sflag:s24] =	ssyncadd.s32 $0xFFFFC000  }
0x61: {  	[spmem:s2] =	stream.indirect.scatter.add.f32 [tilespmem:s22], [sflag:$0x6], $0x80, s25, s18, $0xb8;
	[tilespmem:$0x1C200] =	vst v63  }
0x62: {  	_ =	swait.ge [sflag:s26], $0x4000  }
0x63: {  	s28 =	sadd.s32 $0x1, s28;
	[sflag:s26] =	ssyncset.done $0x0  }
0x64: {  	p0 =	sne.s32 s28, s12;
	[sflag:s26] =	ssyncadd.s32 $0xFFFFC000  }
.Ltmp2:
0x65: {  	s0 =	sor.u32 $0x1C01, s7;
	[bflag:$0x0] =	sbarrier.arrive $0xFFFF;
	(pc) =	sbr.rel @p0 .LBB2_1-.Ltmp2, $4  }
0x66: {  	[hbm:s11], [sflag:s0] =	dma.local [spmem:s14], $0x2800  }
0x67: {  	_ =	swait.ge [sflag:s20], $0x2800  }
0x68: {  	[sflag:s20] =	ssyncset.done $0x0  }
0x69: {  	[sflag:s20] =	ssyncadd.s32 $0xFFFFD800  }
0x6a: {  	_ =	sfence.sel $0x180000  }
0x6b: {  	[bflag:$0x0] =	sbarrier.arrive $0xFFFF  }
0x6c: {  	_ =	strace $0x90000050  }
0x6d: {  	[bflag:$0x2] =	sbarrier.arrive $0xFFFF  }
0x6e: {  	p0 =	sne.s32 s1, $0x0;
	s0 =	rddreg [dreg:$0x2]  }
0x6f: {  	s0 =	sadd.s32 @!p0 $0x100000, s0  }
0x70: {  	[sflag:s0] =	ssyncadd.tile.s32 @!p0 $0x1;
	_ =	shalt  }
.Lfunc_end2:
_tile_overlayer_lowered:
.L_overlay_start_2:
0x71: {  	(tag) =	ssettag $0x2  }
0x72: {  	s0 =	rddreg [dreg:$0x0];
	s2 =	stileid.u32  }
0x73: {  	s1 =	rddreg [dreg:$0x1];
	p0 =	sne.s32 s2, $0x0  }
0x74: {  	s3 =	rddreg [dreg:$0x2];
	[bflag:$0x3] =	sbarrier.arrive $0xFFFF;
	s2 =	simm.s32 @!p0 $0x1C06  }
0x75: {  	[timem:s3], [sflag:s2] =	dma.local @!p0 [hbm:s0], s1  }
0x76: {  	s0 =	simm.s32 @!p0 $0x6  }
0x77: {  	_ =	swait.ge @!p0 [sflag:s0], s1  }
0x78: {  	s1 =	ssub.s32 @!p0 $0x0, s1;
	[sflag:s0] =	ssyncset.done @!p0 $0x0  }
0x79: {  	[sflag:s0] =	ssyncadd.s32 @!p0 s1  }
0x7a: {  	[bflag:$0x3] =	sbarrier.arrive $0xFFFF  }
0x7b: {  	_ =	shalt  }

</sc_bundles>
